<compile_context>
chip_gen: v7x
topology: tpu7x:2x2x1
jax: 0.10.2.dev20260603
libtpu: 0.0.44.dev20260713+nightly
codegen_flags: <defaults>
</compile_context>

<pallas_src>
import functools

import jax
import jax.numpy as jnp
from jax import lax
from jax.experimental import pallas as pl
from jax.experimental.pallas import tpu as pltpu
from jax.experimental.pallas import tpu_sc as plsc

N = 10000
E = 320000
D = 128
H = 32
C = 10
CP = 16
NAGG = 10240
NC = 2
NS = 16
NW = NC * NS
EB = 128
NBUF = 4
NBLK = E // EB
NB_LO = (NBLK // NW) // NBUF * NBUF
NB_HI = NB_LO + NBUF
NB_HI_TILES = (NBLK - NB_LO * NW) // NBUF
ROWS_PER_TILE = NAGG // NS


def _tc_project(x, wa, wb):
    def body(x_ref, wa_ref, wb_ref, oa_ref, ob_ref):
        xv = x_ref[...]
        dn = (((1,), (1,)), ((), ()))
        oa_ref[...] = lax.dot_general(xv, wa_ref[...], dn,
                                      preferred_element_type=jnp.float32)
        ob_ref[...] = lax.dot_general(xv, wb_ref[...], dn,
                                      preferred_element_type=jnp.float32)
    m = x.shape[0]
    return pl.pallas_call(
        body,
        out_shape=(jax.ShapeDtypeStruct((m, wa.shape[0]), jnp.float32),
                   jax.ShapeDtypeStruct((m, wb.shape[0]), jnp.float32)),
    )(x, wa, wb)


def _tc_layer2(p0, p1, xroot, b1, w2rel, w2root):
    def body(p0_ref, p1_ref, xroot_ref, b1_ref, wr_ref, wo_ref,
             hr_ref, hroot_ref):
        agg = p0_ref[pl.ds(0, N), :] + p1_ref[pl.ds(0, N), :]
        h = jnp.maximum(agg + xroot_ref[...] + b1_ref[...], 0.0)
        dn = (((1,), (1,)), ((), ()))
        hr_ref[...] = lax.dot_general(h, wr_ref[...], dn,
                                      preferred_element_type=jnp.float32)
        hroot_ref[...] = lax.dot_general(h, wo_ref[...], dn,
                                         preferred_element_type=jnp.float32)
    return pl.pallas_call(
        body,
        out_shape=(jax.ShapeDtypeStruct((N, CP), jnp.float32),
                   jax.ShapeDtypeStruct((N, CP), jnp.float32)),
    )(p0, p1, xroot, b1, w2rel, w2root)


def _tc_loss(p0, p1, hroot, b2, y2d):
    def body(p0_ref, p1_ref, hroot_ref, b2_ref, y_ref, o_ref):
        agg = p0_ref[pl.ds(0, N), :] + p1_ref[pl.ds(0, N), :]
        logits = agg + hroot_ref[...] + b2_ref[...]
        col = lax.broadcasted_iota(jnp.int32, logits.shape, 1)
        lm = jnp.where(col < C, logits, -1e30)
        mx = jnp.max(lm, axis=1, keepdims=True)
        ex = jnp.exp(lm - mx)
        lse = jnp.log(jnp.sum(ex, axis=1, keepdims=True)) + mx
        picked = jnp.sum(jnp.where(col == y_ref[...], lm, 0.0),
                         axis=1, keepdims=True)
        o_ref[...] = (jnp.sum(lse - picked) * (1.0 / N)).reshape(1, 1)
    return pl.pallas_call(
        body,
        out_shape=jax.ShapeDtypeStruct((1, 1), jnp.float32),
    )(p0, p1, hroot, b2, y2d)


def _make_sc_segsum(width):
    mesh = plsc.VectorSubcoreMesh(
        core_axis_name="c", subcore_axis_name="s",
        num_cores=NC, num_subcores=NS)

    @functools.partial(
        pl.kernel, mesh=mesh,
        out_type=jax.ShapeDtypeStruct((NC, NAGG, width), jnp.float32),
        scratch_types=[
            pltpu.VMEM((NB_HI, EB), jnp.int32),
            pltpu.VMEM((NB_HI, EB), jnp.int32),
            [pltpu.VMEM((EB, width), jnp.float32)] * NBUF,
            pltpu.VMEM((ROWS_PER_TILE, width), jnp.float32),
            pltpu.VMEM_SHARED((NAGG, width), jnp.float32),
            [pltpu.SemaphoreType.DMA] * NBUF,
            [pltpu.SemaphoreType.DMA] * NBUF,
        ],
        compiler_params=pltpu.CompilerParams(use_tc_tiling_on_sc=False),
    )
    def k(table_hbm, src_hbm, dst_hbm, zeros_hbm,
          out_hbm, src_v, dst_v, rows, stage_v, agg_sh, gsem, ssem):
        cid = lax.axis_index("c")
        sid = lax.axis_index("s")
        wid = cid * NS + sid
        r0 = sid * ROWS_PER_TILE
        b0 = wid * NB_LO + jnp.minimum(wid, NB_HI_TILES) * NBUF
        nbt = jnp.where(wid < NB_HI_TILES, NB_HI, NB_LO)
        e0 = jnp.minimum(b0 + NB_LO, NBLK - NBUF)
        pltpu.async_copy(src_hbm.at[pl.ds(b0, NB_LO)],
                         src_v.at[pl.ds(0, NB_LO)], gsem[0])
        pltpu.async_copy(dst_hbm.at[pl.ds(b0, NB_LO)],
                         dst_v.at[pl.ds(0, NB_LO)], gsem[1])
        pltpu.async_copy(src_hbm.at[pl.ds(e0, NBUF)],
                         src_v.at[pl.ds(NB_LO, NBUF)], gsem[2])
        pltpu.async_copy(dst_hbm.at[pl.ds(e0, NBUF)],
                         dst_v.at[pl.ds(NB_LO, NBUF)], gsem[3])
        pltpu.sync_copy(zeros_hbm, stage_v)
        pltpu.sync_copy(stage_v, agg_sh.at[pl.ds(r0, ROWS_PER_TILE)])
        pltpu.make_async_copy(src_hbm.at[pl.ds(b0, NB_LO)],
                              src_v.at[pl.ds(0, NB_LO)], gsem[0]).wait()
        pltpu.make_async_copy(dst_hbm.at[pl.ds(b0, NB_LO)],
                              dst_v.at[pl.ds(0, NB_LO)], gsem[1]).wait()
        pltpu.make_async_copy(src_hbm.at[pl.ds(e0, NBUF)],
                              src_v.at[pl.ds(NB_LO, NBUF)], gsem[2]).wait()
        pltpu.make_async_copy(dst_hbm.at[pl.ds(e0, NBUF)],
                              dst_v.at[pl.ds(NB_LO, NBUF)], gsem[3]).wait()
        plsc.subcore_barrier()

        def gather(j, b):
            pltpu.async_copy(table_hbm.at[src_v.at[j]], rows[b], gsem[b])

        def wait_gather(j, b):
            pltpu.make_async_copy(
                table_hbm.at[src_v.at[j]], rows[b], gsem[b]).wait()

        def scatter(j, b):
            pltpu.async_copy(
                rows[b], agg_sh.at[dst_v.at[j]], ssem[b], add=True)

        def wait_scatter(j, b):
            pltpu.make_async_copy(
                rows[b], agg_sh.at[dst_v.at[j]], ssem[b]).wait()

        for b in range(NBUF):
            gather(b, b)
        @pl.loop(0, nbt - NBUF, step=NBUF)
        def _(i):
            for b in range(NBUF):
                wait_gather(i + b, b)
                scatter(i + b, b)
            for b in range(NBUF):
                wait_scatter(i + b, b)
                gather(i + NBUF + b, b)
        for b in range(NBUF):
            wait_gather(nbt - NBUF + b, b)
            scatter(nbt - NBUF + b, b)
        for b in range(NBUF):
            wait_scatter(nbt - NBUF + b, b)

        plsc.subcore_barrier()
        pltpu.sync_copy(agg_sh.at[pl.ds(r0, ROWS_PER_TILE)], stage_v)
        pltpu.sync_copy(stage_v, out_hbm.at[cid, pl.ds(r0, ROWS_PER_TILE)])

    return k


_make_sc_segsum = functools.lru_cache(maxsize=None)(_make_sc_segsum)


def kernel(x, edge_index, y, W1_rel, b1_rel, W1_root, W2_rel, b2_rel, W2_root):
    src_b = edge_index[0].reshape(NBLK, EB)
    dst_b = edge_index[1].reshape(NBLK, EB)
    y2d = y.reshape(N, 1)
    b1_2d = b1_rel.reshape(1, H)
    w2rel_p = jnp.pad(W2_rel, ((0, CP - C), (0, 0)))
    w2root_p = jnp.pad(W2_root, ((0, CP - C), (0, 0)))
    b2_2d = jnp.pad(b2_rel, (0, CP - C)).reshape(1, CP)
    zeros_h = jnp.zeros((ROWS_PER_TILE, H), jnp.float32)
    zeros_c = jnp.zeros((ROWS_PER_TILE, CP), jnp.float32)

    xr, xroot = _tc_project(x, W1_rel, W1_root)
    part1 = _make_sc_segsum(H)(xr, src_b, dst_b, zeros_h)
    hr, hroot = _tc_layer2(part1[0], part1[1], xroot, b1_2d,
                           w2rel_p, w2root_p)
    part2 = _make_sc_segsum(CP)(hr, src_b, dst_b, zeros_c)
    loss2d = _tc_loss(part2[0], part2[1], hroot, b2_2d, y2d)
    return (loss2d[0, 0],)

# --- scband reference (transcript-rebuilt; emitter-appended) ---
"""Pipeline reference for scband-test-module-18064632447372 (READ-ONLY COPY).

The authoritative reference and input builder live on the scoring server;
editing this copy changes nothing except your own understanding.
"""

import jax, jax.numpy as jnp
import numpy as np

N = 10000
E = 320000
D = 128
H = 32
C = 10


def setup_inputs(seed: int = 0) -> dict:
    key = jax.random.key(seed)
    ks = jax.random.split(key, 8)
    x = jax.random.normal(ks[0], (N, D), dtype=jnp.float32)
    edge_index = jax.random.randint(ks[1], (2, E), 0, N, dtype=jnp.int32)
    y = jax.random.randint(ks[2], (N,), 0, C, dtype=jnp.int32)
    def _w(k, shp, fan):
        return jax.random.normal(k, shp, dtype=jnp.float32) * (1.0 / np.sqrt(fan))
    W1_rel = _w(ks[3], (H, D), D)
    b1_rel = jnp.zeros((H,), dtype=jnp.float32)
    W1_root = _w(ks[4], (H, D), D)
    W2_rel = _w(ks[5], (C, H), H)
    b2_rel = jnp.zeros((C,), dtype=jnp.float32)
    W2_root = _w(ks[6], (C, H), H)
    return {"x": x, "edge_index": edge_index, "y": y,
            "W1_rel": W1_rel, "b1_rel": b1_rel, "W1_root": W1_root,
            "W2_rel": W2_rel, "b2_rel": b2_rel, "W2_root": W2_root}


def _graph_conv(x, edge_index, W_rel, b_rel, W_root):
    # PyG GraphConv: out = lin_rel(sum_{j in N(i)} x_j) + lin_root(x_i)
    src = edge_index[0]
    dst = edge_index[1]
    msgs = jnp.take(x, src, axis=0)
    agg = jax.ops.segment_sum(msgs, dst, num_segments=x.shape[0])
    return agg @ W_rel.T + b_rel + x @ W_root.T


def _cross_entropy(logits, y):
    logp = jax.nn.log_softmax(logits, axis=-1)
    nll = -jnp.take_along_axis(logp, y[:, None].astype(jnp.int32), axis=1)[:, 0]
    return jnp.mean(nll)


def reference(x, edge_index, y, W1_rel, b1_rel, W1_root, W2_rel, b2_rel, W2_root):
    h = jax.nn.relu(_graph_conv(x, edge_index, W1_rel, b1_rel, W1_root))
    logits = _graph_conv(h, edge_index, W2_rel, b2_rel, W2_root)
    loss = _cross_entropy(logits, y)
    return (loss,)

if __name__ == "__main__":
    import jax
    _d = setup_inputs()
    print(jax.jit(kernel)(*tuple(_d.values())))

</pallas_src>

<mosaic_0001>
#map = affine_map<(d0, d1) -> (0, 0)>
#map1 = affine_map<(d0, d1) -> (0, 0, 0)>
module attributes {stable_mosaic.version = 14 : i64} {
  func.func @k(%arg0: i32, %arg1: i32, %arg2: memref<10000x32xf32, #tpu.memory_space<hbm>>, %arg3: memref<2500x128xi32, #tpu.memory_space<hbm>>, %arg4: memref<2500x128xi32, #tpu.memory_space<hbm>>, %arg5: memref<640x32xf32, #tpu.memory_space<hbm>>, %arg6: memref<2x10240x32xf32, #tpu.memory_space<hbm>>, %arg7: memref<80x128xi32, #tpu.memory_space<vmem>>, %arg8: memref<80x128xi32, #tpu.memory_space<vmem>>, %arg9: memref<128x32xf32, #tpu.memory_space<vmem>>, %arg10: memref<128x32xf32, #tpu.memory_space<vmem>>, %arg11: memref<128x32xf32, #tpu.memory_space<vmem>>, %arg12: memref<128x32xf32, #tpu.memory_space<vmem>>, %arg13: memref<640x32xf32, #tpu.memory_space<vmem>>, %arg14: memref<10240x32xf32, #tpu.memory_space<vmem_shared>>, %arg15: memref<!tpu.dma_semaphore, #tpu.memory_space<semaphore_mem>>, %arg16: memref<!tpu.dma_semaphore, #tpu.memory_space<semaphore_mem>>, %arg17: memref<!tpu.dma_semaphore, #tpu.memory_space<semaphore_mem>>, %arg18: memref<!tpu.dma_semaphore, #tpu.memory_space<semaphore_mem>>, %arg19: memref<!tpu.dma_semaphore, #tpu.memory_space<semaphore_mem>>, %arg20: memref<!tpu.dma_semaphore, #tpu.memory_space<semaphore_mem>>, %arg21: memref<!tpu.dma_semaphore, #tpu.memory_space<semaphore_mem>>, %arg22: memref<!tpu.dma_semaphore, #tpu.memory_space<semaphore_mem>>) attributes {dimension_semantics = [#tpu.dimension_semantics<core_parallel>, #tpu.dimension_semantics<subcore_parallel>], iteration_bounds = array<i64: 2, 16>, scalar_prefetch = 0 : i64, scratch_operands = 16 : i64, tpu.core_type = #tpu.core_type<sc_vector_subcore>, window_params = [{transform_indices = #map}, {transform_indices = #map}, {transform_indices = #map}, {transform_indices = #map}, {transform_indices = #map1}]} {
    %mul3A = arith.constant 16 : i32
    %mul3A_0 = arith.muli %arg0, %mul3A : i32
    %add3A = arith.addi %mul3A_0, %arg1 : i32
    %mul3A_1 = arith.constant 640 : i32
    %mul3A_2 = arith.muli %arg1, %mul3A_1 : i32
    %mul3A_3 = arith.constant 76 : i32
    %mul3A_4 = arith.muli %add3A, %mul3A_3 : i32
    %min3A = arith.constant 17 : i32
    %min3A_5 = arith.minsi %add3A, %min3A : i32
    %mul3A_6 = arith.constant 4 : i32
    %mul3A_7 = arith.muli %min3A_5, %mul3A_6 : i32
    %add3A_8 = arith.addi %mul3A_4, %mul3A_7 : i32
    %lt3A = arith.constant 17 : i32
    %lt3A_9 = arith.cmpi slt, %add3A, %lt3A : i32
    %jit3A = arith.constant 80 : i32
    %jit3A_10 = arith.constant 76 : i32
    %select_n3A = arith.select %lt3A_9, %jit3A, %jit3A_10 : i32
    %add3A_11 = arith.constant 76 : i32
    %add3A_12 = arith.addi %add3A_8, %add3A_11 : i32
    %min3A_13 = arith.constant 2496 : i32
    %min3A_14 = arith.minsi %add3A_12, %min3A_13 : i32
    %dma_start3A = arith.constant 0 : i32
    %dma_start3A_15 = arith.constant 0 : i32
    %dma_start3A_16 = tpu.memref_slice %arg7[%dma_start3A, %dma_start3A_15] : memref<80x128xi32, #tpu.memory_space<vmem>> -> memref<76x128xi32, #tpu.memory_space<vmem>>
    %dma_start3A_17 = arith.constant 0 : i32
    %dma_start3A_18 = tpu.memref_slice %arg3[%add3A_8, %dma_start3A_17] : memref<2500x128xi32, #tpu.memory_space<hbm>> -> memref<76x128xi32, #tpu.memory_space<hbm>>
    %dma_start3A_19 = arith.constant 0 : i32
    %dma_start3A_20 = arith.constant 0 : i32
    %dma_start3A_21 = tpu.memref_slice %arg7[%dma_start3A_19, %dma_start3A_20] : memref<80x128xi32, #tpu.memory_space<vmem>> -> memref<76x128xi32, #tpu.memory_space<vmem>>
    %dma_start3A_22 = arith.constant 0 : i32
    %dma_start3A_23 = tpu.memref_slice %arg3[%add3A_8, %dma_start3A_22] : memref<2500x128xi32, #tpu.memory_space<hbm>> -> memref<76x128xi32, #tpu.memory_space<hbm>>
    tpu.enqueue_dma source(%dma_start3A_23 : memref<76x128xi32, #tpu.memory_space<hbm>>) target(%dma_start3A_21 : memref<76x128xi32, #tpu.memory_space<vmem>>) target_semaphore(%arg15 : memref<!tpu.dma_semaphore, #tpu.memory_space<semaphore_mem>>)
    %dma_start3A_24 = arith.constant 0 : i32
    %dma_start3A_25 = arith.constant 0 : i32
    %dma_start3A_26 = tpu.memref_slice %arg8[%dma_start3A_24, %dma_start3A_25] : memref<80x128xi32, #tpu.memory_space<vmem>> -> memref<76x128xi32, #tpu.memory_space<vmem>>
    %dma_start3A_27 = arith.constant 0 : i32
    %dma_start3A_28 = tpu.memref_slice %arg4[%add3A_8, %dma_start3A_27] : memref<2500x128xi32, #tpu.memory_space<hbm>> -> memref<76x128xi32, #tpu.memory_space<hbm>>
    %dma_start3A_29 = arith.constant 0 : i32
    %dma_start3A_30 = arith.constant 0 : i32
    %dma_start3A_31 = tpu.memref_slice %arg8[%dma_start3A_29, %dma_start3A_30] : memref<80x128xi32, #tpu.memory_space<vmem>> -> memref<76x128xi32, #tpu.memory_space<vmem>>
    %dma_start3A_32 = arith.constant 0 : i32
    %dma_start3A_33 = tpu.memref_slice %arg4[%add3A_8, %dma_start3A_32] : memref<2500x128xi32, #tpu.memory_space<hbm>> -> memref<76x128xi32, #tpu.memory_space<hbm>>
    tpu.enqueue_dma source(%dma_start3A_33 : memref<76x128xi32, #tpu.memory_space<hbm>>) target(%dma_start3A_31 : memref<76x128xi32, #tpu.memory_space<vmem>>) target_semaphore(%arg16 : memref<!tpu.dma_semaphore, #tpu.memory_space<semaphore_mem>>)
    %dma_start3A_34 = arith.constant 76 : i32
    %dma_start3A_35 = arith.constant 0 : i32
    %dma_start3A_36 = tpu.memref_slice %arg7[%dma_start3A_34, %dma_start3A_35] : memref<80x128xi32, #tpu.memory_space<vmem>> -> memref<4x128xi32, #tpu.memory_space<vmem>>
    %dma_start3A_37 = arith.constant 0 : i32
    %dma_start3A_38 = tpu.memref_slice %arg3[%min3A_14, %dma_start3A_37] : memref<2500x128xi32, #tpu.memory_space<hbm>> -> memref<4x128xi32, #tpu.memory_space<hbm>>
    %dma_start3A_39 = arith.constant 76 : i32
    %dma_start3A_40 = arith.constant 0 : i32
    %dma_start3A_41 = tpu.memref_slice %arg7[%dma_start3A_39, %dma_start3A_40] : memref<80x128xi32, #tpu.memory_space<vmem>> -> memref<4x128xi32, #tpu.memory_space<vmem>>
    %dma_start3A_42 = arith.constant 0 : i32
    %dma_start3A_43 = tpu.memref_slice %arg3[%min3A_14, %dma_start3A_42] : memref<2500x128xi32, #tpu.memory_space<hbm>> -> memref<4x128xi32, #tpu.memory_space<hbm>>
    tpu.enqueue_dma source(%dma_start3A_43 : memref<4x128xi32, #tpu.memory_space<hbm>>) target(%dma_start3A_41 : memref<4x128xi32, #tpu.memory_space<vmem>>) target_semaphore(%arg17 : memref<!tpu.dma_semaphore, #tpu.memory_space<semaphore_mem>>)
    %dma_start3A_44 = arith.constant 76 : i32
    %dma_start3A_45 = arith.constant 0 : i32
    %dma_start3A_46 = tpu.memref_slice %arg8[%dma_start3A_44, %dma_start3A_45] : memref<80x128xi32, #tpu.memory_space<vmem>> -> memref<4x128xi32, #tpu.memory_space<vmem>>
    %dma_start3A_47 = arith.constant 0 : i32
    %dma_start3A_48 = tpu.memref_slice %arg4[%min3A_14, %dma_start3A_47] : memref<2500x128xi32, #tpu.memory_space<hbm>> -> memref<4x128xi32, #tpu.memory_space<hbm>>
    %dma_start3A_49 = arith.constant 76 : i32
    %dma_start3A_50 = arith.constant 0 : i32
    %dma_start3A_51 = tpu.memref_slice %arg8[%dma_start3A_49, %dma_start3A_50] : memref<80x128xi32, #tpu.memory_space<vmem>> -> memref<4x128xi32, #tpu.memory_space<vmem>>
    %dma_start3A_52 = arith.constant 0 : i32
    %dma_start3A_53 = tpu.memref_slice %arg4[%min3A_14, %dma_start3A_52] : memref<2500x128xi32, #tpu.memory_space<hbm>> -> memref<4x128xi32, #tpu.memory_space<hbm>>
    tpu.enqueue_dma source(%dma_start3A_53 : memref<4x128xi32, #tpu.memory_space<hbm>>) target(%dma_start3A_51 : memref<4x128xi32, #tpu.memory_space<vmem>>) target_semaphore(%arg18 : memref<!tpu.dma_semaphore, #tpu.memory_space<semaphore_mem>>)
    "tpu.region"() ({
      %run_scoped3A = tpu.sem_alloc : memref<!tpu.dma_semaphore, #tpu.memory_space<semaphore_mem>>
      tpu.enqueue_dma source(%arg5 : memref<640x32xf32, #tpu.memory_space<hbm>>) target(%arg13 : memref<640x32xf32, #tpu.memory_space<vmem>>) target_semaphore(%run_scoped3A : memref<!tpu.dma_semaphore, #tpu.memory_space<semaphore_mem>>)
      tpu.wait_dma2 semaphore(%run_scoped3A : memref<!tpu.dma_semaphore, #tpu.memory_space<semaphore_mem>>) src(%arg5 : memref<640x32xf32, #tpu.memory_space<hbm>>) dst(%arg13 : memref<640x32xf32, #tpu.memory_space<vmem>>)
      tpu.yield
    }) : () -> ()
    "tpu.region"() ({
      %run_scoped3A = tpu.sem_alloc : memref<!tpu.dma_semaphore, #tpu.memory_space<semaphore_mem>>
      %dma_start3A_260 = arith.constant 0 : i32
      %dma_start3A_261 = tpu.memref_slice %arg14[%mul3A_2, %dma_start3A_260] : memref<10240x32xf32, #tpu.memory_space<vmem_shared>> -> memref<640x32xf32, #tpu.memory_space<vmem_shared>>
      %dma_start3A_262 = arith.constant 0 : i32
      %dma_start3A_263 = tpu.memref_slice %arg14[%mul3A_2, %dma_start3A_262] : memref<10240x32xf32, #tpu.memory_space<vmem_shared>> -> memref<640x32xf32, #tpu.memory_space<vmem_shared>>
      tpu.enqueue_dma source(%arg13 : memref<640x32xf32, #tpu.memory_space<vmem>>) target(%dma_start3A_263 : memref<640x32xf32, #tpu.memory_space<vmem_shared>>) target_semaphore(%run_scoped3A : memref<!tpu.dma_semaphore, #tpu.memory_space<semaphore_mem>>)
      %dma_wait3A_264 = arith.constant 0 : i32
      %dma_wait3A_265 = tpu.memref_slice %arg14[%mul3A_2, %dma_wait3A_264] : memref<10240x32xf32, #tpu.memory_space<vmem_shared>> -> memref<640x32xf32, #tpu.memory_space<vmem_shared>>
      %dma_wait3A_266 = arith.constant 0 : i32
      %dma_wait3A_267 = tpu.memref_slice %arg14[%mul3A_2, %dma_wait3A_266] : memref<10240x32xf32, #tpu.memory_space<vmem_shared>> -> memref<640x32xf32, #tpu.memory_space<vmem_shared>>
      tpu.wait_dma2 semaphore(%run_scoped3A : memref<!tpu.dma_semaphore, #tpu.memory_space<semaphore_mem>>) src(%arg13 : memref<640x32xf32, #tpu.memory_space<vmem>>) dst(%dma_wait3A_267 : memref<640x32xf32, #tpu.memory_space<vmem_shared>>)
      tpu.yield
    }) : () -> ()
    %dma_wait3A = arith.constant 0 : i32
    %dma_wait3A_54 = arith.constant 0 : i32
    %dma_wait3A_55 = tpu.memref_slice %arg7[%dma_wait3A, %dma_wait3A_54] : memref<80x128xi32, #tpu.memory_space<vmem>> -> memref<76x128xi32, #tpu.memory_space<vmem>>
    %dma_wait3A_56 = arith.constant 0 : i32
    %dma_wait3A_57 = tpu.memref_slice %arg3[%add3A_8, %dma_wait3A_56] : memref<2500x128xi32, #tpu.memory_space<hbm>> -> memref<76x128xi32, #tpu.memory_space<hbm>>
    %dma_wait3A_58 = arith.constant 0 : i32
    %dma_wait3A_59 = arith.constant 0 : i32
    %dma_wait3A_60 = tpu.memref_slice %arg7[%dma_wait3A_58, %dma_wait3A_59] : memref<80x128xi32, #tpu.memory_space<vmem>> -> memref<76x128xi32, #tpu.memory_space<vmem>>
    %dma_wait3A_61 = arith.constant 0 : i32
    %dma_wait3A_62 = tpu.memref_slice %arg3[%add3A_8, %dma_wait3A_61] : memref<2500x128xi32, #tpu.memory_space<hbm>> -> memref<76x128xi32, #tpu.memory_space<hbm>>
    tpu.wait_dma2 semaphore(%arg15 : memref<!tpu.dma_semaphore, #tpu.memory_space<semaphore_mem>>) src(%dma_wait3A_62 : memref<76x128xi32, #tpu.memory_space<hbm>>) dst(%dma_wait3A_60 : memref<76x128xi32, #tpu.memory_space<vmem>>)
    %dma_wait3A_63 = arith.constant 0 : i32
    %dma_wait3A_64 = arith.constant 0 : i32
    %dma_wait3A_65 = tpu.memref_slice %arg8[%dma_wait3A_63, %dma_wait3A_64] : memref<80x128xi32, #tpu.memory_space<vmem>> -> memref<76x128xi32, #tpu.memory_space<vmem>>
    %dma_wait3A_66 = arith.constant 0 : i32
    %dma_wait3A_67 = tpu.memref_slice %arg4[%add3A_8, %dma_wait3A_66] : memref<2500x128xi32, #tpu.memory_space<hbm>> -> memref<76x128xi32, #tpu.memory_space<hbm>>
    %dma_wait3A_68 = arith.constant 0 : i32
    %dma_wait3A_69 = arith.constant 0 : i32
    %dma_wait3A_70 = tpu.memref_slice %arg8[%dma_wait3A_68, %dma_wait3A_69] : memref<80x128xi32, #tpu.memory_space<vmem>> -> memref<76x128xi32, #tpu.memory_space<vmem>>
    %dma_wait3A_71 = arith.constant 0 : i32
    %dma_wait3A_72 = tpu.memref_slice %arg4[%add3A_8, %dma_wait3A_71] : memref<2500x128xi32, #tpu.memory_space<hbm>> -> memref<76x128xi32, #tpu.memory_space<hbm>>
    tpu.wait_dma2 semaphore(%arg16 : memref<!tpu.dma_semaphore, #tpu.memory_space<semaphore_mem>>) src(%dma_wait3A_72 : memref<76x128xi32, #tpu.memory_space<hbm>>) dst(%dma_wait3A_70 : memref<76x128xi32, #tpu.memory_space<vmem>>)
    %dma_wait3A_73 = arith.constant 76 : i32
    %dma_wait3A_74 = arith.constant 0 : i32
    %dma_wait3A_75 = tpu.memref_slice %arg7[%dma_wait3A_73, %dma_wait3A_74] : memref<80x128xi32, #tpu.memory_space<vmem>> -> memref<4x128xi32, #tpu.memory_space<vmem>>
    %dma_wait3A_76 = arith.constant 0 : i32
    %dma_wait3A_77 = tpu.memref_slice %arg3[%min3A_14, %dma_wait3A_76] : memref<2500x128xi32, #tpu.memory_space<hbm>> -> memref<4x128xi32, #tpu.memory_space<hbm>>
    %dma_wait3A_78 = arith.constant 76 : i32
    %dma_wait3A_79 = arith.constant 0 : i32
    %dma_wait3A_80 = tpu.memref_slice %arg7[%dma_wait3A_78, %dma_wait3A_79] : memref<80x128xi32, #tpu.memory_space<vmem>> -> memref<4x128xi32, #tpu.memory_space<vmem>>
    %dma_wait3A_81 = arith.constant 0 : i32
    %dma_wait3A_82 = tpu.memref_slice %arg3[%min3A_14, %dma_wait3A_81] : memref<2500x128xi32, #tpu.memory_space<hbm>> -> memref<4x128xi32, #tpu.memory_space<hbm>>
    tpu.wait_dma2 semaphore(%arg17 : memref<!tpu.dma_semaphore, #tpu.memory_space<semaphore_mem>>) src(%dma_wait3A_82 : memref<4x128xi32, #tpu.memory_space<hbm>>) dst(%dma_wait3A_80 : memref<4x128xi32, #tpu.memory_space<vmem>>)
    %dma_wait3A_83 = arith.constant 76 : i32
    %dma_wait3A_84 = arith.constant 0 : i32
    %dma_wait3A_85 = tpu.memref_slice %arg8[%dma_wait3A_83, %dma_wait3A_84] : memref<80x128xi32, #tpu.memory_space<vmem>> -> memref<4x128xi32, #tpu.memory_space<vmem>>
    %dma_wait3A_86 = arith.constant 0 : i32
    %dma_wait3A_87 = tpu.memref_slice %arg4[%min3A_14, %dma_wait3A_86] : memref<2500x128xi32, #tpu.memory_space<hbm>> -> memref<4x128xi32, #tpu.memory_space<hbm>>
    %dma_wait3A_88 = arith.constant 76 : i32
    %dma_wait3A_89 = arith.constant 0 : i32
    %dma_wait3A_90 = tpu.memref_slice %arg8[%dma_wait3A_88, %dma_wait3A_89] : memref<80x128xi32, #tpu.memory_space<vmem>> -> memref<4x128xi32, #tpu.memory_space<vmem>>
    %dma_wait3A_91 = arith.constant 0 : i32
    %dma_wait3A_92 = tpu.memref_slice %arg4[%min3A_14, %dma_wait3A_91] : memref<2500x128xi32, #tpu.memory_space<hbm>> -> memref<4x128xi32, #tpu.memory_space<hbm>>
    tpu.wait_dma2 semaphore(%arg18 : memref<!tpu.dma_semaphore, #tpu.memory_space<semaphore_mem>>) src(%dma_wait3A_92 : memref<4x128xi32, #tpu.memory_space<hbm>>) dst(%dma_wait3A_90 : memref<4x128xi32, #tpu.memory_space<vmem>>)
    %barrier3A = arith.constant 0 : index
    tpu.barrier barrier_id(%barrier3A)
    %dma_start3A_93 = arith.constant 0 : i32
    %dma_start3A_94 = arith.constant 0 : i32
    %dma_start3A_95 = tpu.memref_slice %arg7[%dma_start3A_93, %dma_start3A_94] : memref<80x128xi32, #tpu.memory_space<vmem>> -> memref<1x128xi32, #tpu.memory_space<vmem>>
    %dma_start3A_96 = tpu.memref_squeeze %dma_start3A_95 : memref<1x128xi32, #tpu.memory_space<vmem>> -> memref<128xi32, #tpu.memory_space<vmem>>
    %dma_start3A_97 = arith.constant 0 : i32
    %dma_start3A_98 = arith.constant 0 : i32
    %dma_start3A_99 = tpu.memref_slice %arg2[%dma_start3A_97, %dma_start3A_98] : memref<10000x32xf32, #tpu.memory_space<hbm>> -> memref<10000x32xf32, #tpu.memory_space<hbm>>
    tpu.enqueue_indirect_dma source(%dma_start3A_99 : memref<10000x32xf32, #tpu.memory_space<hbm>>) target(%arg9 : memref<128x32xf32, #tpu.memory_space<vmem>>) offsets(%dma_start3A_96 : memref<128xi32, #tpu.memory_space<vmem>>) semaphore(%arg15 : memref<!tpu.dma_semaphore, #tpu.memory_space<semaphore_mem>>)
    %dma_start3A_100 = arith.constant 1 : i32
    %dma_start3A_101 = arith.constant 0 : i32
    %dma_start3A_102 = tpu.memref_slice %arg7[%dma_start3A_100, %dma_start3A_101] : memref<80x128xi32, #tpu.memory_space<vmem>> -> memref<1x128xi32, #tpu.memory_space<vmem>>
    %dma_start3A_103 = tpu.memref_squeeze %dma_start3A_102 : memref<1x128xi32, #tpu.memory_space<vmem>> -> memref<128xi32, #tpu.memory_space<vmem>>
    %dma_start3A_104 = arith.constant 0 : i32
    %dma_start3A_105 = arith.constant 0 : i32
    %dma_start3A_106 = tpu.memref_slice %arg2[%dma_start3A_104, %dma_start3A_105] : memref<10000x32xf32, #tpu.memory_space<hbm>> -> memref<10000x32xf32, #tpu.memory_space<hbm>>
    tpu.enqueue_indirect_dma source(%dma_start3A_106 : memref<10000x32xf32, #tpu.memory_space<hbm>>) target(%arg10 : memref<128x32xf32, #tpu.memory_space<vmem>>) offsets(%dma_start3A_103 : memref<128xi32, #tpu.memory_space<vmem>>) semaphore(%arg16 : memref<!tpu.dma_semaphore, #tpu.memory_space<semaphore_mem>>)
    %dma_start3A_107 = arith.constant 2 : i32
    %dma_start3A_108 = arith.constant 0 : i32
    %dma_start3A_109 = tpu.memref_slice %arg7[%dma_start3A_107, %dma_start3A_108] : memref<80x128xi32, #tpu.memory_space<vmem>> -> memref<1x128xi32, #tpu.memory_space<vmem>>
    %dma_start3A_110 = tpu.memref_squeeze %dma_start3A_109 : memref<1x128xi32, #tpu.memory_space<vmem>> -> memref<128xi32, #tpu.memory_space<vmem>>
    %dma_start3A_111 = arith.constant 0 : i32
    %dma_start3A_112 = arith.constant 0 : i32
    %dma_start3A_113 = tpu.memref_slice %arg2[%dma_start3A_111, %dma_start3A_112] : memref<10000x32xf32, #tpu.memory_space<hbm>> -> memref<10000x32xf32, #tpu.memory_space<hbm>>
    tpu.enqueue_indirect_dma source(%dma_start3A_113 : memref<10000x32xf32, #tpu.memory_space<hbm>>) target(%arg11 : memref<128x32xf32, #tpu.memory_space<vmem>>) offsets(%dma_start3A_110 : memref<128xi32, #tpu.memory_space<vmem>>) semaphore(%arg17 : memref<!tpu.dma_semaphore, #tpu.memory_space<semaphore_mem>>)
    %dma_start3A_114 = arith.constant 3 : i32
    %dma_start3A_115 = arith.constant 0 : i32
    %dma_start3A_116 = tpu.memref_slice %arg7[%dma_start3A_114, %dma_start3A_115] : memref<80x128xi32, #tpu.memory_space<vmem>> -> memref<1x128xi32, #tpu.memory_space<vmem>>
    %dma_start3A_117 = tpu.memref_squeeze %dma_start3A_116 : memref<1x128xi32, #tpu.memory_space<vmem>> -> memref<128xi32, #tpu.memory_space<vmem>>
    %dma_start3A_118 = arith.constant 0 : i32
    %dma_start3A_119 = arith.constant 0 : i32
    %dma_start3A_120 = tpu.memref_slice %arg2[%dma_start3A_118, %dma_start3A_119] : memref<10000x32xf32, #tpu.memory_space<hbm>> -> memref<10000x32xf32, #tpu.memory_space<hbm>>
    tpu.enqueue_indirect_dma source(%dma_start3A_120 : memref<10000x32xf32, #tpu.memory_space<hbm>>) target(%arg12 : memref<128x32xf32, #tpu.memory_space<vmem>>) offsets(%dma_start3A_117 : memref<128xi32, #tpu.memory_space<vmem>>) semaphore(%arg18 : memref<!tpu.dma_semaphore, #tpu.memory_space<semaphore_mem>>)
    %sub3A = arith.constant 4 : i32
    %sub3A_121 = arith.subi %select_n3A, %sub3A : i32
    %sub3A_122 = arith.constant 0 : i32
    %sub3A_123 = arith.subi %sub3A_121, %sub3A_122 : i32
    %sub3A_124 = arith.constant 4 : i32
    %sub3A_125 = arith.constant 1 : i32
    %sub3A_126 = arith.subi %sub3A_124, %sub3A_125 : i32
    %add3A_127 = arith.addi %sub3A_123, %sub3A_126 : i32
    %div3A = arith.constant 4 : i32
    %div3A_128 = arith.divsi %add3A_127, %div3A : i32
    %while3A = arith.constant 4 : i32
    %while3A_129 = arith.constant 0 : i32
    %while3A_130 = arith.constant 0 : i32
    %while3A_131 = arith.subi %div3A_128, %while3A_130 : i32
    %while3A_132 = arith.addi %while3A_130, %while3A_131 : i32
    %while3A_133 = arith.constant 1 : i32
    %while3A_134 = arith.divsi %while3A_131, %while3A_133 : i32
    %while3A_135 = arith.muli %while3A_134, %while3A_133 : i32
    %while3A_136 = arith.addi %while3A_130, %while3A_135 : i32
    %while3A_137 = arith.constant 1 : i32
    scf.for %while3A_260 = %while3A_130 to %while3A_136 step %while3A_137  : i32 {
      %mul3A_261 = arith.muli %while3A_260, %while3A : i32
      %add3A_262 = arith.addi %while3A_129, %mul3A_261 : i32
      %add3A_263 = arith.constant 0 : i32
      %add3A_264 = arith.addi %add3A_262, %add3A_263 : i32
      %dma_wait3A_265 = arith.constant 0 : i32
      %dma_wait3A_266 = tpu.memref_slice %arg7[%add3A_264, %dma_wait3A_265] : memref<80x128xi32, #tpu.memory_space<vmem>> -> memref<1x128xi32, #tpu.memory_space<vmem>>
      %dma_wait3A_267 = tpu.memref_squeeze %dma_wait3A_266 : memref<1x128xi32, #tpu.memory_space<vmem>> -> memref<128xi32, #tpu.memory_space<vmem>>
      %dma_wait3A_268 = arith.constant 0 : i32
      %dma_wait3A_269 = arith.constant 0 : i32
      %dma_wait3A_270 = tpu.memref_slice %arg2[%dma_wait3A_268, %dma_wait3A_269] : memref<10000x32xf32, #tpu.memory_space<hbm>> -> memref<10000x32xf32, #tpu.memory_space<hbm>>
      tpu.wait_indirect_dma semaphore(%arg15 : memref<!tpu.dma_semaphore, #tpu.memory_space<semaphore_mem>>) src(%dma_wait3A_270 : memref<10000x32xf32, #tpu.memory_space<hbm>>) dst(%arg9 : memref<128x32xf32, #tpu.memory_space<vmem>>)
      %add3A_271 = arith.constant 0 : i32
      %add3A_272 = arith.addi %add3A_262, %add3A_271 : i32
      %dma_start3A_273 = arith.constant 0 : i32
      %dma_start3A_274 = tpu.memref_slice %arg8[%add3A_272, %dma_start3A_273] : memref<80x128xi32, #tpu.memory_space<vmem>> -> memref<1x128xi32, #tpu.memory_space<vmem>>
      %dma_start3A_275 = tpu.memref_squeeze %dma_start3A_274 : memref<1x128xi32, #tpu.memory_space<vmem>> -> memref<128xi32, #tpu.memory_space<vmem>>
      %dma_start3A_276 = arith.constant 0 : i32
      %dma_start3A_277 = arith.constant 0 : i32
      %dma_start3A_278 = tpu.memref_slice %arg14[%dma_start3A_276, %dma_start3A_277] : memref<10240x32xf32, #tpu.memory_space<vmem_shared>> -> memref<10240x32xf32, #tpu.memory_space<vmem_shared>>
      tpu.enqueue_indirect_dma source(%arg9 : memref<128x32xf32, #tpu.memory_space<vmem>>) target(%dma_start3A_278 : memref<10240x32xf32, #tpu.memory_space<vmem_shared>>) offsets(%dma_start3A_275 : memref<128xi32, #tpu.memory_space<vmem>>) semaphore(%arg19 : memref<!tpu.dma_semaphore, #tpu.memory_space<semaphore_mem>>) {add = true}
      %add3A_279 = arith.constant 1 : i32
      %add3A_280 = arith.addi %add3A_262, %add3A_279 : i32
      %dma_wait3A_281 = arith.constant 0 : i32
      %dma_wait3A_282 = tpu.memref_slice %arg7[%add3A_280, %dma_wait3A_281] : memref<80x128xi32, #tpu.memory_space<vmem>> -> memref<1x128xi32, #tpu.memory_space<vmem>>
      %dma_wait3A_283 = tpu.memref_squeeze %dma_wait3A_282 : memref<1x128xi32, #tpu.memory_space<vmem>> -> memref<128xi32, #tpu.memory_space<vmem>>
      %dma_wait3A_284 = arith.constant 0 : i32
      %dma_wait3A_285 = arith.constant 0 : i32
      %dma_wait3A_286 = tpu.memref_slice %arg2[%dma_wait3A_284, %dma_wait3A_285] : memref<10000x32xf32, #tpu.memory_space<hbm>> -> memref<10000x32xf32, #tpu.memory_space<hbm>>
      tpu.wait_indirect_dma semaphore(%arg16 : memref<!tpu.dma_semaphore, #tpu.memory_space<semaphore_mem>>) src(%dma_wait3A_286 : memref<10000x32xf32, #tpu.memory_space<hbm>>) dst(%arg10 : memref<128x32xf32, #tpu.memory_space<vmem>>)
      %add3A_287 = arith.constant 1 : i32
      %add3A_288 = arith.addi %add3A_262, %add3A_287 : i32
      %dma_start3A_289 = arith.constant 0 : i32
      %dma_start3A_290 = tpu.memref_slice %arg8[%add3A_288, %dma_start3A_289] : memref<80x128xi32, #tpu.memory_space<vmem>> -> memref<1x128xi32, #tpu.memory_space<vmem>>
      %dma_start3A_291 = tpu.memref_squeeze %dma_start3A_290 : memref<1x128xi32, #tpu.memory_space<vmem>> -> memref<128xi32, #tpu.memory_space<vmem>>
      %dma_start3A_292 = arith.constant 0 : i32
      %dma_start3A_293 = arith.constant 0 : i32
      %dma_start3A_294 = tpu.memref_slice %arg14[%dma_start3A_292, %dma_start3A_293] : memref<10240x32xf32, #tpu.memory_space<vmem_shared>> -> memref<10240x32xf32, #tpu.memory_space<vmem_shared>>
      tpu.enqueue_indirect_dma source(%arg10 : memref<128x32xf32, #tpu.memory_space<vmem>>) target(%dma_start3A_294 : memref<10240x32xf32, #tpu.memory_space<vmem_shared>>) offsets(%dma_start3A_291 : memref<128xi32, #tpu.memory_space<vmem>>) semaphore(%arg20 : memref<!tpu.dma_semaphore, #tpu.memory_space<semaphore_mem>>) {add = true}
      %add3A_295 = arith.constant 2 : i32
      %add3A_296 = arith.addi %add3A_262, %add3A_295 : i32
      %dma_wait3A_297 = arith.constant 0 : i32
      %dma_wait3A_298 = tpu.memref_slice %arg7[%add3A_296, %dma_wait3A_297] : memref<80x128xi32, #tpu.memory_space<vmem>> -> memref<1x128xi32, #tpu.memory_space<vmem>>
      %dma_wait3A_299 = tpu.memref_squeeze %dma_wait3A_298 : memref<1x128xi32, #tpu.memory_space<vmem>> -> memref<128xi32, #tpu.memory_space<vmem>>
      %dma_wait3A_300 = arith.constant 0 : i32
      %dma_wait3A_301 = arith.constant 0 : i32
      %dma_wait3A_302 = tpu.memref_slice %arg2[%dma_wait3A_300, %dma_wait3A_301] : memref<10000x32xf32, #tpu.memory_space<hbm>> -> memref<10000x32xf32, #tpu.memory_space<hbm>>
      tpu.wait_indirect_dma semaphore(%arg17 : memref<!tpu.dma_semaphore, #tpu.memory_space<semaphore_mem>>) src(%dma_wait3A_302 : memref<10000x32xf32, #tpu.memory_space<hbm>>) dst(%arg11 : memref<128x32xf32, #tpu.memory_space<vmem>>)
      %add3A_303 = arith.constant 2 : i32
      %add3A_304 = arith.addi %add3A_262, %add3A_303 : i32
      %dma_start3A_305 = arith.constant 0 : i32
      %dma_start3A_306 = tpu.memref_slice %arg8[%add3A_304, %dma_start3A_305] : memref<80x128xi32, #tpu.memory_space<vmem>> -> memref<1x128xi32, #tpu.memory_space<vmem>>
      %dma_start3A_307 = tpu.memref_squeeze %dma_start3A_306 : memref<1x128xi32, #tpu.memory_space<vmem>> -> memref<128xi32, #tpu.memory_space<vmem>>
      %dma_start3A_308 = arith.constant 0 : i32
      %dma_start3A_309 = arith.constant 0 : i32
      %dma_start3A_310 = tpu.memref_slice %arg14[%dma_start3A_308, %dma_start3A_309] : memref<10240x32xf32, #tpu.memory_space<vmem_shared>> -> memref<10240x32xf32, #tpu.memory_space<vmem_shared>>
      tpu.enqueue_indirect_dma source(%arg11 : memref<128x32xf32, #tpu.memory_space<vmem>>) target(%dma_start3A_310 : memref<10240x32xf32, #tpu.memory_space<vmem_shared>>) offsets(%dma_start3A_307 : memref<128xi32, #tpu.memory_space<vmem>>) semaphore(%arg21 : memref<!tpu.dma_semaphore, #tpu.memory_space<semaphore_mem>>) {add = true}
      %add3A_311 = arith.constant 3 : i32
      %add3A_312 = arith.addi %add3A_262, %add3A_311 : i32
      %dma_wait3A_313 = arith.constant 0 : i32
      %dma_wait3A_314 = tpu.memref_slice %arg7[%add3A_312, %dma_wait3A_313] : memref<80x128xi32, #tpu.memory_space<vmem>> -> memref<1x128xi32, #tpu.memory_space<vmem>>
      %dma_wait3A_315 = tpu.memref_squeeze %dma_wait3A_314 : memref<1x128xi32, #tpu.memory_space<vmem>> -> memref<128xi32, #tpu.memory_space<vmem>>
      %dma_wait3A_316 = arith.constant 0 : i32
      %dma_wait3A_317 = arith.constant 0 : i32
      %dma_wait3A_318 = tpu.memref_slice %arg2[%dma_wait3A_316, %dma_wait3A_317] : memref<10000x32xf32, #tpu.memory_space<hbm>> -> memref<10000x32xf32, #tpu.memory_space<hbm>>
      tpu.wait_indirect_dma semaphore(%arg18 : memref<!tpu.dma_semaphore, #tpu.memory_space<semaphore_mem>>) src(%dma_wait3A_318 : memref<10000x32xf32, #tpu.memory_space<hbm>>) dst(%arg12 : memref<128x32xf32, #tpu.memory_space<vmem>>)
      %add3A_319 = arith.constant 3 : i32
      %add3A_320 = arith.addi %add3A_262, %add3A_319 : i32
      %dma_start3A_321 = arith.constant 0 : i32
      %dma_start3A_322 = tpu.memref_slice %arg8[%add3A_320, %dma_start3A_321] : memref<80x128xi32, #tpu.memory_space<vmem>> -> memref<1x128xi32, #tpu.memory_space<vmem>>
      %dma_start3A_323 = tpu.memref_squeeze %dma_start3A_322 : memref<1x128xi32, #tpu.memory_space<vmem>> -> memref<128xi32, #tpu.memory_space<vmem>>
      %dma_start3A_324 = arith.constant 0 : i32
      %dma_start3A_325 = arith.constant 0 : i32
      %dma_start3A_326 = tpu.memref_slice %arg14[%dma_start3A_324, %dma_start3A_325] : memref<10240x32xf32, #tpu.memory_space<vmem_shared>> -> memref<10240x32xf32, #tpu.memory_space<vmem_shared>>
      tpu.enqueue_indirect_dma source(%arg12 : memref<128x32xf32, #tpu.memory_space<vmem>>) target(%dma_start3A_326 : memref<10240x32xf32, #tpu.memory_space<vmem_shared>>) offsets(%dma_start3A_323 : memref<128xi32, #tpu.memory_space<vmem>>) semaphore(%arg22 : memref<!tpu.dma_semaphore, #tpu.memory_space<semaphore_mem>>) {add = true}
      %add3A_327 = arith.constant 0 : i32
      %add3A_328 = arith.addi %add3A_262, %add3A_327 : i32
      %dma_wait3A_329 = arith.constant 0 : i32
      %dma_wait3A_330 = tpu.memref_slice %arg8[%add3A_328, %dma_wait3A_329] : memref<80x128xi32, #tpu.memory_space<vmem>> -> memref<1x128xi32, #tpu.memory_space<vmem>>
      %dma_wait3A_331 = tpu.memref_squeeze %dma_wait3A_330 : memref<1x128xi32, #tpu.memory_space<vmem>> -> memref<128xi32, #tpu.memory_space<vmem>>
      %dma_wait3A_332 = arith.constant 0 : i32
      %dma_wait3A_333 = arith.constant 0 : i32
      %dma_wait3A_334 = tpu.memref_slice %arg14[%dma_wait3A_332, %dma_wait3A_333] : memref<10240x32xf32, #tpu.memory_space<vmem_shared>> -> memref<10240x32xf32, #tpu.memory_space<vmem_shared>>
      tpu.wait_indirect_dma semaphore(%arg19 : memref<!tpu.dma_semaphore, #tpu.memory_space<semaphore_mem>>) src(%arg9 : memref<128x32xf32, #tpu.memory_space<vmem>>) dst(%dma_wait3A_334 : memref<10240x32xf32, #tpu.memory_space<vmem_shared>>)
      %add3A_335 = arith.constant 4 : i32
      %add3A_336 = arith.addi %add3A_262, %add3A_335 : i32
      %add3A_337 = arith.constant 0 : i32
      %add3A_338 = arith.addi %add3A_336, %add3A_337 : i32
      %dma_start3A_339 = arith.constant 0 : i32
      %dma_start3A_340 = tpu.memref_slice %arg7[%add3A_338, %dma_start3A_339] : memref<80x128xi32, #tpu.memory_space<vmem>> -> memref<1x128xi32, #tpu.memory_space<vmem>>
      %dma_start3A_341 = tpu.memref_squeeze %dma_start3A_340 : memref<1x128xi32, #tpu.memory_space<vmem>> -> memref<128xi32, #tpu.memory_space<vmem>>
      %dma_start3A_342 = arith.constant 0 : i32
      %dma_start3A_343 = arith.constant 0 : i32
      %dma_start3A_344 = tpu.memref_slice %arg2[%dma_start3A_342, %dma_start3A_343] : memref<10000x32xf32, #tpu.memory_space<hbm>> -> memref<10000x32xf32, #tpu.memory_space<hbm>>
      tpu.enqueue_indirect_dma source(%dma_start3A_344 : memref<10000x32xf32, #tpu.memory_space<hbm>>) target(%arg9 : memref<128x32xf32, #tpu.memory_space<vmem>>) offsets(%dma_start3A_341 : memref<128xi32, #tpu.memory_space<vmem>>) semaphore(%arg15 : memref<!tpu.dma_semaphore, #tpu.memory_space<semaphore_mem>>)
      %add3A_345 = arith.constant 1 : i32
      %add3A_346 = arith.addi %add3A_262, %add3A_345 : i32
      %dma_wait3A_347 = arith.constant 0 : i32
      %dma_wait3A_348 = tpu.memref_slice %arg8[%add3A_346, %dma_wait3A_347] : memref<80x128xi32, #tpu.memory_space<vmem>> -> memref<1x128xi32, #tpu.memory_space<vmem>>
      %dma_wait3A_349 = tpu.memref_squeeze %dma_wait3A_348 : memref<1x128xi32, #tpu.memory_space<vmem>> -> memref<128xi32, #tpu.memory_space<vmem>>
      %dma_wait3A_350 = arith.constant 0 : i32
      %dma_wait3A_351 = arith.constant 0 : i32
      %dma_wait3A_352 = tpu.memref_slice %arg14[%dma_wait3A_350, %dma_wait3A_351] : memref<10240x32xf32, #tpu.memory_space<vmem_shared>> -> memref<10240x32xf32, #tpu.memory_space<vmem_shared>>
      tpu.wait_indirect_dma semaphore(%arg20 : memref<!tpu.dma_semaphore, #tpu.memory_space<semaphore_mem>>) src(%arg10 : memref<128x32xf32, #tpu.memory_space<vmem>>) dst(%dma_wait3A_352 : memref<10240x32xf32, #tpu.memory_space<vmem_shared>>)
      %add3A_353 = arith.constant 4 : i32
      %add3A_354 = arith.addi %add3A_262, %add3A_353 : i32
      %add3A_355 = arith.constant 1 : i32
      %add3A_356 = arith.addi %add3A_354, %add3A_355 : i32
      %dma_start3A_357 = arith.constant 0 : i32
      %dma_start3A_358 = tpu.memref_slice %arg7[%add3A_356, %dma_start3A_357] : memref<80x128xi32, #tpu.memory_space<vmem>> -> memref<1x128xi32, #tpu.memory_space<vmem>>
      %dma_start3A_359 = tpu.memref_squeeze %dma_start3A_358 : memref<1x128xi32, #tpu.memory_space<vmem>> -> memref<128xi32, #tpu.memory_space<vmem>>
      %dma_start3A_360 = arith.constant 0 : i32
      %dma_start3A_361 = arith.constant 0 : i32
      %dma_start3A_362 = tpu.memref_slice %arg2[%dma_start3A_360, %dma_start3A_361] : memref<10000x32xf32, #tpu.memory_space<hbm>> -> memref<10000x32xf32, #tpu.memory_space<hbm>>
      tpu.enqueue_indirect_dma source(%dma_start3A_362 : memref<10000x32xf32, #tpu.memory_space<hbm>>) target(%arg10 : memref<128x32xf32, #tpu.memory_space<vmem>>) offsets(%dma_start3A_359 : memref<128xi32, #tpu.memory_space<vmem>>) semaphore(%arg16 : memref<!tpu.dma_semaphore, #tpu.memory_space<semaphore_mem>>)
      %add3A_363 = arith.constant 2 : i32
      %add3A_364 = arith.addi %add3A_262, %add3A_363 : i32
      %dma_wait3A_365 = arith.constant 0 : i32
      %dma_wait3A_366 = tpu.memref_slice %arg8[%add3A_364, %dma_wait3A_365] : memref<80x128xi32, #tpu.memory_space<vmem>> -> memref<1x128xi32, #tpu.memory_space<vmem>>
      %dma_wait3A_367 = tpu.memref_squeeze %dma_wait3A_366 : memref<1x128xi32, #tpu.memory_space<vmem>> -> memref<128xi32, #tpu.memory_space<vmem>>
      %dma_wait3A_368 = arith.constant 0 : i32
      %dma_wait3A_369 = arith.constant 0 : i32
      %dma_wait3A_370 = tpu.memref_slice %arg14[%dma_wait3A_368, %dma_wait3A_369] : memref<10240x32xf32, #tpu.memory_space<vmem_shared>> -> memref<10240x32xf32, #tpu.memory_space<vmem_shared>>
      tpu.wait_indirect_dma semaphore(%arg21 : memref<!tpu.dma_semaphore, #tpu.memory_space<semaphore_mem>>) src(%arg11 : memref<128x32xf32, #tpu.memory_space<vmem>>) dst(%dma_wait3A_370 : memref<10240x32xf32, #tpu.memory_space<vmem_shared>>)
      %add3A_371 = arith.constant 4 : i32
      %add3A_372 = arith.addi %add3A_262, %add3A_371 : i32
      %add3A_373 = arith.constant 2 : i32
      %add3A_374 = arith.addi %add3A_372, %add3A_373 : i32
      %dma_start3A_375 = arith.constant 0 : i32
      %dma_start3A_376 = tpu.memref_slice %arg7[%add3A_374, %dma_start3A_375] : memref<80x128xi32, #tpu.memory_space<vmem>> -> memref<1x128xi32, #tpu.memory_space<vmem>>
      %dma_start3A_377 = tpu.memref_squeeze %dma_start3A_376 : memref<1x128xi32, #tpu.memory_space<vmem>> -> memref<128xi32, #tpu.memory_space<vmem>>
      %dma_start3A_378 = arith.constant 0 : i32
      %dma_start3A_379 = arith.constant 0 : i32
      %dma_start3A_380 = tpu.memref_slice %arg2[%dma_start3A_378, %dma_start3A_379] : memref<10000x32xf32, #tpu.memory_space<hbm>> -> memref<10000x32xf32, #tpu.memory_space<hbm>>
      tpu.enqueue_indirect_dma source(%dma_start3A_380 : memref<10000x32xf32, #tpu.memory_space<hbm>>) target(%arg11 : memref<128x32xf32, #tpu.memory_space<vmem>>) offsets(%dma_start3A_377 : memref<128xi32, #tpu.memory_space<vmem>>) semaphore(%arg17 : memref<!tpu.dma_semaphore, #tpu.memory_space<semaphore_mem>>)
      %add3A_381 = arith.constant 3 : i32
      %add3A_382 = arith.addi %add3A_262, %add3A_381 : i32
      %dma_wait3A_383 = arith.constant 0 : i32
      %dma_wait3A_384 = tpu.memref_slice %arg8[%add3A_382, %dma_wait3A_383] : memref<80x128xi32, #tpu.memory_space<vmem>> -> memref<1x128xi32, #tpu.memory_space<vmem>>
      %dma_wait3A_385 = tpu.memref_squeeze %dma_wait3A_384 : memref<1x128xi32, #tpu.memory_space<vmem>> -> memref<128xi32, #tpu.memory_space<vmem>>
      %dma_wait3A_386 = arith.constant 0 : i32
      %dma_wait3A_387 = arith.constant 0 : i32
      %dma_wait3A_388 = tpu.memref_slice %arg14[%dma_wait3A_386, %dma_wait3A_387] : memref<10240x32xf32, #tpu.memory_space<vmem_shared>> -> memref<10240x32xf32, #tpu.memory_space<vmem_shared>>
      tpu.wait_indirect_dma semaphore(%arg22 : memref<!tpu.dma_semaphore, #tpu.memory_space<semaphore_mem>>) src(%arg12 : memref<128x32xf32, #tpu.memory_space<vmem>>) dst(%dma_wait3A_388 : memref<10240x32xf32, #tpu.memory_space<vmem_shared>>)
      %add3A_389 = arith.constant 4 : i32
      %add3A_390 = arith.addi %add3A_262, %add3A_389 : i32
      %add3A_391 = arith.constant 3 : i32
      %add3A_392 = arith.addi %add3A_390, %add3A_391 : i32
      %dma_start3A_393 = arith.constant 0 : i32
      %dma_start3A_394 = tpu.memref_slice %arg7[%add3A_392, %dma_start3A_393] : memref<80x128xi32, #tpu.memory_space<vmem>> -> memref<1x128xi32, #tpu.memory_space<vmem>>
      %dma_start3A_395 = tpu.memref_squeeze %dma_start3A_394 : memref<1x128xi32, #tpu.memory_space<vmem>> -> memref<128xi32, #tpu.memory_space<vmem>>
      %dma_start3A_396 = arith.constant 0 : i32
      %dma_start3A_397 = arith.constant 0 : i32
      %dma_start3A_398 = tpu.memref_slice %arg2[%dma_start3A_396, %dma_start3A_397] : memref<10000x32xf32, #tpu.memory_space<hbm>> -> memref<10000x32xf32, #tpu.memory_space<hbm>>
      tpu.enqueue_indirect_dma source(%dma_start3A_398 : memref<10000x32xf32, #tpu.memory_space<hbm>>) target(%arg12 : memref<128x32xf32, #tpu.memory_space<vmem>>) offsets(%dma_start3A_395 : memref<128xi32, #tpu.memory_space<vmem>>) semaphore(%arg18 : memref<!tpu.dma_semaphore, #tpu.memory_space<semaphore_mem>>)
    }
    %while3A_138 = arith.constant 1 : i32
    scf.for %while3A_260 = %while3A_136 to %while3A_132 step %while3A_138  : i32 {
      %mul3A_261 = arith.muli %while3A_260, %while3A : i32
      %add3A_262 = arith.addi %while3A_129, %mul3A_261 : i32
      %add3A_263 = arith.constant 0 : i32
      %add3A_264 = arith.addi %add3A_262, %add3A_263 : i32
      %dma_wait3A_265 = arith.constant 0 : i32
      %dma_wait3A_266 = tpu.memref_slice %arg7[%add3A_264, %dma_wait3A_265] : memref<80x128xi32, #tpu.memory_space<vmem>> -> memref<1x128xi32, #tpu.memory_space<vmem>>
      %dma_wait3A_267 = tpu.memref_squeeze %dma_wait3A_266 : memref<1x128xi32, #tpu.memory_space<vmem>> -> memref<128xi32, #tpu.memory_space<vmem>>
      %dma_wait3A_268 = arith.constant 0 : i32
      %dma_wait3A_269 = arith.constant 0 : i32
      %dma_wait3A_270 = tpu.memref_slice %arg2[%dma_wait3A_268, %dma_wait3A_269] : memref<10000x32xf32, #tpu.memory_space<hbm>> -> memref<10000x32xf32, #tpu.memory_space<hbm>>
      tpu.wait_indirect_dma semaphore(%arg15 : memref<!tpu.dma_semaphore, #tpu.memory_space<semaphore_mem>>) src(%dma_wait3A_270 : memref<10000x32xf32, #tpu.memory_space<hbm>>) dst(%arg9 : memref<128x32xf32, #tpu.memory_space<vmem>>)
      %add3A_271 = arith.constant 0 : i32
      %add3A_272 = arith.addi %add3A_262, %add3A_271 : i32
      %dma_start3A_273 = arith.constant 0 : i32
      %dma_start3A_274 = tpu.memref_slice %arg8[%add3A_272, %dma_start3A_273] : memref<80x128xi32, #tpu.memory_space<vmem>> -> memref<1x128xi32, #tpu.memory_space<vmem>>
      %dma_start3A_275 = tpu.memref_squeeze %dma_start3A_274 : memref<1x128xi32, #tpu.memory_space<vmem>> -> memref<128xi32, #tpu.memory_space<vmem>>
      %dma_start3A_276 = arith.constant 0 : i32
      %dma_start3A_277 = arith.constant 0 : i32
      %dma_start3A_278 = tpu.memref_slice %arg14[%dma_start3A_276, %dma_start3A_277] : memref<10240x32xf32, #tpu.memory_space<vmem_shared>> -> memref<10240x32xf32, #tpu.memory_space<vmem_shared>>
      tpu.enqueue_indirect_dma source(%arg9 : memref<128x32xf32, #tpu.memory_space<vmem>>) target(%dma_start3A_278 : memref<10240x32xf32, #tpu.memory_space<vmem_shared>>) offsets(%dma_start3A_275 : memref<128xi32, #tpu.memory_space<vmem>>) semaphore(%arg19 : memref<!tpu.dma_semaphore, #tpu.memory_space<semaphore_mem>>) {add = true}
      %add3A_279 = arith.constant 1 : i32
      %add3A_280 = arith.addi %add3A_262, %add3A_279 : i32
      %dma_wait3A_281 = arith.constant 0 : i32
      %dma_wait3A_282 = tpu.memref_slice %arg7[%add3A_280, %dma_wait3A_281] : memref<80x128xi32, #tpu.memory_space<vmem>> -> memref<1x128xi32, #tpu.memory_space<vmem>>
      %dma_wait3A_283 = tpu.memref_squeeze %dma_wait3A_282 : memref<1x128xi32, #tpu.memory_space<vmem>> -> memref<128xi32, #tpu.memory_space<vmem>>
      %dma_wait3A_284 = arith.constant 0 : i32
      %dma_wait3A_285 = arith.constant 0 : i32
      %dma_wait3A_286 = tpu.memref_slice %arg2[%dma_wait3A_284, %dma_wait3A_285] : memref<10000x32xf32, #tpu.memory_space<hbm>> -> memref<10000x32xf32, #tpu.memory_space<hbm>>
      tpu.wait_indirect_dma semaphore(%arg16 : memref<!tpu.dma_semaphore, #tpu.memory_space<semaphore_mem>>) src(%dma_wait3A_286 : memref<10000x32xf32, #tpu.memory_space<hbm>>) dst(%arg10 : memref<128x32xf32, #tpu.memory_space<vmem>>)
      %add3A_287 = arith.constant 1 : i32
      %add3A_288 = arith.addi %add3A_262, %add3A_287 : i32
      %dma_start3A_289 = arith.constant 0 : i32
      %dma_start3A_290 = tpu.memref_slice %arg8[%add3A_288, %dma_start3A_289] : memref<80x128xi32, #tpu.memory_space<vmem>> -> memref<1x128xi32, #tpu.memory_space<vmem>>
      %dma_start3A_291 = tpu.memref_squeeze %dma_start3A_290 : memref<1x128xi32, #tpu.memory_space<vmem>> -> memref<128xi32, #tpu.memory_space<vmem>>
      %dma_start3A_292 = arith.constant 0 : i32
      %dma_start3A_293 = arith.constant 0 : i32
      %dma_start3A_294 = tpu.memref_slice %arg14[%dma_start3A_292, %dma_start3A_293] : memref<10240x32xf32, #tpu.memory_space<vmem_shared>> -> memref<10240x32xf32, #tpu.memory_space<vmem_shared>>
      tpu.enqueue_indirect_dma source(%arg10 : memref<128x32xf32, #tpu.memory_space<vmem>>) target(%dma_start3A_294 : memref<10240x32xf32, #tpu.memory_space<vmem_shared>>) offsets(%dma_start3A_291 : memref<128xi32, #tpu.memory_space<vmem>>) semaphore(%arg20 : memref<!tpu.dma_semaphore, #tpu.memory_space<semaphore_mem>>) {add = true}
      %add3A_295 = arith.constant 2 : i32
      %add3A_296 = arith.addi %add3A_262, %add3A_295 : i32
      %dma_wait3A_297 = arith.constant 0 : i32
      %dma_wait3A_298 = tpu.memref_slice %arg7[%add3A_296, %dma_wait3A_297] : memref<80x128xi32, #tpu.memory_space<vmem>> -> memref<1x128xi32, #tpu.memory_space<vmem>>
      %dma_wait3A_299 = tpu.memref_squeeze %dma_wait3A_298 : memref<1x128xi32, #tpu.memory_space<vmem>> -> memref<128xi32, #tpu.memory_space<vmem>>
      %dma_wait3A_300 = arith.constant 0 : i32
      %dma_wait3A_301 = arith.constant 0 : i32
      %dma_wait3A_302 = tpu.memref_slice %arg2[%dma_wait3A_300, %dma_wait3A_301] : memref<10000x32xf32, #tpu.memory_space<hbm>> -> memref<10000x32xf32, #tpu.memory_space<hbm>>
      tpu.wait_indirect_dma semaphore(%arg17 : memref<!tpu.dma_semaphore, #tpu.memory_space<semaphore_mem>>) src(%dma_wait3A_302 : memref<10000x32xf32, #tpu.memory_space<hbm>>) dst(%arg11 : memref<128x32xf32, #tpu.memory_space<vmem>>)
      %add3A_303 = arith.constant 2 : i32
      %add3A_304 = arith.addi %add3A_262, %add3A_303 : i32
      %dma_start3A_305 = arith.constant 0 : i32
      %dma_start3A_306 = tpu.memref_slice %arg8[%add3A_304, %dma_start3A_305] : memref<80x128xi32, #tpu.memory_space<vmem>> -> memref<1x128xi32, #tpu.memory_space<vmem>>
      %dma_start3A_307 = tpu.memref_squeeze %dma_start3A_306 : memref<1x128xi32, #tpu.memory_space<vmem>> -> memref<128xi32, #tpu.memory_space<vmem>>
      %dma_start3A_308 = arith.constant 0 : i32
      %dma_start3A_309 = arith.constant 0 : i32
      %dma_start3A_310 = tpu.memref_slice %arg14[%dma_start3A_308, %dma_start3A_309] : memref<10240x32xf32, #tpu.memory_space<vmem_shared>> -> memref<10240x32xf32, #tpu.memory_space<vmem_shared>>
      tpu.enqueue_indirect_dma source(%arg11 : memref<128x32xf32, #tpu.memory_space<vmem>>) target(%dma_start3A_310 : memref<10240x32xf32, #tpu.memory_space<vmem_shared>>) offsets(%dma_start3A_307 : memref<128xi32, #tpu.memory_space<vmem>>) semaphore(%arg21 : memref<!tpu.dma_semaphore, #tpu.memory_space<semaphore_mem>>) {add = true}
      %add3A_311 = arith.constant 3 : i32
      %add3A_312 = arith.addi %add3A_262, %add3A_311 : i32
      %dma_wait3A_313 = arith.constant 0 : i32
      %dma_wait3A_314 = tpu.memref_slice %arg7[%add3A_312, %dma_wait3A_313] : memref<80x128xi32, #tpu.memory_space<vmem>> -> memref<1x128xi32, #tpu.memory_space<vmem>>
      %dma_wait3A_315 = tpu.memref_squeeze %dma_wait3A_314 : memref<1x128xi32, #tpu.memory_space<vmem>> -> memref<128xi32, #tpu.memory_space<vmem>>
      %dma_wait3A_316 = arith.constant 0 : i32
      %dma_wait3A_317 = arith.constant 0 : i32
      %dma_wait3A_318 = tpu.memref_slice %arg2[%dma_wait3A_316, %dma_wait3A_317] : memref<10000x32xf32, #tpu.memory_space<hbm>> -> memref<10000x32xf32, #tpu.memory_space<hbm>>
      tpu.wait_indirect_dma semaphore(%arg18 : memref<!tpu.dma_semaphore, #tpu.memory_space<semaphore_mem>>) src(%dma_wait3A_318 : memref<10000x32xf32, #tpu.memory_space<hbm>>) dst(%arg12 : memref<128x32xf32, #tpu.memory_space<vmem>>)
      %add3A_319 = arith.constant 3 : i32
      %add3A_320 = arith.addi %add3A_262, %add3A_319 : i32
      %dma_start3A_321 = arith.constant 0 : i32
      %dma_start3A_322 = tpu.memref_slice %arg8[%add3A_320, %dma_start3A_321] : memref<80x128xi32, #tpu.memory_space<vmem>> -> memref<1x128xi32, #tpu.memory_space<vmem>>
      %dma_start3A_323 = tpu.memref_squeeze %dma_start3A_322 : memref<1x128xi32, #tpu.memory_space<vmem>> -> memref<128xi32, #tpu.memory_space<vmem>>
      %dma_start3A_324 = arith.constant 0 : i32
      %dma_start3A_325 = arith.constant 0 : i32
      %dma_start3A_326 = tpu.memref_slice %arg14[%dma_start3A_324, %dma_start3A_325] : memref<10240x32xf32, #tpu.memory_space<vmem_shared>> -> memref<10240x32xf32, #tpu.memory_space<vmem_shared>>
      tpu.enqueue_indirect_dma source(%arg12 : memref<128x32xf32, #tpu.memory_space<vmem>>) target(%dma_start3A_326 : memref<10240x32xf32, #tpu.memory_space<vmem_shared>>) offsets(%dma_start3A_323 : memref<128xi32, #tpu.memory_space<vmem>>) semaphore(%arg22 : memref<!tpu.dma_semaphore, #tpu.memory_space<semaphore_mem>>) {add = true}
      %add3A_327 = arith.constant 0 : i32
      %add3A_328 = arith.addi %add3A_262, %add3A_327 : i32
      %dma_wait3A_329 = arith.constant 0 : i32
      %dma_wait3A_330 = tpu.memref_slice %arg8[%add3A_328, %dma_wait3A_329] : memref<80x128xi32, #tpu.memory_space<vmem>> -> memref<1x128xi32, #tpu.memory_space<vmem>>
      %dma_wait3A_331 = tpu.memref_squeeze %dma_wait3A_330 : memref<1x128xi32, #tpu.memory_space<vmem>> -> memref<128xi32, #tpu.memory_space<vmem>>
      %dma_wait3A_332 = arith.constant 0 : i32
      %dma_wait3A_333 = arith.constant 0 : i32
      %dma_wait3A_334 = tpu.memref_slice %arg14[%dma_wait3A_332, %dma_wait3A_333] : memref<10240x32xf32, #tpu.memory_space<vmem_shared>> -> memref<10240x32xf32, #tpu.memory_space<vmem_shared>>
      tpu.wait_indirect_dma semaphore(%arg19 : memref<!tpu.dma_semaphore, #tpu.memory_space<semaphore_mem>>) src(%arg9 : memref<128x32xf32, #tpu.memory_space<vmem>>) dst(%dma_wait3A_334 : memref<10240x32xf32, #tpu.memory_space<vmem_shared>>)
      %add3A_335 = arith.constant 4 : i32
      %add3A_336 = arith.addi %add3A_262, %add3A_335 : i32
      %add3A_337 = arith.constant 0 : i32
      %add3A_338 = arith.addi %add3A_336, %add3A_337 : i32
      %dma_start3A_339 = arith.constant 0 : i32
      %dma_start3A_340 = tpu.memref_slice %arg7[%add3A_338, %dma_start3A_339] : memref<80x128xi32, #tpu.memory_space<vmem>> -> memref<1x128xi32, #tpu.memory_space<vmem>>
      %dma_start3A_341 = tpu.memref_squeeze %dma_start3A_340 : memref<1x128xi32, #tpu.memory_space<vmem>> -> memref<128xi32, #tpu.memory_space<vmem>>
      %dma_start3A_342 = arith.constant 0 : i32
      %dma_start3A_343 = arith.constant 0 : i32
      %dma_start3A_344 = tpu.memref_slice %arg2[%dma_start3A_342, %dma_start3A_343] : memref<10000x32xf32, #tpu.memory_space<hbm>> -> memref<10000x32xf32, #tpu.memory_space<hbm>>
      tpu.enqueue_indirect_dma source(%dma_start3A_344 : memref<10000x32xf32, #tpu.memory_space<hbm>>) target(%arg9 : memref<128x32xf32, #tpu.memory_space<vmem>>) offsets(%dma_start3A_341 : memref<128xi32, #tpu.memory_space<vmem>>) semaphore(%arg15 : memref<!tpu.dma_semaphore, #tpu.memory_space<semaphore_mem>>)
      %add3A_345 = arith.constant 1 : i32
      %add3A_346 = arith.addi %add3A_262, %add3A_345 : i32
      %dma_wait3A_347 = arith.constant 0 : i32
      %dma_wait3A_348 = tpu.memref_slice %arg8[%add3A_346, %dma_wait3A_347] : memref<80x128xi32, #tpu.memory_space<vmem>> -> memref<1x128xi32, #tpu.memory_space<vmem>>
      %dma_wait3A_349 = tpu.memref_squeeze %dma_wait3A_348 : memref<1x128xi32, #tpu.memory_space<vmem>> -> memref<128xi32, #tpu.memory_space<vmem>>
      %dma_wait3A_350 = arith.constant 0 : i32
      %dma_wait3A_351 = arith.constant 0 : i32
      %dma_wait3A_352 = tpu.memref_slice %arg14[%dma_wait3A_350, %dma_wait3A_351] : memref<10240x32xf32, #tpu.memory_space<vmem_shared>> -> memref<10240x32xf32, #tpu.memory_space<vmem_shared>>
      tpu.wait_indirect_dma semaphore(%arg20 : memref<!tpu.dma_semaphore, #tpu.memory_space<semaphore_mem>>) src(%arg10 : memref<128x32xf32, #tpu.memory_space<vmem>>) dst(%dma_wait3A_352 : memref<10240x32xf32, #tpu.memory_space<vmem_shared>>)
      %add3A_353 = arith.constant 4 : i32
      %add3A_354 = arith.addi %add3A_262, %add3A_353 : i32
      %add3A_355 = arith.constant 1 : i32
      %add3A_356 = arith.addi %add3A_354, %add3A_355 : i32
      %dma_start3A_357 = arith.constant 0 : i32
      %dma_start3A_358 = tpu.memref_slice %arg7[%add3A_356, %dma_start3A_357] : memref<80x128xi32, #tpu.memory_space<vmem>> -> memref<1x128xi32, #tpu.memory_space<vmem>>
      %dma_start3A_359 = tpu.memref_squeeze %dma_start3A_358 : memref<1x128xi32, #tpu.memory_space<vmem>> -> memref<128xi32, #tpu.memory_space<vmem>>
      %dma_start3A_360 = arith.constant 0 : i32
      %dma_start3A_361 = arith.constant 0 : i32
      %dma_start3A_362 = tpu.memref_slice %arg2[%dma_start3A_360, %dma_start3A_361] : memref<10000x32xf32, #tpu.memory_space<hbm>> -> memref<10000x32xf32, #tpu.memory_space<hbm>>
      tpu.enqueue_indirect_dma source(%dma_start3A_362 : memref<10000x32xf32, #tpu.memory_space<hbm>>) target(%arg10 : memref<128x32xf32, #tpu.memory_space<vmem>>) offsets(%dma_start3A_359 : memref<128xi32, #tpu.memory_space<vmem>>) semaphore(%arg16 : memref<!tpu.dma_semaphore, #tpu.memory_space<semaphore_mem>>)
      %add3A_363 = arith.constant 2 : i32
      %add3A_364 = arith.addi %add3A_262, %add3A_363 : i32
      %dma_wait3A_365 = arith.constant 0 : i32
      %dma_wait3A_366 = tpu.memref_slice %arg8[%add3A_364, %dma_wait3A_365] : memref<80x128xi32, #tpu.memory_space<vmem>> -> memref<1x128xi32, #tpu.memory_space<vmem>>
      %dma_wait3A_367 = tpu.memref_squeeze %dma_wait3A_366 : memref<1x128xi32, #tpu.memory_space<vmem>> -> memref<128xi32, #tpu.memory_space<vmem>>
      %dma_wait3A_368 = arith.constant 0 : i32
      %dma_wait3A_369 = arith.constant 0 : i32
      %dma_wait3A_370 = tpu.memref_slice %arg14[%dma_wait3A_368, %dma_wait3A_369] : memref<10240x32xf32, #tpu.memory_space<vmem_shared>> -> memref<10240x32xf32, #tpu.memory_space<vmem_shared>>
      tpu.wait_indirect_dma semaphore(%arg21 : memref<!tpu.dma_semaphore, #tpu.memory_space<semaphore_mem>>) src(%arg11 : memref<128x32xf32, #tpu.memory_space<vmem>>) dst(%dma_wait3A_370 : memref<10240x32xf32, #tpu.memory_space<vmem_shared>>)
      %add3A_371 = arith.constant 4 : i32
      %add3A_372 = arith.addi %add3A_262, %add3A_371 : i32
      %add3A_373 = arith.constant 2 : i32
      %add3A_374 = arith.addi %add3A_372, %add3A_373 : i32
      %dma_start3A_375 = arith.constant 0 : i32
      %dma_start3A_376 = tpu.memref_slice %arg7[%add3A_374, %dma_start3A_375] : memref<80x128xi32, #tpu.memory_space<vmem>> -> memref<1x128xi32, #tpu.memory_space<vmem>>
      %dma_start3A_377 = tpu.memref_squeeze %dma_start3A_376 : memref<1x128xi32, #tpu.memory_space<vmem>> -> memref<128xi32, #tpu.memory_space<vmem>>
      %dma_start3A_378 = arith.constant 0 : i32
      %dma_start3A_379 = arith.constant 0 : i32
      %dma_start3A_380 = tpu.memref_slice %arg2[%dma_start3A_378, %dma_start3A_379] : memref<10000x32xf32, #tpu.memory_space<hbm>> -> memref<10000x32xf32, #tpu.memory_space<hbm>>
      tpu.enqueue_indirect_dma source(%dma_start3A_380 : memref<10000x32xf32, #tpu.memory_space<hbm>>) target(%arg11 : memref<128x32xf32, #tpu.memory_space<vmem>>) offsets(%dma_start3A_377 : memref<128xi32, #tpu.memory_space<vmem>>) semaphore(%arg17 : memref<!tpu.dma_semaphore, #tpu.memory_space<semaphore_mem>>)
      %add3A_381 = arith.constant 3 : i32
      %add3A_382 = arith.addi %add3A_262, %add3A_381 : i32
      %dma_wait3A_383 = arith.constant 0 : i32
      %dma_wait3A_384 = tpu.memref_slice %arg8[%add3A_382, %dma_wait3A_383] : memref<80x128xi32, #tpu.memory_space<vmem>> -> memref<1x128xi32, #tpu.memory_space<vmem>>
      %dma_wait3A_385 = tpu.memref_squeeze %dma_wait3A_384 : memref<1x128xi32, #tpu.memory_space<vmem>> -> memref<128xi32, #tpu.memory_space<vmem>>
      %dma_wait3A_386 = arith.constant 0 : i32
      %dma_wait3A_387 = arith.constant 0 : i32
      %dma_wait3A_388 = tpu.memref_slice %arg14[%dma_wait3A_386, %dma_wait3A_387] : memref<10240x32xf32, #tpu.memory_space<vmem_shared>> -> memref<10240x32xf32, #tpu.memory_space<vmem_shared>>
      tpu.wait_indirect_dma semaphore(%arg22 : memref<!tpu.dma_semaphore, #tpu.memory_space<semaphore_mem>>) src(%arg12 : memref<128x32xf32, #tpu.memory_space<vmem>>) dst(%dma_wait3A_388 : memref<10240x32xf32, #tpu.memory_space<vmem_shared>>)
      %add3A_389 = arith.constant 4 : i32
      %add3A_390 = arith.addi %add3A_262, %add3A_389 : i32
      %add3A_391 = arith.constant 3 : i32
      %add3A_392 = arith.addi %add3A_390, %add3A_391 : i32
      %dma_start3A_393 = arith.constant 0 : i32
      %dma_start3A_394 = tpu.memref_slice %arg7[%add3A_392, %dma_start3A_393] : memref<80x128xi32, #tpu.memory_space<vmem>> -> memref<1x128xi32, #tpu.memory_space<vmem>>
      %dma_start3A_395 = tpu.memref_squeeze %dma_start3A_394 : memref<1x128xi32, #tpu.memory_space<vmem>> -> memref<128xi32, #tpu.memory_space<vmem>>
      %dma_start3A_396 = arith.constant 0 : i32
      %dma_start3A_397 = arith.constant 0 : i32
      %dma_start3A_398 = tpu.memref_slice %arg2[%dma_start3A_396, %dma_start3A_397] : memref<10000x32xf32, #tpu.memory_space<hbm>> -> memref<10000x32xf32, #tpu.memory_space<hbm>>
      tpu.enqueue_indirect_dma source(%dma_start3A_398 : memref<10000x32xf32, #tpu.memory_space<hbm>>) target(%arg12 : memref<128x32xf32, #tpu.memory_space<vmem>>) offsets(%dma_start3A_395 : memref<128xi32, #tpu.memory_space<vmem>>) semaphore(%arg18 : memref<!tpu.dma_semaphore, #tpu.memory_space<semaphore_mem>>)
    }
    %sub3A_139 = arith.constant 4 : i32
    %sub3A_140 = arith.subi %select_n3A, %sub3A_139 : i32
    %add3A_141 = arith.constant 0 : i32
    %add3A_142 = arith.addi %sub3A_140, %add3A_141 : i32
    %dma_wait3A_143 = arith.constant 0 : i32
    %dma_wait3A_144 = tpu.memref_slice %arg7[%add3A_142, %dma_wait3A_143] : memref<80x128xi32, #tpu.memory_space<vmem>> -> memref<1x128xi32, #tpu.memory_space<vmem>>
    %dma_wait3A_145 = tpu.memref_squeeze %dma_wait3A_144 : memref<1x128xi32, #tpu.memory_space<vmem>> -> memref<128xi32, #tpu.memory_space<vmem>>
    %dma_wait3A_146 = arith.constant 0 : i32
    %dma_wait3A_147 = arith.constant 0 : i32
    %dma_wait3A_148 = tpu.memref_slice %arg2[%dma_wait3A_146, %dma_wait3A_147] : memref<10000x32xf32, #tpu.memory_space<hbm>> -> memref<10000x32xf32, #tpu.memory_space<hbm>>
    tpu.wait_indirect_dma semaphore(%arg15 : memref<!tpu.dma_semaphore, #tpu.memory_space<semaphore_mem>>) src(%dma_wait3A_148 : memref<10000x32xf32, #tpu.memory_space<hbm>>) dst(%arg9 : memref<128x32xf32, #tpu.memory_space<vmem>>)
    %sub3A_149 = arith.constant 4 : i32
    %sub3A_150 = arith.subi %select_n3A, %sub3A_149 : i32
    %add3A_151 = arith.constant 0 : i32
    %add3A_152 = arith.addi %sub3A_150, %add3A_151 : i32
    %dma_start3A_153 = arith.constant 0 : i32
    %dma_start3A_154 = tpu.memref_slice %arg8[%add3A_152, %dma_start3A_153] : memref<80x128xi32, #tpu.memory_space<vmem>> -> memref<1x128xi32, #tpu.memory_space<vmem>>
    %dma_start3A_155 = tpu.memref_squeeze %dma_start3A_154 : memref<1x128xi32, #tpu.memory_space<vmem>> -> memref<128xi32, #tpu.memory_space<vmem>>
    %dma_start3A_156 = arith.constant 0 : i32
    %dma_start3A_157 = arith.constant 0 : i32
    %dma_start3A_158 = tpu.memref_slice %arg14[%dma_start3A_156, %dma_start3A_157] : memref<10240x32xf32, #tpu.memory_space<vmem_shared>> -> memref<10240x32xf32, #tpu.memory_space<vmem_shared>>
    tpu.enqueue_indirect_dma source(%arg9 : memref<128x32xf32, #tpu.memory_space<vmem>>) target(%dma_start3A_158 : memref<10240x32xf32, #tpu.memory_space<vmem_shared>>) offsets(%dma_start3A_155 : memref<128xi32, #tpu.memory_space<vmem>>) semaphore(%arg19 : memref<!tpu.dma_semaphore, #tpu.memory_space<semaphore_mem>>) {add = true}
    %sub3A_159 = arith.constant 4 : i32
    %sub3A_160 = arith.subi %select_n3A, %sub3A_159 : i32
    %add3A_161 = arith.constant 1 : i32
    %add3A_162 = arith.addi %sub3A_160, %add3A_161 : i32
    %dma_wait3A_163 = arith.constant 0 : i32
    %dma_wait3A_164 = tpu.memref_slice %arg7[%add3A_162, %dma_wait3A_163] : memref<80x128xi32, #tpu.memory_space<vmem>> -> memref<1x128xi32, #tpu.memory_space<vmem>>
    %dma_wait3A_165 = tpu.memref_squeeze %dma_wait3A_164 : memref<1x128xi32, #tpu.memory_space<vmem>> -> memref<128xi32, #tpu.memory_space<vmem>>
    %dma_wait3A_166 = arith.constant 0 : i32
    %dma_wait3A_167 = arith.constant 0 : i32
    %dma_wait3A_168 = tpu.memref_slice %arg2[%dma_wait3A_166, %dma_wait3A_167] : memref<10000x32xf32, #tpu.memory_space<hbm>> -> memref<10000x32xf32, #tpu.memory_space<hbm>>
    tpu.wait_indirect_dma semaphore(%arg16 : memref<!tpu.dma_semaphore, #tpu.memory_space<semaphore_mem>>) src(%dma_wait3A_168 : memref<10000x32xf32, #tpu.memory_space<hbm>>) dst(%arg10 : memref<128x32xf32, #tpu.memory_space<vmem>>)
    %sub3A_169 = arith.constant 4 : i32
    %sub3A_170 = arith.subi %select_n3A, %sub3A_169 : i32
    %add3A_171 = arith.constant 1 : i32
    %add3A_172 = arith.addi %sub3A_170, %add3A_171 : i32
    %dma_start3A_173 = arith.constant 0 : i32
    %dma_start3A_174 = tpu.memref_slice %arg8[%add3A_172, %dma_start3A_173] : memref<80x128xi32, #tpu.memory_space<vmem>> -> memref<1x128xi32, #tpu.memory_space<vmem>>
    %dma_start3A_175 = tpu.memref_squeeze %dma_start3A_174 : memref<1x128xi32, #tpu.memory_space<vmem>> -> memref<128xi32, #tpu.memory_space<vmem>>
    %dma_start3A_176 = arith.constant 0 : i32
    %dma_start3A_177 = arith.constant 0 : i32
    %dma_start3A_178 = tpu.memref_slice %arg14[%dma_start3A_176, %dma_start3A_177] : memref<10240x32xf32, #tpu.memory_space<vmem_shared>> -> memref<10240x32xf32, #tpu.memory_space<vmem_shared>>
    tpu.enqueue_indirect_dma source(%arg10 : memref<128x32xf32, #tpu.memory_space<vmem>>) target(%dma_start3A_178 : memref<10240x32xf32, #tpu.memory_space<vmem_shared>>) offsets(%dma_start3A_175 : memref<128xi32, #tpu.memory_space<vmem>>) semaphore(%arg20 : memref<!tpu.dma_semaphore, #tpu.memory_space<semaphore_mem>>) {add = true}
    %sub3A_179 = arith.constant 4 : i32
    %sub3A_180 = arith.subi %select_n3A, %sub3A_179 : i32
    %add3A_181 = arith.constant 2 : i32
    %add3A_182 = arith.addi %sub3A_180, %add3A_181 : i32
    %dma_wait3A_183 = arith.constant 0 : i32
    %dma_wait3A_184 = tpu.memref_slice %arg7[%add3A_182, %dma_wait3A_183] : memref<80x128xi32, #tpu.memory_space<vmem>> -> memref<1x128xi32, #tpu.memory_space<vmem>>
    %dma_wait3A_185 = tpu.memref_squeeze %dma_wait3A_184 : memref<1x128xi32, #tpu.memory_space<vmem>> -> memref<128xi32, #tpu.memory_space<vmem>>
    %dma_wait3A_186 = arith.constant 0 : i32
    %dma_wait3A_187 = arith.constant 0 : i32
    %dma_wait3A_188 = tpu.memref_slice %arg2[%dma_wait3A_186, %dma_wait3A_187] : memref<10000x32xf32, #tpu.memory_space<hbm>> -> memref<10000x32xf32, #tpu.memory_space<hbm>>
    tpu.wait_indirect_dma semaphore(%arg17 : memref<!tpu.dma_semaphore, #tpu.memory_space<semaphore_mem>>) src(%dma_wait3A_188 : memref<10000x32xf32, #tpu.memory_space<hbm>>) dst(%arg11 : memref<128x32xf32, #tpu.memory_space<vmem>>)
    %sub3A_189 = arith.constant 4 : i32
    %sub3A_190 = arith.subi %select_n3A, %sub3A_189 : i32
    %add3A_191 = arith.constant 2 : i32
    %add3A_192 = arith.addi %sub3A_190, %add3A_191 : i32
    %dma_start3A_193 = arith.constant 0 : i32
    %dma_start3A_194 = tpu.memref_slice %arg8[%add3A_192, %dma_start3A_193] : memref<80x128xi32, #tpu.memory_space<vmem>> -> memref<1x128xi32, #tpu.memory_space<vmem>>
    %dma_start3A_195 = tpu.memref_squeeze %dma_start3A_194 : memref<1x128xi32, #tpu.memory_space<vmem>> -> memref<128xi32, #tpu.memory_space<vmem>>
    %dma_start3A_196 = arith.constant 0 : i32
    %dma_start3A_197 = arith.constant 0 : i32
    %dma_start3A_198 = tpu.memref_slice %arg14[%dma_start3A_196, %dma_start3A_197] : memref<10240x32xf32, #tpu.memory_space<vmem_shared>> -> memref<10240x32xf32, #tpu.memory_space<vmem_shared>>
    tpu.enqueue_indirect_dma source(%arg11 : memref<128x32xf32, #tpu.memory_space<vmem>>) target(%dma_start3A_198 : memref<10240x32xf32, #tpu.memory_space<vmem_shared>>) offsets(%dma_start3A_195 : memref<128xi32, #tpu.memory_space<vmem>>) semaphore(%arg21 : memref<!tpu.dma_semaphore, #tpu.memory_space<semaphore_mem>>) {add = true}
    %sub3A_199 = arith.constant 4 : i32
    %sub3A_200 = arith.subi %select_n3A, %sub3A_199 : i32
    %add3A_201 = arith.constant 3 : i32
    %add3A_202 = arith.addi %sub3A_200, %add3A_201 : i32
    %dma_wait3A_203 = arith.constant 0 : i32
    %dma_wait3A_204 = tpu.memref_slice %arg7[%add3A_202, %dma_wait3A_203] : memref<80x128xi32, #tpu.memory_space<vmem>> -> memref<1x128xi32, #tpu.memory_space<vmem>>
    %dma_wait3A_205 = tpu.memref_squeeze %dma_wait3A_204 : memref<1x128xi32, #tpu.memory_space<vmem>> -> memref<128xi32, #tpu.memory_space<vmem>>
    %dma_wait3A_206 = arith.constant 0 : i32
    %dma_wait3A_207 = arith.constant 0 : i32
    %dma_wait3A_208 = tpu.memref_slice %arg2[%dma_wait3A_206, %dma_wait3A_207] : memref<10000x32xf32, #tpu.memory_space<hbm>> -> memref<10000x32xf32, #tpu.memory_space<hbm>>
    tpu.wait_indirect_dma semaphore(%arg18 : memref<!tpu.dma_semaphore, #tpu.memory_space<semaphore_mem>>) src(%dma_wait3A_208 : memref<10000x32xf32, #tpu.memory_space<hbm>>) dst(%arg12 : memref<128x32xf32, #tpu.memory_space<vmem>>)
    %sub3A_209 = arith.constant 4 : i32
    %sub3A_210 = arith.subi %select_n3A, %sub3A_209 : i32
    %add3A_211 = arith.constant 3 : i32
    %add3A_212 = arith.addi %sub3A_210, %add3A_211 : i32
    %dma_start3A_213 = arith.constant 0 : i32
    %dma_start3A_214 = tpu.memref_slice %arg8[%add3A_212, %dma_start3A_213] : memref<80x128xi32, #tpu.memory_space<vmem>> -> memref<1x128xi32, #tpu.memory_space<vmem>>
    %dma_start3A_215 = tpu.memref_squeeze %dma_start3A_214 : memref<1x128xi32, #tpu.memory_space<vmem>> -> memref<128xi32, #tpu.memory_space<vmem>>
    %dma_start3A_216 = arith.constant 0 : i32
    %dma_start3A_217 = arith.constant 0 : i32
    %dma_start3A_218 = tpu.memref_slice %arg14[%dma_start3A_216, %dma_start3A_217] : memref<10240x32xf32, #tpu.memory_space<vmem_shared>> -> memref<10240x32xf32, #tpu.memory_space<vmem_shared>>
    tpu.enqueue_indirect_dma source(%arg12 : memref<128x32xf32, #tpu.memory_space<vmem>>) target(%dma_start3A_218 : memref<10240x32xf32, #tpu.memory_space<vmem_shared>>) offsets(%dma_start3A_215 : memref<128xi32, #tpu.memory_space<vmem>>) semaphore(%arg22 : memref<!tpu.dma_semaphore, #tpu.memory_space<semaphore_mem>>) {add = true}
    %sub3A_219 = arith.constant 4 : i32
    %sub3A_220 = arith.subi %select_n3A, %sub3A_219 : i32
    %add3A_221 = arith.constant 0 : i32
    %add3A_222 = arith.addi %sub3A_220, %add3A_221 : i32
    %dma_wait3A_223 = arith.constant 0 : i32
    %dma_wait3A_224 = tpu.memref_slice %arg8[%add3A_222, %dma_wait3A_223] : memref<80x128xi32, #tpu.memory_space<vmem>> -> memref<1x128xi32, #tpu.memory_space<vmem>>
    %dma_wait3A_225 = tpu.memref_squeeze %dma_wait3A_224 : memref<1x128xi32, #tpu.memory_space<vmem>> -> memref<128xi32, #tpu.memory_space<vmem>>
    %dma_wait3A_226 = arith.constant 0 : i32
    %dma_wait3A_227 = arith.constant 0 : i32
    %dma_wait3A_228 = tpu.memref_slice %arg14[%dma_wait3A_226, %dma_wait3A_227] : memref<10240x32xf32, #tpu.memory_space<vmem_shared>> -> memref<10240x32xf32, #tpu.memory_space<vmem_shared>>
    tpu.wait_indirect_dma semaphore(%arg19 : memref<!tpu.dma_semaphore, #tpu.memory_space<semaphore_mem>>) src(%arg9 : memref<128x32xf32, #tpu.memory_space<vmem>>) dst(%dma_wait3A_228 : memref<10240x32xf32, #tpu.memory_space<vmem_shared>>)
    %sub3A_229 = arith.constant 4 : i32
    %sub3A_230 = arith.subi %select_n3A, %sub3A_229 : i32
    %add3A_231 = arith.constant 1 : i32
    %add3A_232 = arith.addi %sub3A_230, %add3A_231 : i32
    %dma_wait3A_233 = arith.constant 0 : i32
    %dma_wait3A_234 = tpu.memref_slice %arg8[%add3A_232, %dma_wait3A_233] : memref<80x128xi32, #tpu.memory_space<vmem>> -> memref<1x128xi32, #tpu.memory_space<vmem>>
    %dma_wait3A_235 = tpu.memref_squeeze %dma_wait3A_234 : memref<1x128xi32, #tpu.memory_space<vmem>> -> memref<128xi32, #tpu.memory_space<vmem>>
    %dma_wait3A_236 = arith.constant 0 : i32
    %dma_wait3A_237 = arith.constant 0 : i32
    %dma_wait3A_238 = tpu.memref_slice %arg14[%dma_wait3A_236, %dma_wait3A_237] : memref<10240x32xf32, #tpu.memory_space<vmem_shared>> -> memref<10240x32xf32, #tpu.memory_space<vmem_shared>>
    tpu.wait_indirect_dma semaphore(%arg20 : memref<!tpu.dma_semaphore, #tpu.memory_space<semaphore_mem>>) src(%arg10 : memref<128x32xf32, #tpu.memory_space<vmem>>) dst(%dma_wait3A_238 : memref<10240x32xf32, #tpu.memory_space<vmem_shared>>)
    %sub3A_239 = arith.constant 4 : i32
    %sub3A_240 = arith.subi %select_n3A, %sub3A_239 : i32
    %add3A_241 = arith.constant 2 : i32
    %add3A_242 = arith.addi %sub3A_240, %add3A_241 : i32
    %dma_wait3A_243 = arith.constant 0 : i32
    %dma_wait3A_244 = tpu.memref_slice %arg8[%add3A_242, %dma_wait3A_243] : memref<80x128xi32, #tpu.memory_space<vmem>> -> memref<1x128xi32, #tpu.memory_space<vmem>>
    %dma_wait3A_245 = tpu.memref_squeeze %dma_wait3A_244 : memref<1x128xi32, #tpu.memory_space<vmem>> -> memref<128xi32, #tpu.memory_space<vmem>>
    %dma_wait3A_246 = arith.constant 0 : i32
    %dma_wait3A_247 = arith.constant 0 : i32
    %dma_wait3A_248 = tpu.memref_slice %arg14[%dma_wait3A_246, %dma_wait3A_247] : memref<10240x32xf32, #tpu.memory_space<vmem_shared>> -> memref<10240x32xf32, #tpu.memory_space<vmem_shared>>
    tpu.wait_indirect_dma semaphore(%arg21 : memref<!tpu.dma_semaphore, #tpu.memory_space<semaphore_mem>>) src(%arg11 : memref<128x32xf32, #tpu.memory_space<vmem>>) dst(%dma_wait3A_248 : memref<10240x32xf32, #tpu.memory_space<vmem_shared>>)
    %sub3A_249 = arith.constant 4 : i32
    %sub3A_250 = arith.subi %select_n3A, %sub3A_249 : i32
    %add3A_251 = arith.constant 3 : i32
    %add3A_252 = arith.addi %sub3A_250, %add3A_251 : i32
    %dma_wait3A_253 = arith.constant 0 : i32
    %dma_wait3A_254 = tpu.memref_slice %arg8[%add3A_252, %dma_wait3A_253] : memref<80x128xi32, #tpu.memory_space<vmem>> -> memref<1x128xi32, #tpu.memory_space<vmem>>
    %dma_wait3A_255 = tpu.memref_squeeze %dma_wait3A_254 : memref<1x128xi32, #tpu.memory_space<vmem>> -> memref<128xi32, #tpu.memory_space<vmem>>
    %dma_wait3A_256 = arith.constant 0 : i32
    %dma_wait3A_257 = arith.constant 0 : i32
    %dma_wait3A_258 = tpu.memref_slice %arg14[%dma_wait3A_256, %dma_wait3A_257] : memref<10240x32xf32, #tpu.memory_space<vmem_shared>> -> memref<10240x32xf32, #tpu.memory_space<vmem_shared>>
    tpu.wait_indirect_dma semaphore(%arg22 : memref<!tpu.dma_semaphore, #tpu.memory_space<semaphore_mem>>) src(%arg12 : memref<128x32xf32, #tpu.memory_space<vmem>>) dst(%dma_wait3A_258 : memref<10240x32xf32, #tpu.memory_space<vmem_shared>>)
    %barrier3A_259 = arith.constant 0 : index
    tpu.barrier barrier_id(%barrier3A_259)
    "tpu.region"() ({
      %run_scoped3A = tpu.sem_alloc : memref<!tpu.dma_semaphore, #tpu.memory_space<semaphore_mem>>
      %dma_start3A_260 = arith.constant 0 : i32
      %dma_start3A_261 = tpu.memref_slice %arg14[%mul3A_2, %dma_start3A_260] : memref<10240x32xf32, #tpu.memory_space<vmem_shared>> -> memref<640x32xf32, #tpu.memory_space<vmem_shared>>
      %dma_start3A_262 = arith.constant 0 : i32
      %dma_start3A_263 = tpu.memref_slice %arg14[%mul3A_2, %dma_start3A_262] : memref<10240x32xf32, #tpu.memory_space<vmem_shared>> -> memref<640x32xf32, #tpu.memory_space<vmem_shared>>
      tpu.enqueue_dma source(%dma_start3A_263 : memref<640x32xf32, #tpu.memory_space<vmem_shared>>) target(%arg13 : memref<640x32xf32, #tpu.memory_space<vmem>>) target_semaphore(%run_scoped3A : memref<!tpu.dma_semaphore, #tpu.memory_space<semaphore_mem>>)
      %dma_wait3A_264 = arith.constant 0 : i32
      %dma_wait3A_265 = tpu.memref_slice %arg14[%mul3A_2, %dma_wait3A_264] : memref<10240x32xf32, #tpu.memory_space<vmem_shared>> -> memref<640x32xf32, #tpu.memory_space<vmem_shared>>
      %dma_wait3A_266 = arith.constant 0 : i32
      %dma_wait3A_267 = tpu.memref_slice %arg14[%mul3A_2, %dma_wait3A_266] : memref<10240x32xf32, #tpu.memory_space<vmem_shared>> -> memref<640x32xf32, #tpu.memory_space<vmem_shared>>
      tpu.wait_dma2 semaphore(%run_scoped3A : memref<!tpu.dma_semaphore, #tpu.memory_space<semaphore_mem>>) src(%dma_wait3A_267 : memref<640x32xf32, #tpu.memory_space<vmem_shared>>) dst(%arg13 : memref<640x32xf32, #tpu.memory_space<vmem>>)
      tpu.yield
    }) : () -> ()
    "tpu.region"() ({
      %run_scoped3A = tpu.sem_alloc : memref<!tpu.dma_semaphore, #tpu.memory_space<semaphore_mem>>
      %dma_start3A_260 = arith.constant 0 : i32
      %dma_start3A_261 = tpu.memref_slice %arg6[%arg0, %mul3A_2, %dma_start3A_260] : memref<2x10240x32xf32, #tpu.memory_space<hbm>> -> memref<1x640x32xf32, #tpu.memory_space<hbm>>
      %dma_start3A_262 = tpu.memref_squeeze %dma_start3A_261 : memref<1x640x32xf32, #tpu.memory_space<hbm>> -> memref<640x32xf32, #tpu.memory_space<hbm>>
      %dma_start3A_263 = arith.constant 0 : i32
      %dma_start3A_264 = tpu.memref_slice %arg6[%arg0, %mul3A_2, %dma_start3A_263] : memref<2x10240x32xf32, #tpu.memory_space<hbm>> -> memref<1x640x32xf32, #tpu.memory_space<hbm>>
      %dma_start3A_265 = tpu.memref_squeeze %dma_start3A_264 : memref<1x640x32xf32, #tpu.memory_space<hbm>> -> memref<640x32xf32, #tpu.memory_space<hbm>>
      tpu.enqueue_dma source(%arg13 : memref<640x32xf32, #tpu.memory_space<vmem>>) target(%dma_start3A_265 : memref<640x32xf32, #tpu.memory_space<hbm>>) target_semaphore(%run_scoped3A : memref<!tpu.dma_semaphore, #tpu.memory_space<semaphore_mem>>)
      %dma_wait3A_266 = arith.constant 0 : i32
      %dma_wait3A_267 = tpu.memref_slice %arg6[%arg0, %mul3A_2, %dma_wait3A_266] : memref<2x10240x32xf32, #tpu.memory_space<hbm>> -> memref<1x640x32xf32, #tpu.memory_space<hbm>>
      %dma_wait3A_268 = tpu.memref_squeeze %dma_wait3A_267 : memref<1x640x32xf32, #tpu.memory_space<hbm>> -> memref<640x32xf32, #tpu.memory_space<hbm>>
      %dma_wait3A_269 = arith.constant 0 : i32
      %dma_wait3A_270 = tpu.memref_slice %arg6[%arg0, %mul3A_2, %dma_wait3A_269] : memref<2x10240x32xf32, #tpu.memory_space<hbm>> -> memref<1x640x32xf32, #tpu.memory_space<hbm>>
      %dma_wait3A_271 = tpu.memref_squeeze %dma_wait3A_270 : memref<1x640x32xf32, #tpu.memory_space<hbm>> -> memref<640x32xf32, #tpu.memory_space<hbm>>
      tpu.wait_dma2 semaphore(%run_scoped3A : memref<!tpu.dma_semaphore, #tpu.memory_space<semaphore_mem>>) src(%arg13 : memref<640x32xf32, #tpu.memory_space<vmem>>) dst(%dma_wait3A_271 : memref<640x32xf32, #tpu.memory_space<hbm>>)
      tpu.yield
    }) : () -> ()
    return
  }
}

#map = affine_map<(d0, d1) -> (0, 0)>
#map1 = affine_map<(d0, d1) -> (0, 0, 0)>
module attributes {stable_mosaic.version = 14 : i64} {
  func.func @k(%arg0: i32, %arg1: i32, %arg2: memref<10000x16xf32, #tpu.memory_space<hbm>>, %arg3: memref<2500x128xi32, #tpu.memory_space<hbm>>, %arg4: memref<2500x128xi32, #tpu.memory_space<hbm>>, %arg5: memref<640x16xf32, #tpu.memory_space<hbm>>, %arg6: memref<2x10240x16xf32, #tpu.memory_space<hbm>>, %arg7: memref<80x128xi32, #tpu.memory_space<vmem>>, %arg8: memref<80x128xi32, #tpu.memory_space<vmem>>, %arg9: memref<128x16xf32, #tpu.memory_space<vmem>>, %arg10: memref<128x16xf32, #tpu.memory_space<vmem>>, %arg11: memref<128x16xf32, #tpu.memory_space<vmem>>, %arg12: memref<128x16xf32, #tpu.memory_space<vmem>>, %arg13: memref<640x16xf32, #tpu.memory_space<vmem>>, %arg14: memref<10240x16xf32, #tpu.memory_space<vmem_shared>>, %arg15: memref<!tpu.dma_semaphore, #tpu.memory_space<semaphore_mem>>, %arg16: memref<!tpu.dma_semaphore, #tpu.memory_space<semaphore_mem>>, %arg17: memref<!tpu.dma_semaphore, #tpu.memory_space<semaphore_mem>>, %arg18: memref<!tpu.dma_semaphore, #tpu.memory_space<semaphore_mem>>, %arg19: memref<!tpu.dma_semaphore, #tpu.memory_space<semaphore_mem>>, %arg20: memref<!tpu.dma_semaphore, #tpu.memory_space<semaphore_mem>>, %arg21: memref<!tpu.dma_semaphore, #tpu.memory_space<semaphore_mem>>, %arg22: memref<!tpu.dma_semaphore, #tpu.memory_space<semaphore_mem>>) attributes {dimension_semantics = [#tpu.dimension_semantics<core_parallel>, #tpu.dimension_semantics<subcore_parallel>], iteration_bounds = array<i64: 2, 16>, scalar_prefetch = 0 : i64, scratch_operands = 16 : i64, tpu.core_type = #tpu.core_type<sc_vector_subcore>, window_params = [{transform_indices = #map}, {transform_indices = #map}, {transform_indices = #map}, {transform_indices = #map}, {transform_indices = #map1}]} {
    %mul3A = arith.constant 16 : i32
    %mul3A_0 = arith.muli %arg0, %mul3A : i32
    %add3A = arith.addi %mul3A_0, %arg1 : i32
    %mul3A_1 = arith.constant 640 : i32
    %mul3A_2 = arith.muli %arg1, %mul3A_1 : i32
    %mul3A_3 = arith.constant 76 : i32
    %mul3A_4 = arith.muli %add3A, %mul3A_3 : i32
    %min3A = arith.constant 17 : i32
    %min3A_5 = arith.minsi %add3A, %min3A : i32
    %mul3A_6 = arith.constant 4 : i32
    %mul3A_7 = arith.muli %min3A_5, %mul3A_6 : i32
    %add3A_8 = arith.addi %mul3A_4, %mul3A_7 : i32
    %lt3A = arith.constant 17 : i32
    %lt3A_9 = arith.cmpi slt, %add3A, %lt3A : i32
    %jit3A = arith.constant 80 : i32
    %jit3A_10 = arith.constant 76 : i32
    %select_n3A = arith.select %lt3A_9, %jit3A, %jit3A_10 : i32
    %add3A_11 = arith.constant 76 : i32
    %add3A_12 = arith.addi %add3A_8, %add3A_11 : i32
    %min3A_13 = arith.constant 2496 : i32
    %min3A_14 = arith.minsi %add3A_12, %min3A_13 : i32
    %dma_start3A = arith.constant 0 : i32
    %dma_start3A_15 = arith.constant 0 : i32
    %dma_start3A_16 = tpu.memref_slice %arg7[%dma_start3A, %dma_start3A_15] : memref<80x128xi32, #tpu.memory_space<vmem>> -> memref<76x128xi32, #tpu.memory_space<vmem>>
    %dma_start3A_17 = arith.constant 0 : i32
    %dma_start3A_18 = tpu.memref_slice %arg3[%add3A_8, %dma_start3A_17] : memref<2500x128xi32, #tpu.memory_space<hbm>> -> memref<76x128xi32, #tpu.memory_space<hbm>>
    %dma_start3A_19 = arith.constant 0 : i32
    %dma_start3A_20 = arith.constant 0 : i32
    %dma_start3A_21 = tpu.memref_slice %arg7[%dma_start3A_19, %dma_start3A_20] : memref<80x128xi32, #tpu.memory_space<vmem>> -> memref<76x128xi32, #tpu.memory_space<vmem>>
    %dma_start3A_22 = arith.constant 0 : i32
    %dma_start3A_23 = tpu.memref_slice %arg3[%add3A_8, %dma_start3A_22] : memref<2500x128xi32, #tpu.memory_space<hbm>> -> memref<76x128xi32, #tpu.memory_space<hbm>>
    tpu.enqueue_dma source(%dma_start3A_23 : memref<76x128xi32, #tpu.memory_space<hbm>>) target(%dma_start3A_21 : memref<76x128xi32, #tpu.memory_space<vmem>>) target_semaphore(%arg15 : memref<!tpu.dma_semaphore, #tpu.memory_space<semaphore_mem>>)
    %dma_start3A_24 = arith.constant 0 : i32
    %dma_start3A_25 = arith.constant 0 : i32
    %dma_start3A_26 = tpu.memref_slice %arg8[%dma_start3A_24, %dma_start3A_25] : memref<80x128xi32, #tpu.memory_space<vmem>> -> memref<76x128xi32, #tpu.memory_space<vmem>>
    %dma_start3A_27 = arith.constant 0 : i32
    %dma_start3A_28 = tpu.memref_slice %arg4[%add3A_8, %dma_start3A_27] : memref<2500x128xi32, #tpu.memory_space<hbm>> -> memref<76x128xi32, #tpu.memory_space<hbm>>
    %dma_start3A_29 = arith.constant 0 : i32
    %dma_start3A_30 = arith.constant 0 : i32
    %dma_start3A_31 = tpu.memref_slice %arg8[%dma_start3A_29, %dma_start3A_30] : memref<80x128xi32, #tpu.memory_space<vmem>> -> memref<76x128xi32, #tpu.memory_space<vmem>>
    %dma_start3A_32 = arith.constant 0 : i32
    %dma_start3A_33 = tpu.memref_slice %arg4[%add3A_8, %dma_start3A_32] : memref<2500x128xi32, #tpu.memory_space<hbm>> -> memref<76x128xi32, #tpu.memory_space<hbm>>
    tpu.enqueue_dma source(%dma_start3A_33 : memref<76x128xi32, #tpu.memory_space<hbm>>) target(%dma_start3A_31 : memref<76x128xi32, #tpu.memory_space<vmem>>) target_semaphore(%arg16 : memref<!tpu.dma_semaphore, #tpu.memory_space<semaphore_mem>>)
    %dma_start3A_34 = arith.constant 76 : i32
    %dma_start3A_35 = arith.constant 0 : i32
    %dma_start3A_36 = tpu.memref_slice %arg7[%dma_start3A_34, %dma_start3A_35] : memref<80x128xi32, #tpu.memory_space<vmem>> -> memref<4x128xi32, #tpu.memory_space<vmem>>
    %dma_start3A_37 = arith.constant 0 : i32
    %dma_start3A_38 = tpu.memref_slice %arg3[%min3A_14, %dma_start3A_37] : memref<2500x128xi32, #tpu.memory_space<hbm>> -> memref<4x128xi32, #tpu.memory_space<hbm>>
    %dma_start3A_39 = arith.constant 76 : i32
    %dma_start3A_40 = arith.constant 0 : i32
    %dma_start3A_41 = tpu.memref_slice %arg7[%dma_start3A_39, %dma_start3A_40] : memref<80x128xi32, #tpu.memory_space<vmem>> -> memref<4x128xi32, #tpu.memory_space<vmem>>
    %dma_start3A_42 = arith.constant 0 : i32
    %dma_start3A_43 = tpu.memref_slice %arg3[%min3A_14, %dma_start3A_42] : memref<2500x128xi32, #tpu.memory_space<hbm>> -> memref<4x128xi32, #tpu.memory_space<hbm>>
    tpu.enqueue_dma source(%dma_start3A_43 : memref<4x128xi32, #tpu.memory_space<hbm>>) target(%dma_start3A_41 : memref<4x128xi32, #tpu.memory_space<vmem>>) target_semaphore(%arg17 : memref<!tpu.dma_semaphore, #tpu.memory_space<semaphore_mem>>)
    %dma_start3A_44 = arith.constant 76 : i32
    %dma_start3A_45 = arith.constant 0 : i32
    %dma_start3A_46 = tpu.memref_slice %arg8[%dma_start3A_44, %dma_start3A_45] : memref<80x128xi32, #tpu.memory_space<vmem>> -> memref<4x128xi32, #tpu.memory_space<vmem>>
    %dma_start3A_47 = arith.constant 0 : i32
    %dma_start3A_48 = tpu.memref_slice %arg4[%min3A_14, %dma_start3A_47] : memref<2500x128xi32, #tpu.memory_space<hbm>> -> memref<4x128xi32, #tpu.memory_space<hbm>>
    %dma_start3A_49 = arith.constant 76 : i32
    %dma_start3A_50 = arith.constant 0 : i32
    %dma_start3A_51 = tpu.memref_slice %arg8[%dma_start3A_49, %dma_start3A_50] : memref<80x128xi32, #tpu.memory_space<vmem>> -> memref<4x128xi32, #tpu.memory_space<vmem>>
    %dma_start3A_52 = arith.constant 0 : i32
    %dma_start3A_53 = tpu.memref_slice %arg4[%min3A_14, %dma_start3A_52] : memref<2500x128xi32, #tpu.memory_space<hbm>> -> memref<4x128xi32, #tpu.memory_space<hbm>>
    tpu.enqueue_dma source(%dma_start3A_53 : memref<4x128xi32, #tpu.memory_space<hbm>>) target(%dma_start3A_51 : memref<4x128xi32, #tpu.memory_space<vmem>>) target_semaphore(%arg18 : memref<!tpu.dma_semaphore, #tpu.memory_space<semaphore_mem>>)
    "tpu.region"() ({
      %run_scoped3A = tpu.sem_alloc : memref<!tpu.dma_semaphore, #tpu.memory_space<semaphore_mem>>
      tpu.enqueue_dma source(%arg5 : memref<640x16xf32, #tpu.memory_space<hbm>>) target(%arg13 : memref<640x16xf32, #tpu.memory_space<vmem>>) target_semaphore(%run_scoped3A : memref<!tpu.dma_semaphore, #tpu.memory_space<semaphore_mem>>)
      tpu.wait_dma2 semaphore(%run_scoped3A : memref<!tpu.dma_semaphore, #tpu.memory_space<semaphore_mem>>) src(%arg5 : memref<640x16xf32, #tpu.memory_space<hbm>>) dst(%arg13 : memref<640x16xf32, #tpu.memory_space<vmem>>)
      tpu.yield
    }) : () -> ()
    "tpu.region"() ({
      %run_scoped3A = tpu.sem_alloc : memref<!tpu.dma_semaphore, #tpu.memory_space<semaphore_mem>>
      %dma_start3A_260 = arith.constant 0 : i32
      %dma_start3A_261 = tpu.memref_slice %arg14[%mul3A_2, %dma_start3A_260] : memref<10240x16xf32, #tpu.memory_space<vmem_shared>> -> memref<640x16xf32, #tpu.memory_space<vmem_shared>>
      %dma_start3A_262 = arith.constant 0 : i32
      %dma_start3A_263 = tpu.memref_slice %arg14[%mul3A_2, %dma_start3A_262] : memref<10240x16xf32, #tpu.memory_space<vmem_shared>> -> memref<640x16xf32, #tpu.memory_space<vmem_shared>>
      tpu.enqueue_dma source(%arg13 : memref<640x16xf32, #tpu.memory_space<vmem>>) target(%dma_start3A_263 : memref<640x16xf32, #tpu.memory_space<vmem_shared>>) target_semaphore(%run_scoped3A : memref<!tpu.dma_semaphore, #tpu.memory_space<semaphore_mem>>)
      %dma_wait3A_264 = arith.constant 0 : i32
      %dma_wait3A_265 = tpu.memref_slice %arg14[%mul3A_2, %dma_wait3A_264] : memref<10240x16xf32, #tpu.memory_space<vmem_shared>> -> memref<640x16xf32, #tpu.memory_space<vmem_shared>>
      %dma_wait3A_266 = arith.constant 0 : i32
      %dma_wait3A_267 = tpu.memref_slice %arg14[%mul3A_2, %dma_wait3A_266] : memref<10240x16xf32, #tpu.memory_space<vmem_shared>> -> memref<640x16xf32, #tpu.memory_space<vmem_shared>>
      tpu.wait_dma2 semaphore(%run_scoped3A : memref<!tpu.dma_semaphore, #tpu.memory_space<semaphore_mem>>) src(%arg13 : memref<640x16xf32, #tpu.memory_space<vmem>>) dst(%dma_wait3A_267 : memref<640x16xf32, #tpu.memory_space<vmem_shared>>)
      tpu.yield
    }) : () -> ()
    %dma_wait3A = arith.constant 0 : i32
    %dma_wait3A_54 = arith.constant 0 : i32
    %dma_wait3A_55 = tpu.memref_slice %arg7[%dma_wait3A, %dma_wait3A_54] : memref<80x128xi32, #tpu.memory_space<vmem>> -> memref<76x128xi32, #tpu.memory_space<vmem>>
    %dma_wait3A_56 = arith.constant 0 : i32
    %dma_wait3A_57 = tpu.memref_slice %arg3[%add3A_8, %dma_wait3A_56] : memref<2500x128xi32, #tpu.memory_space<hbm>> -> memref<76x128xi32, #tpu.memory_space<hbm>>
    %dma_wait3A_58 = arith.constant 0 : i32
    %dma_wait3A_59 = arith.constant 0 : i32
    %dma_wait3A_60 = tpu.memref_slice %arg7[%dma_wait3A_58, %dma_wait3A_59] : memref<80x128xi32, #tpu.memory_space<vmem>> -> memref<76x128xi32, #tpu.memory_space<vmem>>
    %dma_wait3A_61 = arith.constant 0 : i32
    %dma_wait3A_62 = tpu.memref_slice %arg3[%add3A_8, %dma_wait3A_61] : memref<2500x128xi32, #tpu.memory_space<hbm>> -> memref<76x128xi32, #tpu.memory_space<hbm>>
    tpu.wait_dma2 semaphore(%arg15 : memref<!tpu.dma_semaphore, #tpu.memory_space<semaphore_mem>>) src(%dma_wait3A_62 : memref<76x128xi32, #tpu.memory_space<hbm>>) dst(%dma_wait3A_60 : memref<76x128xi32, #tpu.memory_space<vmem>>)
    %dma_wait3A_63 = arith.constant 0 : i32
    %dma_wait3A_64 = arith.constant 0 : i32
    %dma_wait3A_65 = tpu.memref_slice %arg8[%dma_wait3A_63, %dma_wait3A_64] : memref<80x128xi32, #tpu.memory_space<vmem>> -> memref<76x128xi32, #tpu.memory_space<vmem>>
    %dma_wait3A_66 = arith.constant 0 : i32
    %dma_wait3A_67 = tpu.memref_slice %arg4[%add3A_8, %dma_wait3A_66] : memref<2500x128xi32, #tpu.memory_space<hbm>> -> memref<76x128xi32, #tpu.memory_space<hbm>>
    %dma_wait3A_68 = arith.constant 0 : i32
    %dma_wait3A_69 = arith.constant 0 : i32
    %dma_wait3A_70 = tpu.memref_slice %arg8[%dma_wait3A_68, %dma_wait3A_69] : memref<80x128xi32, #tpu.memory_space<vmem>> -> memref<76x128xi32, #tpu.memory_space<vmem>>
    %dma_wait3A_71 = arith.constant 0 : i32
    %dma_wait3A_72 = tpu.memref_slice %arg4[%add3A_8, %dma_wait3A_71] : memref<2500x128xi32, #tpu.memory_space<hbm>> -> memref<76x128xi32, #tpu.memory_space<hbm>>
    tpu.wait_dma2 semaphore(%arg16 : memref<!tpu.dma_semaphore, #tpu.memory_space<semaphore_mem>>) src(%dma_wait3A_72 : memref<76x128xi32, #tpu.memory_space<hbm>>) dst(%dma_wait3A_70 : memref<76x128xi32, #tpu.memory_space<vmem>>)
    %dma_wait3A_73 = arith.constant 76 : i32
    %dma_wait3A_74 = arith.constant 0 : i32
    %dma_wait3A_75 = tpu.memref_slice %arg7[%dma_wait3A_73, %dma_wait3A_74] : memref<80x128xi32, #tpu.memory_space<vmem>> -> memref<4x128xi32, #tpu.memory_space<vmem>>
    %dma_wait3A_76 = arith.constant 0 : i32
    %dma_wait3A_77 = tpu.memref_slice %arg3[%min3A_14, %dma_wait3A_76] : memref<2500x128xi32, #tpu.memory_space<hbm>> -> memref<4x128xi32, #tpu.memory_space<hbm>>
    %dma_wait3A_78 = arith.constant 76 : i32
    %dma_wait3A_79 = arith.constant 0 : i32
    %dma_wait3A_80 = tpu.memref_slice %arg7[%dma_wait3A_78, %dma_wait3A_79] : memref<80x128xi32, #tpu.memory_space<vmem>> -> memref<4x128xi32, #tpu.memory_space<vmem>>
    %dma_wait3A_81 = arith.constant 0 : i32
    %dma_wait3A_82 = tpu.memref_slice %arg3[%min3A_14, %dma_wait3A_81] : memref<2500x128xi32, #tpu.memory_space<hbm>> -> memref<4x128xi32, #tpu.memory_space<hbm>>
    tpu.wait_dma2 semaphore(%arg17 : memref<!tpu.dma_semaphore, #tpu.memory_space<semaphore_mem>>) src(%dma_wait3A_82 : memref<4x128xi32, #tpu.memory_space<hbm>>) dst(%dma_wait3A_80 : memref<4x128xi32, #tpu.memory_space<vmem>>)
    %dma_wait3A_83 = arith.constant 76 : i32
    %dma_wait3A_84 = arith.constant 0 : i32
    %dma_wait3A_85 = tpu.memref_slice %arg8[%dma_wait3A_83, %dma_wait3A_84] : memref<80x128xi32, #tpu.memory_space<vmem>> -> memref<4x128xi32, #tpu.memory_space<vmem>>
    %dma_wait3A_86 = arith.constant 0 : i32
    %dma_wait3A_87 = tpu.memref_slice %arg4[%min3A_14, %dma_wait3A_86] : memref<2500x128xi32, #tpu.memory_space<hbm>> -> memref<4x128xi32, #tpu.memory_space<hbm>>
    %dma_wait3A_88 = arith.constant 76 : i32
    %dma_wait3A_89 = arith.constant 0 : i32
    %dma_wait3A_90 = tpu.memref_slice %arg8[%dma_wait3A_88, %dma_wait3A_89] : memref<80x128xi32, #tpu.memory_space<vmem>> -> memref<4x128xi32, #tpu.memory_space<vmem>>
    %dma_wait3A_91 = arith.constant 0 : i32
    %dma_wait3A_92 = tpu.memref_slice %arg4[%min3A_14, %dma_wait3A_91] : memref<2500x128xi32, #tpu.memory_space<hbm>> -> memref<4x128xi32, #tpu.memory_space<hbm>>
    tpu.wait_dma2 semaphore(%arg18 : memref<!tpu.dma_semaphore, #tpu.memory_space<semaphore_mem>>) src(%dma_wait3A_92 : memref<4x128xi32, #tpu.memory_space<hbm>>) dst(%dma_wait3A_90 : memref<4x128xi32, #tpu.memory_space<vmem>>)
    %barrier3A = arith.constant 0 : index
    tpu.barrier barrier_id(%barrier3A)
    %dma_start3A_93 = arith.constant 0 : i32
    %dma_start3A_94 = arith.constant 0 : i32
    %dma_start3A_95 = tpu.memref_slice %arg7[%dma_start3A_93, %dma_start3A_94] : memref<80x128xi32, #tpu.memory_space<vmem>> -> memref<1x128xi32, #tpu.memory_space<vmem>>
    %dma_start3A_96 = tpu.memref_squeeze %dma_start3A_95 : memref<1x128xi32, #tpu.memory_space<vmem>> -> memref<128xi32, #tpu.memory_space<vmem>>
    %dma_start3A_97 = arith.constant 0 : i32
    %dma_start3A_98 = arith.constant 0 : i32
    %dma_start3A_99 = tpu.memref_slice %arg2[%dma_start3A_97, %dma_start3A_98] : memref<10000x16xf32, #tpu.memory_space<hbm>> -> memref<10000x16xf32, #tpu.memory_space<hbm>>
    tpu.enqueue_indirect_dma source(%dma_start3A_99 : memref<10000x16xf32, #tpu.memory_space<hbm>>) target(%arg9 : memref<128x16xf32, #tpu.memory_space<vmem>>) offsets(%dma_start3A_96 : memref<128xi32, #tpu.memory_space<vmem>>) semaphore(%arg15 : memref<!tpu.dma_semaphore, #tpu.memory_space<semaphore_mem>>)
    %dma_start3A_100 = arith.constant 1 : i32
    %dma_start3A_101 = arith.constant 0 : i32
    %dma_start3A_102 = tpu.memref_slice %arg7[%dma_start3A_100, %dma_start3A_101] : memref<80x128xi32, #tpu.memory_space<vmem>> -> memref<1x128xi32, #tpu.memory_space<vmem>>
    %dma_start3A_103 = tpu.memref_squeeze %dma_start3A_102 : memref<1x128xi32, #tpu.memory_space<vmem>> -> memref<128xi32, #tpu.memory_space<vmem>>
    %dma_start3A_104 = arith.constant 0 : i32
    %dma_start3A_105 = arith.constant 0 : i32
    %dma_start3A_106 = tpu.memref_slice %arg2[%dma_start3A_104, %dma_start3A_105] : memref<10000x16xf32, #tpu.memory_space<hbm>> -> memref<10000x16xf32, #tpu.memory_space<hbm>>
    tpu.enqueue_indirect_dma source(%dma_start3A_106 : memref<10000x16xf32, #tpu.memory_space<hbm>>) target(%arg10 : memref<128x16xf32, #tpu.memory_space<vmem>>) offsets(%dma_start3A_103 : memref<128xi32, #tpu.memory_space<vmem>>) semaphore(%arg16 : memref<!tpu.dma_semaphore, #tpu.memory_space<semaphore_mem>>)
    %dma_start3A_107 = arith.constant 2 : i32
    %dma_start3A_108 = arith.constant 0 : i32
    %dma_start3A_109 = tpu.memref_slice %arg7[%dma_start3A_107, %dma_start3A_108] : memref<80x128xi32, #tpu.memory_space<vmem>> -> memref<1x128xi32, #tpu.memory_space<vmem>>
    %dma_start3A_110 = tpu.memref_squeeze %dma_start3A_109 : memref<1x128xi32, #tpu.memory_space<vmem>> -> memref<128xi32, #tpu.memory_space<vmem>>
    %dma_start3A_111 = arith.constant 0 : i32
    %dma_start3A_112 = arith.constant 0 : i32
    %dma_start3A_113 = tpu.memref_slice %arg2[%dma_start3A_111, %dma_start3A_112] : memref<10000x16xf32, #tpu.memory_space<hbm>> -> memref<10000x16xf32, #tpu.memory_space<hbm>>
    tpu.enqueue_indirect_dma source(%dma_start3A_113 : memref<10000x16xf32, #tpu.memory_space<hbm>>) target(%arg11 : memref<128x16xf32, #tpu.memory_space<vmem>>) offsets(%dma_start3A_110 : memref<128xi32, #tpu.memory_space<vmem>>) semaphore(%arg17 : memref<!tpu.dma_semaphore, #tpu.memory_space<semaphore_mem>>)
    %dma_start3A_114 = arith.constant 3 : i32
    %dma_start3A_115 = arith.constant 0 : i32
    %dma_start3A_116 = tpu.memref_slice %arg7[%dma_start3A_114, %dma_start3A_115] : memref<80x128xi32, #tpu.memory_space<vmem>> -> memref<1x128xi32, #tpu.memory_space<vmem>>
    %dma_start3A_117 = tpu.memref_squeeze %dma_start3A_116 : memref<1x128xi32, #tpu.memory_space<vmem>> -> memref<128xi32, #tpu.memory_space<vmem>>
    %dma_start3A_118 = arith.constant 0 : i32
    %dma_start3A_119 = arith.constant 0 : i32
    %dma_start3A_120 = tpu.memref_slice %arg2[%dma_start3A_118, %dma_start3A_119] : memref<10000x16xf32, #tpu.memory_space<hbm>> -> memref<10000x16xf32, #tpu.memory_space<hbm>>
    tpu.enqueue_indirect_dma source(%dma_start3A_120 : memref<10000x16xf32, #tpu.memory_space<hbm>>) target(%arg12 : memref<128x16xf32, #tpu.memory_space<vmem>>) offsets(%dma_start3A_117 : memref<128xi32, #tpu.memory_space<vmem>>) semaphore(%arg18 : memref<!tpu.dma_semaphore, #tpu.memory_space<semaphore_mem>>)
    %sub3A = arith.constant 4 : i32
    %sub3A_121 = arith.subi %select_n3A, %sub3A : i32
    %sub3A_122 = arith.constant 0 : i32
    %sub3A_123 = arith.subi %sub3A_121, %sub3A_122 : i32
    %sub3A_124 = arith.constant 4 : i32
    %sub3A_125 = arith.constant 1 : i32
    %sub3A_126 = arith.subi %sub3A_124, %sub3A_125 : i32
    %add3A_127 = arith.addi %sub3A_123, %sub3A_126 : i32
    %div3A = arith.constant 4 : i32
    %div3A_128 = arith.divsi %add3A_127, %div3A : i32
    %while3A = arith.constant 4 : i32
    %while3A_129 = arith.constant 0 : i32
    %while3A_130 = arith.constant 0 : i32
    %while3A_131 = arith.subi %div3A_128, %while3A_130 : i32
    %while3A_132 = arith.addi %while3A_130, %while3A_131 : i32
    %while3A_133 = arith.constant 1 : i32
    %while3A_134 = arith.divsi %while3A_131, %while3A_133 : i32
    %while3A_135 = arith.muli %while3A_134, %while3A_133 : i32
    %while3A_136 = arith.addi %while3A_130, %while3A_135 : i32
    %while3A_137 = arith.constant 1 : i32
    scf.for %while3A_260 = %while3A_130 to %while3A_136 step %while3A_137  : i32 {
      %mul3A_261 = arith.muli %while3A_260, %while3A : i32
      %add3A_262 = arith.addi %while3A_129, %mul3A_261 : i32
      %add3A_263 = arith.constant 0 : i32
      %add3A_264 = arith.addi %add3A_262, %add3A_263 : i32
      %dma_wait3A_265 = arith.constant 0 : i32
      %dma_wait3A_266 = tpu.memref_slice %arg7[%add3A_264, %dma_wait3A_265] : memref<80x128xi32, #tpu.memory_space<vmem>> -> memref<1x128xi32, #tpu.memory_space<vmem>>
      %dma_wait3A_267 = tpu.memref_squeeze %dma_wait3A_266 : memref<1x128xi32, #tpu.memory_space<vmem>> -> memref<128xi32, #tpu.memory_space<vmem>>
      %dma_wait3A_268 = arith.constant 0 : i32
      %dma_wait3A_269 = arith.constant 0 : i32
      %dma_wait3A_270 = tpu.memref_slice %arg2[%dma_wait3A_268, %dma_wait3A_269] : memref<10000x16xf32, #tpu.memory_space<hbm>> -> memref<10000x16xf32, #tpu.memory_space<hbm>>
      tpu.wait_indirect_dma semaphore(%arg15 : memref<!tpu.dma_semaphore, #tpu.memory_space<semaphore_mem>>) src(%dma_wait3A_270 : memref<10000x16xf32, #tpu.memory_space<hbm>>) dst(%arg9 : memref<128x16xf32, #tpu.memory_space<vmem>>)
      %add3A_271 = arith.constant 0 : i32
      %add3A_272 = arith.addi %add3A_262, %add3A_271 : i32
      %dma_start3A_273 = arith.constant 0 : i32
      %dma_start3A_274 = tpu.memref_slice %arg8[%add3A_272, %dma_start3A_273] : memref<80x128xi32, #tpu.memory_space<vmem>> -> memref<1x128xi32, #tpu.memory_space<vmem>>
      %dma_start3A_275 = tpu.memref_squeeze %dma_start3A_274 : memref<1x128xi32, #tpu.memory_space<vmem>> -> memref<128xi32, #tpu.memory_space<vmem>>
      %dma_start3A_276 = arith.constant 0 : i32
      %dma_start3A_277 = arith.constant 0 : i32
      %dma_start3A_278 = tpu.memref_slice %arg14[%dma_start3A_276, %dma_start3A_277] : memref<10240x16xf32, #tpu.memory_space<vmem_shared>> -> memref<10240x16xf32, #tpu.memory_space<vmem_shared>>
      tpu.enqueue_indirect_dma source(%arg9 : memref<128x16xf32, #tpu.memory_space<vmem>>) target(%dma_start3A_278 : memref<10240x16xf32, #tpu.memory_space<vmem_shared>>) offsets(%dma_start3A_275 : memref<128xi32, #tpu.memory_space<vmem>>) semaphore(%arg19 : memref<!tpu.dma_semaphore, #tpu.memory_space<semaphore_mem>>) {add = true}
      %add3A_279 = arith.constant 1 : i32
      %add3A_280 = arith.addi %add3A_262, %add3A_279 : i32
      %dma_wait3A_281 = arith.constant 0 : i32
      %dma_wait3A_282 = tpu.memref_slice %arg7[%add3A_280, %dma_wait3A_281] : memref<80x128xi32, #tpu.memory_space<vmem>> -> memref<1x128xi32, #tpu.memory_space<vmem>>
      %dma_wait3A_283 = tpu.memref_squeeze %dma_wait3A_282 : memref<1x128xi32, #tpu.memory_space<vmem>> -> memref<128xi32, #tpu.memory_space<vmem>>
      %dma_wait3A_284 = arith.constant 0 : i32
      %dma_wait3A_285 = arith.constant 0 : i32
      %dma_wait3A_286 = tpu.memref_slice %arg2[%dma_wait3A_284, %dma_wait3A_285] : memref<10000x16xf32, #tpu.memory_space<hbm>> -> memref<10000x16xf32, #tpu.memory_space<hbm>>
      tpu.wait_indirect_dma semaphore(%arg16 : memref<!tpu.dma_semaphore, #tpu.memory_space<semaphore_mem>>) src(%dma_wait3A_286 : memref<10000x16xf32, #tpu.memory_space<hbm>>) dst(%arg10 : memref<128x16xf32, #tpu.memory_space<vmem>>)
      %add3A_287 = arith.constant 1 : i32
      %add3A_288 = arith.addi %add3A_262, %add3A_287 : i32
      %dma_start3A_289 = arith.constant 0 : i32
      %dma_start3A_290 = tpu.memref_slice %arg8[%add3A_288, %dma_start3A_289] : memref<80x128xi32, #tpu.memory_space<vmem>> -> memref<1x128xi32, #tpu.memory_space<vmem>>
      %dma_start3A_291 = tpu.memref_squeeze %dma_start3A_290 : memref<1x128xi32, #tpu.memory_space<vmem>> -> memref<128xi32, #tpu.memory_space<vmem>>
      %dma_start3A_292 = arith.constant 0 : i32
      %dma_start3A_293 = arith.constant 0 : i32
      %dma_start3A_294 = tpu.memref_slice %arg14[%dma_start3A_292, %dma_start3A_293] : memref<10240x16xf32, #tpu.memory_space<vmem_shared>> -> memref<10240x16xf32, #tpu.memory_space<vmem_shared>>
      tpu.enqueue_indirect_dma source(%arg10 : memref<128x16xf32, #tpu.memory_space<vmem>>) target(%dma_start3A_294 : memref<10240x16xf32, #tpu.memory_space<vmem_shared>>) offsets(%dma_start3A_291 : memref<128xi32, #tpu.memory_space<vmem>>) semaphore(%arg20 : memref<!tpu.dma_semaphore, #tpu.memory_space<semaphore_mem>>) {add = true}
      %add3A_295 = arith.constant 2 : i32
      %add3A_296 = arith.addi %add3A_262, %add3A_295 : i32
      %dma_wait3A_297 = arith.constant 0 : i32
      %dma_wait3A_298 = tpu.memref_slice %arg7[%add3A_296, %dma_wait3A_297] : memref<80x128xi32, #tpu.memory_space<vmem>> -> memref<1x128xi32, #tpu.memory_space<vmem>>
      %dma_wait3A_299 = tpu.memref_squeeze %dma_wait3A_298 : memref<1x128xi32, #tpu.memory_space<vmem>> -> memref<128xi32, #tpu.memory_space<vmem>>
      %dma_wait3A_300 = arith.constant 0 : i32
      %dma_wait3A_301 = arith.constant 0 : i32
      %dma_wait3A_302 = tpu.memref_slice %arg2[%dma_wait3A_300, %dma_wait3A_301] : memref<10000x16xf32, #tpu.memory_space<hbm>> -> memref<10000x16xf32, #tpu.memory_space<hbm>>
      tpu.wait_indirect_dma semaphore(%arg17 : memref<!tpu.dma_semaphore, #tpu.memory_space<semaphore_mem>>) src(%dma_wait3A_302 : memref<10000x16xf32, #tpu.memory_space<hbm>>) dst(%arg11 : memref<128x16xf32, #tpu.memory_space<vmem>>)
      %add3A_303 = arith.constant 2 : i32
      %add3A_304 = arith.addi %add3A_262, %add3A_303 : i32
      %dma_start3A_305 = arith.constant 0 : i32
      %dma_start3A_306 = tpu.memref_slice %arg8[%add3A_304, %dma_start3A_305] : memref<80x128xi32, #tpu.memory_space<vmem>> -> memref<1x128xi32, #tpu.memory_space<vmem>>
      %dma_start3A_307 = tpu.memref_squeeze %dma_start3A_306 : memref<1x128xi32, #tpu.memory_space<vmem>> -> memref<128xi32, #tpu.memory_space<vmem>>
      %dma_start3A_308 = arith.constant 0 : i32
      %dma_start3A_309 = arith.constant 0 : i32
      %dma_start3A_310 = tpu.memref_slice %arg14[%dma_start3A_308, %dma_start3A_309] : memref<10240x16xf32, #tpu.memory_space<vmem_shared>> -> memref<10240x16xf32, #tpu.memory_space<vmem_shared>>
      tpu.enqueue_indirect_dma source(%arg11 : memref<128x16xf32, #tpu.memory_space<vmem>>) target(%dma_start3A_310 : memref<10240x16xf32, #tpu.memory_space<vmem_shared>>) offsets(%dma_start3A_307 : memref<128xi32, #tpu.memory_space<vmem>>) semaphore(%arg21 : memref<!tpu.dma_semaphore, #tpu.memory_space<semaphore_mem>>) {add = true}
      %add3A_311 = arith.constant 3 : i32
      %add3A_312 = arith.addi %add3A_262, %add3A_311 : i32
      %dma_wait3A_313 = arith.constant 0 : i32
      %dma_wait3A_314 = tpu.memref_slice %arg7[%add3A_312, %dma_wait3A_313] : memref<80x128xi32, #tpu.memory_space<vmem>> -> memref<1x128xi32, #tpu.memory_space<vmem>>
      %dma_wait3A_315 = tpu.memref_squeeze %dma_wait3A_314 : memref<1x128xi32, #tpu.memory_space<vmem>> -> memref<128xi32, #tpu.memory_space<vmem>>
      %dma_wait3A_316 = arith.constant 0 : i32
      %dma_wait3A_317 = arith.constant 0 : i32
      %dma_wait3A_318 = tpu.memref_slice %arg2[%dma_wait3A_316, %dma_wait3A_317] : memref<10000x16xf32, #tpu.memory_space<hbm>> -> memref<10000x16xf32, #tpu.memory_space<hbm>>
      tpu.wait_indirect_dma semaphore(%arg18 : memref<!tpu.dma_semaphore, #tpu.memory_space<semaphore_mem>>) src(%dma_wait3A_318 : memref<10000x16xf32, #tpu.memory_space<hbm>>) dst(%arg12 : memref<128x16xf32, #tpu.memory_space<vmem>>)
      %add3A_319 = arith.constant 3 : i32
      %add3A_320 = arith.addi %add3A_262, %add3A_319 : i32
      %dma_start3A_321 = arith.constant 0 : i32
      %dma_start3A_322 = tpu.memref_slice %arg8[%add3A_320, %dma_start3A_321] : memref<80x128xi32, #tpu.memory_space<vmem>> -> memref<1x128xi32, #tpu.memory_space<vmem>>
      %dma_start3A_323 = tpu.memref_squeeze %dma_start3A_322 : memref<1x128xi32, #tpu.memory_space<vmem>> -> memref<128xi32, #tpu.memory_space<vmem>>
      %dma_start3A_324 = arith.constant 0 : i32
      %dma_start3A_325 = arith.constant 0 : i32
      %dma_start3A_326 = tpu.memref_slice %arg14[%dma_start3A_324, %dma_start3A_325] : memref<10240x16xf32, #tpu.memory_space<vmem_shared>> -> memref<10240x16xf32, #tpu.memory_space<vmem_shared>>
      tpu.enqueue_indirect_dma source(%arg12 : memref<128x16xf32, #tpu.memory_space<vmem>>) target(%dma_start3A_326 : memref<10240x16xf32, #tpu.memory_space<vmem_shared>>) offsets(%dma_start3A_323 : memref<128xi32, #tpu.memory_space<vmem>>) semaphore(%arg22 : memref<!tpu.dma_semaphore, #tpu.memory_space<semaphore_mem>>) {add = true}
      %add3A_327 = arith.constant 0 : i32
      %add3A_328 = arith.addi %add3A_262, %add3A_327 : i32
      %dma_wait3A_329 = arith.constant 0 : i32
      %dma_wait3A_330 = tpu.memref_slice %arg8[%add3A_328, %dma_wait3A_329] : memref<80x128xi32, #tpu.memory_space<vmem>> -> memref<1x128xi32, #tpu.memory_space<vmem>>
      %dma_wait3A_331 = tpu.memref_squeeze %dma_wait3A_330 : memref<1x128xi32, #tpu.memory_space<vmem>> -> memref<128xi32, #tpu.memory_space<vmem>>
      %dma_wait3A_332 = arith.constant 0 : i32
      %dma_wait3A_333 = arith.constant 0 : i32
      %dma_wait3A_334 = tpu.memref_slice %arg14[%dma_wait3A_332, %dma_wait3A_333] : memref<10240x16xf32, #tpu.memory_space<vmem_shared>> -> memref<10240x16xf32, #tpu.memory_space<vmem_shared>>
      tpu.wait_indirect_dma semaphore(%arg19 : memref<!tpu.dma_semaphore, #tpu.memory_space<semaphore_mem>>) src(%arg9 : memref<128x16xf32, #tpu.memory_space<vmem>>) dst(%dma_wait3A_334 : memref<10240x16xf32, #tpu.memory_space<vmem_shared>>)
      %add3A_335 = arith.constant 4 : i32
      %add3A_336 = arith.addi %add3A_262, %add3A_335 : i32
      %add3A_337 = arith.constant 0 : i32
      %add3A_338 = arith.addi %add3A_336, %add3A_337 : i32
      %dma_start3A_339 = arith.constant 0 : i32
      %dma_start3A_340 = tpu.memref_slice %arg7[%add3A_338, %dma_start3A_339] : memref<80x128xi32, #tpu.memory_space<vmem>> -> memref<1x128xi32, #tpu.memory_space<vmem>>
      %dma_start3A_341 = tpu.memref_squeeze %dma_start3A_340 : memref<1x128xi32, #tpu.memory_space<vmem>> -> memref<128xi32, #tpu.memory_space<vmem>>
      %dma_start3A_342 = arith.constant 0 : i32
      %dma_start3A_343 = arith.constant 0 : i32
      %dma_start3A_344 = tpu.memref_slice %arg2[%dma_start3A_342, %dma_start3A_343] : memref<10000x16xf32, #tpu.memory_space<hbm>> -> memref<10000x16xf32, #tpu.memory_space<hbm>>
      tpu.enqueue_indirect_dma source(%dma_start3A_344 : memref<10000x16xf32, #tpu.memory_space<hbm>>) target(%arg9 : memref<128x16xf32, #tpu.memory_space<vmem>>) offsets(%dma_start3A_341 : memref<128xi32, #tpu.memory_space<vmem>>) semaphore(%arg15 : memref<!tpu.dma_semaphore, #tpu.memory_space<semaphore_mem>>)
      %add3A_345 = arith.constant 1 : i32
      %add3A_346 = arith.addi %add3A_262, %add3A_345 : i32
      %dma_wait3A_347 = arith.constant 0 : i32
      %dma_wait3A_348 = tpu.memref_slice %arg8[%add3A_346, %dma_wait3A_347] : memref<80x128xi32, #tpu.memory_space<vmem>> -> memref<1x128xi32, #tpu.memory_space<vmem>>
      %dma_wait3A_349 = tpu.memref_squeeze %dma_wait3A_348 : memref<1x128xi32, #tpu.memory_space<vmem>> -> memref<128xi32, #tpu.memory_space<vmem>>
      %dma_wait3A_350 = arith.constant 0 : i32
      %dma_wait3A_351 = arith.constant 0 : i32
      %dma_wait3A_352 = tpu.memref_slice %arg14[%dma_wait3A_350, %dma_wait3A_351] : memref<10240x16xf32, #tpu.memory_space<vmem_shared>> -> memref<10240x16xf32, #tpu.memory_space<vmem_shared>>
      tpu.wait_indirect_dma semaphore(%arg20 : memref<!tpu.dma_semaphore, #tpu.memory_space<semaphore_mem>>) src(%arg10 : memref<128x16xf32, #tpu.memory_space<vmem>>) dst(%dma_wait3A_352 : memref<10240x16xf32, #tpu.memory_space<vmem_shared>>)
      %add3A_353 = arith.constant 4 : i32
      %add3A_354 = arith.addi %add3A_262, %add3A_353 : i32
      %add3A_355 = arith.constant 1 : i32
      %add3A_356 = arith.addi %add3A_354, %add3A_355 : i32
      %dma_start3A_357 = arith.constant 0 : i32
      %dma_start3A_358 = tpu.memref_slice %arg7[%add3A_356, %dma_start3A_357] : memref<80x128xi32, #tpu.memory_space<vmem>> -> memref<1x128xi32, #tpu.memory_space<vmem>>
      %dma_start3A_359 = tpu.memref_squeeze %dma_start3A_358 : memref<1x128xi32, #tpu.memory_space<vmem>> -> memref<128xi32, #tpu.memory_space<vmem>>
      %dma_start3A_360 = arith.constant 0 : i32
      %dma_start3A_361 = arith.constant 0 : i32
      %dma_start3A_362 = tpu.memref_slice %arg2[%dma_start3A_360, %dma_start3A_361] : memref<10000x16xf32, #tpu.memory_space<hbm>> -> memref<10000x16xf32, #tpu.memory_space<hbm>>
      tpu.enqueue_indirect_dma source(%dma_start3A_362 : memref<10000x16xf32, #tpu.memory_space<hbm>>) target(%arg10 : memref<128x16xf32, #tpu.memory_space<vmem>>) offsets(%dma_start3A_359 : memref<128xi32, #tpu.memory_space<vmem>>) semaphore(%arg16 : memref<!tpu.dma_semaphore, #tpu.memory_space<semaphore_mem>>)
      %add3A_363 = arith.constant 2 : i32
      %add3A_364 = arith.addi %add3A_262, %add3A_363 : i32
      %dma_wait3A_365 = arith.constant 0 : i32
      %dma_wait3A_366 = tpu.memref_slice %arg8[%add3A_364, %dma_wait3A_365] : memref<80x128xi32, #tpu.memory_space<vmem>> -> memref<1x128xi32, #tpu.memory_space<vmem>>
      %dma_wait3A_367 = tpu.memref_squeeze %dma_wait3A_366 : memref<1x128xi32, #tpu.memory_space<vmem>> -> memref<128xi32, #tpu.memory_space<vmem>>
      %dma_wait3A_368 = arith.constant 0 : i32
      %dma_wait3A_369 = arith.constant 0 : i32
      %dma_wait3A_370 = tpu.memref_slice %arg14[%dma_wait3A_368, %dma_wait3A_369] : memref<10240x16xf32, #tpu.memory_space<vmem_shared>> -> memref<10240x16xf32, #tpu.memory_space<vmem_shared>>
      tpu.wait_indirect_dma semaphore(%arg21 : memref<!tpu.dma_semaphore, #tpu.memory_space<semaphore_mem>>) src(%arg11 : memref<128x16xf32, #tpu.memory_space<vmem>>) dst(%dma_wait3A_370 : memref<10240x16xf32, #tpu.memory_space<vmem_shared>>)
      %add3A_371 = arith.constant 4 : i32
      %add3A_372 = arith.addi %add3A_262, %add3A_371 : i32
      %add3A_373 = arith.constant 2 : i32
      %add3A_374 = arith.addi %add3A_372, %add3A_373 : i32
      %dma_start3A_375 = arith.constant 0 : i32
      %dma_start3A_376 = tpu.memref_slice %arg7[%add3A_374, %dma_start3A_375] : memref<80x128xi32, #tpu.memory_space<vmem>> -> memref<1x128xi32, #tpu.memory_space<vmem>>
      %dma_start3A_377 = tpu.memref_squeeze %dma_start3A_376 : memref<1x128xi32, #tpu.memory_space<vmem>> -> memref<128xi32, #tpu.memory_space<vmem>>
      %dma_start3A_378 = arith.constant 0 : i32
      %dma_start3A_379 = arith.constant 0 : i32
      %dma_start3A_380 = tpu.memref_slice %arg2[%dma_start3A_378, %dma_start3A_379] : memref<10000x16xf32, #tpu.memory_space<hbm>> -> memref<10000x16xf32, #tpu.memory_space<hbm>>
      tpu.enqueue_indirect_dma source(%dma_start3A_380 : memref<10000x16xf32, #tpu.memory_space<hbm>>) target(%arg11 : memref<128x16xf32, #tpu.memory_space<vmem>>) offsets(%dma_start3A_377 : memref<128xi32, #tpu.memory_space<vmem>>) semaphore(%arg17 : memref<!tpu.dma_semaphore, #tpu.memory_space<semaphore_mem>>)
      %add3A_381 = arith.constant 3 : i32
      %add3A_382 = arith.addi %add3A_262, %add3A_381 : i32
      %dma_wait3A_383 = arith.constant 0 : i32
      %dma_wait3A_384 = tpu.memref_slice %arg8[%add3A_382, %dma_wait3A_383] : memref<80x128xi32, #tpu.memory_space<vmem>> -> memref<1x128xi32, #tpu.memory_space<vmem>>
      %dma_wait3A_385 = tpu.memref_squeeze %dma_wait3A_384 : memref<1x128xi32, #tpu.memory_space<vmem>> -> memref<128xi32, #tpu.memory_space<vmem>>
      %dma_wait3A_386 = arith.constant 0 : i32
      %dma_wait3A_387 = arith.constant 0 : i32
      %dma_wait3A_388 = tpu.memref_slice %arg14[%dma_wait3A_386, %dma_wait3A_387] : memref<10240x16xf32, #tpu.memory_space<vmem_shared>> -> memref<10240x16xf32, #tpu.memory_space<vmem_shared>>
      tpu.wait_indirect_dma semaphore(%arg22 : memref<!tpu.dma_semaphore, #tpu.memory_space<semaphore_mem>>) src(%arg12 : memref<128x16xf32, #tpu.memory_space<vmem>>) dst(%dma_wait3A_388 : memref<10240x16xf32, #tpu.memory_space<vmem_shared>>)
      %add3A_389 = arith.constant 4 : i32
      %add3A_390 = arith.addi %add3A_262, %add3A_389 : i32
      %add3A_391 = arith.constant 3 : i32
      %add3A_392 = arith.addi %add3A_390, %add3A_391 : i32
      %dma_start3A_393 = arith.constant 0 : i32
      %dma_start3A_394 = tpu.memref_slice %arg7[%add3A_392, %dma_start3A_393] : memref<80x128xi32, #tpu.memory_space<vmem>> -> memref<1x128xi32, #tpu.memory_space<vmem>>
      %dma_start3A_395 = tpu.memref_squeeze %dma_start3A_394 : memref<1x128xi32, #tpu.memory_space<vmem>> -> memref<128xi32, #tpu.memory_space<vmem>>
      %dma_start3A_396 = arith.constant 0 : i32
      %dma_start3A_397 = arith.constant 0 : i32
      %dma_start3A_398 = tpu.memref_slice %arg2[%dma_start3A_396, %dma_start3A_397] : memref<10000x16xf32, #tpu.memory_space<hbm>> -> memref<10000x16xf32, #tpu.memory_space<hbm>>
      tpu.enqueue_indirect_dma source(%dma_start3A_398 : memref<10000x16xf32, #tpu.memory_space<hbm>>) target(%arg12 : memref<128x16xf32, #tpu.memory_space<vmem>>) offsets(%dma_start3A_395 : memref<128xi32, #tpu.memory_space<vmem>>) semaphore(%arg18 : memref<!tpu.dma_semaphore, #tpu.memory_space<semaphore_mem>>)
    }
    %while3A_138 = arith.constant 1 : i32
    scf.for %while3A_260 = %while3A_136 to %while3A_132 step %while3A_138  : i32 {
      %mul3A_261 = arith.muli %while3A_260, %while3A : i32
      %add3A_262 = arith.addi %while3A_129, %mul3A_261 : i32
      %add3A_263 = arith.constant 0 : i32
      %add3A_264 = arith.addi %add3A_262, %add3A_263 : i32
      %dma_wait3A_265 = arith.constant 0 : i32
      %dma_wait3A_266 = tpu.memref_slice %arg7[%add3A_264, %dma_wait3A_265] : memref<80x128xi32, #tpu.memory_space<vmem>> -> memref<1x128xi32, #tpu.memory_space<vmem>>
      %dma_wait3A_267 = tpu.memref_squeeze %dma_wait3A_266 : memref<1x128xi32, #tpu.memory_space<vmem>> -> memref<128xi32, #tpu.memory_space<vmem>>
      %dma_wait3A_268 = arith.constant 0 : i32
      %dma_wait3A_269 = arith.constant 0 : i32
      %dma_wait3A_270 = tpu.memref_slice %arg2[%dma_wait3A_268, %dma_wait3A_269] : memref<10000x16xf32, #tpu.memory_space<hbm>> -> memref<10000x16xf32, #tpu.memory_space<hbm>>
      tpu.wait_indirect_dma semaphore(%arg15 : memref<!tpu.dma_semaphore, #tpu.memory_space<semaphore_mem>>) src(%dma_wait3A_270 : memref<10000x16xf32, #tpu.memory_space<hbm>>) dst(%arg9 : memref<128x16xf32, #tpu.memory_space<vmem>>)
      %add3A_271 = arith.constant 0 : i32
      %add3A_272 = arith.addi %add3A_262, %add3A_271 : i32
      %dma_start3A_273 = arith.constant 0 : i32
      %dma_start3A_274 = tpu.memref_slice %arg8[%add3A_272, %dma_start3A_273] : memref<80x128xi32, #tpu.memory_space<vmem>> -> memref<1x128xi32, #tpu.memory_space<vmem>>
      %dma_start3A_275 = tpu.memref_squeeze %dma_start3A_274 : memref<1x128xi32, #tpu.memory_space<vmem>> -> memref<128xi32, #tpu.memory_space<vmem>>
      %dma_start3A_276 = arith.constant 0 : i32
      %dma_start3A_277 = arith.constant 0 : i32
      %dma_start3A_278 = tpu.memref_slice %arg14[%dma_start3A_276, %dma_start3A_277] : memref<10240x16xf32, #tpu.memory_space<vmem_shared>> -> memref<10240x16xf32, #tpu.memory_space<vmem_shared>>
      tpu.enqueue_indirect_dma source(%arg9 : memref<128x16xf32, #tpu.memory_space<vmem>>) target(%dma_start3A_278 : memref<10240x16xf32, #tpu.memory_space<vmem_shared>>) offsets(%dma_start3A_275 : memref<128xi32, #tpu.memory_space<vmem>>) semaphore(%arg19 : memref<!tpu.dma_semaphore, #tpu.memory_space<semaphore_mem>>) {add = true}
      %add3A_279 = arith.constant 1 : i32
      %add3A_280 = arith.addi %add3A_262, %add3A_279 : i32
      %dma_wait3A_281 = arith.constant 0 : i32
      %dma_wait3A_282 = tpu.memref_slice %arg7[%add3A_280, %dma_wait3A_281] : memref<80x128xi32, #tpu.memory_space<vmem>> -> memref<1x128xi32, #tpu.memory_space<vmem>>
      %dma_wait3A_283 = tpu.memref_squeeze %dma_wait3A_282 : memref<1x128xi32, #tpu.memory_space<vmem>> -> memref<128xi32, #tpu.memory_space<vmem>>
      %dma_wait3A_284 = arith.constant 0 : i32
      %dma_wait3A_285 = arith.constant 0 : i32
      %dma_wait3A_286 = tpu.memref_slice %arg2[%dma_wait3A_284, %dma_wait3A_285] : memref<10000x16xf32, #tpu.memory_space<hbm>> -> memref<10000x16xf32, #tpu.memory_space<hbm>>
      tpu.wait_indirect_dma semaphore(%arg16 : memref<!tpu.dma_semaphore, #tpu.memory_space<semaphore_mem>>) src(%dma_wait3A_286 : memref<10000x16xf32, #tpu.memory_space<hbm>>) dst(%arg10 : memref<128x16xf32, #tpu.memory_space<vmem>>)
      %add3A_287 = arith.constant 1 : i32
      %add3A_288 = arith.addi %add3A_262, %add3A_287 : i32
      %dma_start3A_289 = arith.constant 0 : i32
      %dma_start3A_290 = tpu.memref_slice %arg8[%add3A_288, %dma_start3A_289] : memref<80x128xi32, #tpu.memory_space<vmem>> -> memref<1x128xi32, #tpu.memory_space<vmem>>
      %dma_start3A_291 = tpu.memref_squeeze %dma_start3A_290 : memref<1x128xi32, #tpu.memory_space<vmem>> -> memref<128xi32, #tpu.memory_space<vmem>>
      %dma_start3A_292 = arith.constant 0 : i32
      %dma_start3A_293 = arith.constant 0 : i32
      %dma_start3A_294 = tpu.memref_slice %arg14[%dma_start3A_292, %dma_start3A_293] : memref<10240x16xf32, #tpu.memory_space<vmem_shared>> -> memref<10240x16xf32, #tpu.memory_space<vmem_shared>>
      tpu.enqueue_indirect_dma source(%arg10 : memref<128x16xf32, #tpu.memory_space<vmem>>) target(%dma_start3A_294 : memref<10240x16xf32, #tpu.memory_space<vmem_shared>>) offsets(%dma_start3A_291 : memref<128xi32, #tpu.memory_space<vmem>>) semaphore(%arg20 : memref<!tpu.dma_semaphore, #tpu.memory_space<semaphore_mem>>) {add = true}
      %add3A_295 = arith.constant 2 : i32
      %add3A_296 = arith.addi %add3A_262, %add3A_295 : i32
      %dma_wait3A_297 = arith.constant 0 : i32
      %dma_wait3A_298 = tpu.memref_slice %arg7[%add3A_296, %dma_wait3A_297] : memref<80x128xi32, #tpu.memory_space<vmem>> -> memref<1x128xi32, #tpu.memory_space<vmem>>
      %dma_wait3A_299 = tpu.memref_squeeze %dma_wait3A_298 : memref<1x128xi32, #tpu.memory_space<vmem>> -> memref<128xi32, #tpu.memory_space<vmem>>
      %dma_wait3A_300 = arith.constant 0 : i32
      %dma_wait3A_301 = arith.constant 0 : i32
      %dma_wait3A_302 = tpu.memref_slice %arg2[%dma_wait3A_300, %dma_wait3A_301] : memref<10000x16xf32, #tpu.memory_space<hbm>> -> memref<10000x16xf32, #tpu.memory_space<hbm>>
      tpu.wait_indirect_dma semaphore(%arg17 : memref<!tpu.dma_semaphore, #tpu.memory_space<semaphore_mem>>) src(%dma_wait3A_302 : memref<10000x16xf32, #tpu.memory_space<hbm>>) dst(%arg11 : memref<128x16xf32, #tpu.memory_space<vmem>>)
      %add3A_303 = arith.constant 2 : i32
      %add3A_304 = arith.addi %add3A_262, %add3A_303 : i32
      %dma_start3A_305 = arith.constant 0 : i32
      %dma_start3A_306 = tpu.memref_slice %arg8[%add3A_304, %dma_start3A_305] : memref<80x128xi32, #tpu.memory_space<vmem>> -> memref<1x128xi32, #tpu.memory_space<vmem>>
      %dma_start3A_307 = tpu.memref_squeeze %dma_start3A_306 : memref<1x128xi32, #tpu.memory_space<vmem>> -> memref<128xi32, #tpu.memory_space<vmem>>
      %dma_start3A_308 = arith.constant 0 : i32
      %dma_start3A_309 = arith.constant 0 : i32
      %dma_start3A_310 = tpu.memref_slice %arg14[%dma_start3A_308, %dma_start3A_309] : memref<10240x16xf32, #tpu.memory_space<vmem_shared>> -> memref<10240x16xf32, #tpu.memory_space<vmem_shared>>
      tpu.enqueue_indirect_dma source(%arg11 : memref<128x16xf32, #tpu.memory_space<vmem>>) target(%dma_start3A_310 : memref<10240x16xf32, #tpu.memory_space<vmem_shared>>) offsets(%dma_start3A_307 : memref<128xi32, #tpu.memory_space<vmem>>) semaphore(%arg21 : memref<!tpu.dma_semaphore, #tpu.memory_space<semaphore_mem>>) {add = true}
      %add3A_311 = arith.constant 3 : i32
      %add3A_312 = arith.addi %add3A_262, %add3A_311 : i32
      %dma_wait3A_313 = arith.constant 0 : i32
      %dma_wait3A_314 = tpu.memref_slice %arg7[%add3A_312, %dma_wait3A_313] : memref<80x128xi32, #tpu.memory_space<vmem>> -> memref<1x128xi32, #tpu.memory_space<vmem>>
      %dma_wait3A_315 = tpu.memref_squeeze %dma_wait3A_314 : memref<1x128xi32, #tpu.memory_space<vmem>> -> memref<128xi32, #tpu.memory_space<vmem>>
      %dma_wait3A_316 = arith.constant 0 : i32
      %dma_wait3A_317 = arith.constant 0 : i32
      %dma_wait3A_318 = tpu.memref_slice %arg2[%dma_wait3A_316, %dma_wait3A_317] : memref<10000x16xf32, #tpu.memory_space<hbm>> -> memref<10000x16xf32, #tpu.memory_space<hbm>>
      tpu.wait_indirect_dma semaphore(%arg18 : memref<!tpu.dma_semaphore, #tpu.memory_space<semaphore_mem>>) src(%dma_wait3A_318 : memref<10000x16xf32, #tpu.memory_space<hbm>>) dst(%arg12 : memref<128x16xf32, #tpu.memory_space<vmem>>)
      %add3A_319 = arith.constant 3 : i32
      %add3A_320 = arith.addi %add3A_262, %add3A_319 : i32
      %dma_start3A_321 = arith.constant 0 : i32
      %dma_start3A_322 = tpu.memref_slice %arg8[%add3A_320, %dma_start3A_321] : memref<80x128xi32, #tpu.memory_space<vmem>> -> memref<1x128xi32, #tpu.memory_space<vmem>>
      %dma_start3A_323 = tpu.memref_squeeze %dma_start3A_322 : memref<1x128xi32, #tpu.memory_space<vmem>> -> memref<128xi32, #tpu.memory_space<vmem>>
      %dma_start3A_324 = arith.constant 0 : i32
      %dma_start3A_325 = arith.constant 0 : i32
      %dma_start3A_326 = tpu.memref_slice %arg14[%dma_start3A_324, %dma_start3A_325] : memref<10240x16xf32, #tpu.memory_space<vmem_shared>> -> memref<10240x16xf32, #tpu.memory_space<vmem_shared>>
      tpu.enqueue_indirect_dma source(%arg12 : memref<128x16xf32, #tpu.memory_space<vmem>>) target(%dma_start3A_326 : memref<10240x16xf32, #tpu.memory_space<vmem_shared>>) offsets(%dma_start3A_323 : memref<128xi32, #tpu.memory_space<vmem>>) semaphore(%arg22 : memref<!tpu.dma_semaphore, #tpu.memory_space<semaphore_mem>>) {add = true}
      %add3A_327 = arith.constant 0 : i32
      %add3A_328 = arith.addi %add3A_262, %add3A_327 : i32
      %dma_wait3A_329 = arith.constant 0 : i32
      %dma_wait3A_330 = tpu.memref_slice %arg8[%add3A_328, %dma_wait3A_329] : memref<80x128xi32, #tpu.memory_space<vmem>> -> memref<1x128xi32, #tpu.memory_space<vmem>>
      %dma_wait3A_331 = tpu.memref_squeeze %dma_wait3A_330 : memref<1x128xi32, #tpu.memory_space<vmem>> -> memref<128xi32, #tpu.memory_space<vmem>>
      %dma_wait3A_332 = arith.constant 0 : i32
      %dma_wait3A_333 = arith.constant 0 : i32
      %dma_wait3A_334 = tpu.memref_slice %arg14[%dma_wait3A_332, %dma_wait3A_333] : memref<10240x16xf32, #tpu.memory_space<vmem_shared>> -> memref<10240x16xf32, #tpu.memory_space<vmem_shared>>
      tpu.wait_indirect_dma semaphore(%arg19 : memref<!tpu.dma_semaphore, #tpu.memory_space<semaphore_mem>>) src(%arg9 : memref<128x16xf32, #tpu.memory_space<vmem>>) dst(%dma_wait3A_334 : memref<10240x16xf32, #tpu.memory_space<vmem_shared>>)
      %add3A_335 = arith.constant 4 : i32
      %add3A_336 = arith.addi %add3A_262, %add3A_335 : i32
      %add3A_337 = arith.constant 0 : i32
      %add3A_338 = arith.addi %add3A_336, %add3A_337 : i32
      %dma_start3A_339 = arith.constant 0 : i32
      %dma_start3A_340 = tpu.memref_slice %arg7[%add3A_338, %dma_start3A_339] : memref<80x128xi32, #tpu.memory_space<vmem>> -> memref<1x128xi32, #tpu.memory_space<vmem>>
      %dma_start3A_341 = tpu.memref_squeeze %dma_start3A_340 : memref<1x128xi32, #tpu.memory_space<vmem>> -> memref<128xi32, #tpu.memory_space<vmem>>
      %dma_start3A_342 = arith.constant 0 : i32
      %dma_start3A_343 = arith.constant 0 : i32
      %dma_start3A_344 = tpu.memref_slice %arg2[%dma_start3A_342, %dma_start3A_343] : memref<10000x16xf32, #tpu.memory_space<hbm>> -> memref<10000x16xf32, #tpu.memory_space<hbm>>
      tpu.enqueue_indirect_dma source(%dma_start3A_344 : memref<10000x16xf32, #tpu.memory_space<hbm>>) target(%arg9 : memref<128x16xf32, #tpu.memory_space<vmem>>) offsets(%dma_start3A_341 : memref<128xi32, #tpu.memory_space<vmem>>) semaphore(%arg15 : memref<!tpu.dma_semaphore, #tpu.memory_space<semaphore_mem>>)
      %add3A_345 = arith.constant 1 : i32
      %add3A_346 = arith.addi %add3A_262, %add3A_345 : i32
      %dma_wait3A_347 = arith.constant 0 : i32
      %dma_wait3A_348 = tpu.memref_slice %arg8[%add3A_346, %dma_wait3A_347] : memref<80x128xi32, #tpu.memory_space<vmem>> -> memref<1x128xi32, #tpu.memory_space<vmem>>
      %dma_wait3A_349 = tpu.memref_squeeze %dma_wait3A_348 : memref<1x128xi32, #tpu.memory_space<vmem>> -> memref<128xi32, #tpu.memory_space<vmem>>
      %dma_wait3A_350 = arith.constant 0 : i32
      %dma_wait3A_351 = arith.constant 0 : i32
      %dma_wait3A_352 = tpu.memref_slice %arg14[%dma_wait3A_350, %dma_wait3A_351] : memref<10240x16xf32, #tpu.memory_space<vmem_shared>> -> memref<10240x16xf32, #tpu.memory_space<vmem_shared>>
      tpu.wait_indirect_dma semaphore(%arg20 : memref<!tpu.dma_semaphore, #tpu.memory_space<semaphore_mem>>) src(%arg10 : memref<128x16xf32, #tpu.memory_space<vmem>>) dst(%dma_wait3A_352 : memref<10240x16xf32, #tpu.memory_space<vmem_shared>>)
      %add3A_353 = arith.constant 4 : i32
      %add3A_354 = arith.addi %add3A_262, %add3A_353 : i32
      %add3A_355 = arith.constant 1 : i32
      %add3A_356 = arith.addi %add3A_354, %add3A_355 : i32
      %dma_start3A_357 = arith.constant 0 : i32
      %dma_start3A_358 = tpu.memref_slice %arg7[%add3A_356, %dma_start3A_357] : memref<80x128xi32, #tpu.memory_space<vmem>> -> memref<1x128xi32, #tpu.memory_space<vmem>>
      %dma_start3A_359 = tpu.memref_squeeze %dma_start3A_358 : memref<1x128xi32, #tpu.memory_space<vmem>> -> memref<128xi32, #tpu.memory_space<vmem>>
      %dma_start3A_360 = arith.constant 0 : i32
      %dma_start3A_361 = arith.constant 0 : i32
      %dma_start3A_362 = tpu.memref_slice %arg2[%dma_start3A_360, %dma_start3A_361] : memref<10000x16xf32, #tpu.memory_space<hbm>> -> memref<10000x16xf32, #tpu.memory_space<hbm>>
      tpu.enqueue_indirect_dma source(%dma_start3A_362 : memref<10000x16xf32, #tpu.memory_space<hbm>>) target(%arg10 : memref<128x16xf32, #tpu.memory_space<vmem>>) offsets(%dma_start3A_359 : memref<128xi32, #tpu.memory_space<vmem>>) semaphore(%arg16 : memref<!tpu.dma_semaphore, #tpu.memory_space<semaphore_mem>>)
      %add3A_363 = arith.constant 2 : i32
      %add3A_364 = arith.addi %add3A_262, %add3A_363 : i32
      %dma_wait3A_365 = arith.constant 0 : i32
      %dma_wait3A_366 = tpu.memref_slice %arg8[%add3A_364, %dma_wait3A_365] : memref<80x128xi32, #tpu.memory_space<vmem>> -> memref<1x128xi32, #tpu.memory_space<vmem>>
      %dma_wait3A_367 = tpu.memref_squeeze %dma_wait3A_366 : memref<1x128xi32, #tpu.memory_space<vmem>> -> memref<128xi32, #tpu.memory_space<vmem>>
      %dma_wait3A_368 = arith.constant 0 : i32
      %dma_wait3A_369 = arith.constant 0 : i32
      %dma_wait3A_370 = tpu.memref_slice %arg14[%dma_wait3A_368, %dma_wait3A_369] : memref<10240x16xf32, #tpu.memory_space<vmem_shared>> -> memref<10240x16xf32, #tpu.memory_space<vmem_shared>>
      tpu.wait_indirect_dma semaphore(%arg21 : memref<!tpu.dma_semaphore, #tpu.memory_space<semaphore_mem>>) src(%arg11 : memref<128x16xf32, #tpu.memory_space<vmem>>) dst(%dma_wait3A_370 : memref<10240x16xf32, #tpu.memory_space<vmem_shared>>)
      %add3A_371 = arith.constant 4 : i32
      %add3A_372 = arith.addi %add3A_262, %add3A_371 : i32
      %add3A_373 = arith.constant 2 : i32
      %add3A_374 = arith.addi %add3A_372, %add3A_373 : i32
      %dma_start3A_375 = arith.constant 0 : i32
      %dma_start3A_376 = tpu.memref_slice %arg7[%add3A_374, %dma_start3A_375] : memref<80x128xi32, #tpu.memory_space<vmem>> -> memref<1x128xi32, #tpu.memory_space<vmem>>
      %dma_start3A_377 = tpu.memref_squeeze %dma_start3A_376 : memref<1x128xi32, #tpu.memory_space<vmem>> -> memref<128xi32, #tpu.memory_space<vmem>>
      %dma_start3A_378 = arith.constant 0 : i32
      %dma_start3A_379 = arith.constant 0 : i32
      %dma_start3A_380 = tpu.memref_slice %arg2[%dma_start3A_378, %dma_start3A_379] : memref<10000x16xf32, #tpu.memory_space<hbm>> -> memref<10000x16xf32, #tpu.memory_space<hbm>>
      tpu.enqueue_indirect_dma source(%dma_start3A_380 : memref<10000x16xf32, #tpu.memory_space<hbm>>) target(%arg11 : memref<128x16xf32, #tpu.memory_space<vmem>>) offsets(%dma_start3A_377 : memref<128xi32, #tpu.memory_space<vmem>>) semaphore(%arg17 : memref<!tpu.dma_semaphore, #tpu.memory_space<semaphore_mem>>)
      %add3A_381 = arith.constant 3 : i32
      %add3A_382 = arith.addi %add3A_262, %add3A_381 : i32
      %dma_wait3A_383 = arith.constant 0 : i32
      %dma_wait3A_384 = tpu.memref_slice %arg8[%add3A_382, %dma_wait3A_383] : memref<80x128xi32, #tpu.memory_space<vmem>> -> memref<1x128xi32, #tpu.memory_space<vmem>>
      %dma_wait3A_385 = tpu.memref_squeeze %dma_wait3A_384 : memref<1x128xi32, #tpu.memory_space<vmem>> -> memref<128xi32, #tpu.memory_space<vmem>>
      %dma_wait3A_386 = arith.constant 0 : i32
      %dma_wait3A_387 = arith.constant 0 : i32
      %dma_wait3A_388 = tpu.memref_slice %arg14[%dma_wait3A_386, %dma_wait3A_387] : memref<10240x16xf32, #tpu.memory_space<vmem_shared>> -> memref<10240x16xf32, #tpu.memory_space<vmem_shared>>
      tpu.wait_indirect_dma semaphore(%arg22 : memref<!tpu.dma_semaphore, #tpu.memory_space<semaphore_mem>>) src(%arg12 : memref<128x16xf32, #tpu.memory_space<vmem>>) dst(%dma_wait3A_388 : memref<10240x16xf32, #tpu.memory_space<vmem_shared>>)
      %add3A_389 = arith.constant 4 : i32
      %add3A_390 = arith.addi %add3A_262, %add3A_389 : i32
      %add3A_391 = arith.constant 3 : i32
      %add3A_392 = arith.addi %add3A_390, %add3A_391 : i32
      %dma_start3A_393 = arith.constant 0 : i32
      %dma_start3A_394 = tpu.memref_slice %arg7[%add3A_392, %dma_start3A_393] : memref<80x128xi32, #tpu.memory_space<vmem>> -> memref<1x128xi32, #tpu.memory_space<vmem>>
      %dma_start3A_395 = tpu.memref_squeeze %dma_start3A_394 : memref<1x128xi32, #tpu.memory_space<vmem>> -> memref<128xi32, #tpu.memory_space<vmem>>
      %dma_start3A_396 = arith.constant 0 : i32
      %dma_start3A_397 = arith.constant 0 : i32
      %dma_start3A_398 = tpu.memref_slice %arg2[%dma_start3A_396, %dma_start3A_397] : memref<10000x16xf32, #tpu.memory_space<hbm>> -> memref<10000x16xf32, #tpu.memory_space<hbm>>
      tpu.enqueue_indirect_dma source(%dma_start3A_398 : memref<10000x16xf32, #tpu.memory_space<hbm>>) target(%arg12 : memref<128x16xf32, #tpu.memory_space<vmem>>) offsets(%dma_start3A_395 : memref<128xi32, #tpu.memory_space<vmem>>) semaphore(%arg18 : memref<!tpu.dma_semaphore, #tpu.memory_space<semaphore_mem>>)
    }
    %sub3A_139 = arith.constant 4 : i32
    %sub3A_140 = arith.subi %select_n3A, %sub3A_139 : i32
    %add3A_141 = arith.constant 0 : i32
    %add3A_142 = arith.addi %sub3A_140, %add3A_141 : i32
    %dma_wait3A_143 = arith.constant 0 : i32
    %dma_wait3A_144 = tpu.memref_slice %arg7[%add3A_142, %dma_wait3A_143] : memref<80x128xi32, #tpu.memory_space<vmem>> -> memref<1x128xi32, #tpu.memory_space<vmem>>
    %dma_wait3A_145 = tpu.memref_squeeze %dma_wait3A_144 : memref<1x128xi32, #tpu.memory_space<vmem>> -> memref<128xi32, #tpu.memory_space<vmem>>
    %dma_wait3A_146 = arith.constant 0 : i32
    %dma_wait3A_147 = arith.constant 0 : i32
    %dma_wait3A_148 = tpu.memref_slice %arg2[%dma_wait3A_146, %dma_wait3A_147] : memref<10000x16xf32, #tpu.memory_space<hbm>> -> memref<10000x16xf32, #tpu.memory_space<hbm>>
    tpu.wait_indirect_dma semaphore(%arg15 : memref<!tpu.dma_semaphore, #tpu.memory_space<semaphore_mem>>) src(%dma_wait3A_148 : memref<10000x16xf32, #tpu.memory_space<hbm>>) dst(%arg9 : memref<128x16xf32, #tpu.memory_space<vmem>>)
    %sub3A_149 = arith.constant 4 : i32
    %sub3A_150 = arith.subi %select_n3A, %sub3A_149 : i32
    %add3A_151 = arith.constant 0 : i32
    %add3A_152 = arith.addi %sub3A_150, %add3A_151 : i32
    %dma_start3A_153 = arith.constant 0 : i32
    %dma_start3A_154 = tpu.memref_slice %arg8[%add3A_152, %dma_start3A_153] : memref<80x128xi32, #tpu.memory_space<vmem>> -> memref<1x128xi32, #tpu.memory_space<vmem>>
    %dma_start3A_155 = tpu.memref_squeeze %dma_start3A_154 : memref<1x128xi32, #tpu.memory_space<vmem>> -> memref<128xi32, #tpu.memory_space<vmem>>
    %dma_start3A_156 = arith.constant 0 : i32
    %dma_start3A_157 = arith.constant 0 : i32
    %dma_start3A_158 = tpu.memref_slice %arg14[%dma_start3A_156, %dma_start3A_157] : memref<10240x16xf32, #tpu.memory_space<vmem_shared>> -> memref<10240x16xf32, #tpu.memory_space<vmem_shared>>
    tpu.enqueue_indirect_dma source(%arg9 : memref<128x16xf32, #tpu.memory_space<vmem>>) target(%dma_start3A_158 : memref<10240x16xf32, #tpu.memory_space<vmem_shared>>) offsets(%dma_start3A_155 : memref<128xi32, #tpu.memory_space<vmem>>) semaphore(%arg19 : memref<!tpu.dma_semaphore, #tpu.memory_space<semaphore_mem>>) {add = true}
    %sub3A_159 = arith.constant 4 : i32
    %sub3A_160 = arith.subi %select_n3A, %sub3A_159 : i32
    %add3A_161 = arith.constant 1 : i32
    %add3A_162 = arith.addi %sub3A_160, %add3A_161 : i32
    %dma_wait3A_163 = arith.constant 0 : i32
    %dma_wait3A_164 = tpu.memref_slice %arg7[%add3A_162, %dma_wait3A_163] : memref<80x128xi32, #tpu.memory_space<vmem>> -> memref<1x128xi32, #tpu.memory_space<vmem>>
    %dma_wait3A_165 = tpu.memref_squeeze %dma_wait3A_164 : memref<1x128xi32, #tpu.memory_space<vmem>> -> memref<128xi32, #tpu.memory_space<vmem>>
    %dma_wait3A_166 = arith.constant 0 : i32
    %dma_wait3A_167 = arith.constant 0 : i32
    %dma_wait3A_168 = tpu.memref_slice %arg2[%dma_wait3A_166, %dma_wait3A_167] : memref<10000x16xf32, #tpu.memory_space<hbm>> -> memref<10000x16xf32, #tpu.memory_space<hbm>>
    tpu.wait_indirect_dma semaphore(%arg16 : memref<!tpu.dma_semaphore, #tpu.memory_space<semaphore_mem>>) src(%dma_wait3A_168 : memref<10000x16xf32, #tpu.memory_space<hbm>>) dst(%arg10 : memref<128x16xf32, #tpu.memory_space<vmem>>)
    %sub3A_169 = arith.constant 4 : i32
    %sub3A_170 = arith.subi %select_n3A, %sub3A_169 : i32
    %add3A_171 = arith.constant 1 : i32
    %add3A_172 = arith.addi %sub3A_170, %add3A_171 : i32
    %dma_start3A_173 = arith.constant 0 : i32
    %dma_start3A_174 = tpu.memref_slice %arg8[%add3A_172, %dma_start3A_173] : memref<80x128xi32, #tpu.memory_space<vmem>> -> memref<1x128xi32, #tpu.memory_space<vmem>>
    %dma_start3A_175 = tpu.memref_squeeze %dma_start3A_174 : memref<1x128xi32, #tpu.memory_space<vmem>> -> memref<128xi32, #tpu.memory_space<vmem>>
    %dma_start3A_176 = arith.constant 0 : i32
    %dma_start3A_177 = arith.constant 0 : i32
    %dma_start3A_178 = tpu.memref_slice %arg14[%dma_start3A_176, %dma_start3A_177] : memref<10240x16xf32, #tpu.memory_space<vmem_shared>> -> memref<10240x16xf32, #tpu.memory_space<vmem_shared>>
    tpu.enqueue_indirect_dma source(%arg10 : memref<128x16xf32, #tpu.memory_space<vmem>>) target(%dma_start3A_178 : memref<10240x16xf32, #tpu.memory_space<vmem_shared>>) offsets(%dma_start3A_175 : memref<128xi32, #tpu.memory_space<vmem>>) semaphore(%arg20 : memref<!tpu.dma_semaphore, #tpu.memory_space<semaphore_mem>>) {add = true}
    %sub3A_179 = arith.constant 4 : i32
    %sub3A_180 = arith.subi %select_n3A, %sub3A_179 : i32
    %add3A_181 = arith.constant 2 : i32
    %add3A_182 = arith.addi %sub3A_180, %add3A_181 : i32
    %dma_wait3A_183 = arith.constant 0 : i32
    %dma_wait3A_184 = tpu.memref_slice %arg7[%add3A_182, %dma_wait3A_183] : memref<80x128xi32, #tpu.memory_space<vmem>> -> memref<1x128xi32, #tpu.memory_space<vmem>>
    %dma_wait3A_185 = tpu.memref_squeeze %dma_wait3A_184 : memref<1x128xi32, #tpu.memory_space<vmem>> -> memref<128xi32, #tpu.memory_space<vmem>>
    %dma_wait3A_186 = arith.constant 0 : i32
    %dma_wait3A_187 = arith.constant 0 : i32
    %dma_wait3A_188 = tpu.memref_slice %arg2[%dma_wait3A_186, %dma_wait3A_187] : memref<10000x16xf32, #tpu.memory_space<hbm>> -> memref<10000x16xf32, #tpu.memory_space<hbm>>
    tpu.wait_indirect_dma semaphore(%arg17 : memref<!tpu.dma_semaphore, #tpu.memory_space<semaphore_mem>>) src(%dma_wait3A_188 : memref<10000x16xf32, #tpu.memory_space<hbm>>) dst(%arg11 : memref<128x16xf32, #tpu.memory_space<vmem>>)
    %sub3A_189 = arith.constant 4 : i32
    %sub3A_190 = arith.subi %select_n3A, %sub3A_189 : i32
    %add3A_191 = arith.constant 2 : i32
    %add3A_192 = arith.addi %sub3A_190, %add3A_191 : i32
    %dma_start3A_193 = arith.constant 0 : i32
    %dma_start3A_194 = tpu.memref_slice %arg8[%add3A_192, %dma_start3A_193] : memref<80x128xi32, #tpu.memory_space<vmem>> -> memref<1x128xi32, #tpu.memory_space<vmem>>
    %dma_start3A_195 = tpu.memref_squeeze %dma_start3A_194 : memref<1x128xi32, #tpu.memory_space<vmem>> -> memref<128xi32, #tpu.memory_space<vmem>>
    %dma_start3A_196 = arith.constant 0 : i32
    %dma_start3A_197 = arith.constant 0 : i32
    %dma_start3A_198 = tpu.memref_slice %arg14[%dma_start3A_196, %dma_start3A_197] : memref<10240x16xf32, #tpu.memory_space<vmem_shared>> -> memref<10240x16xf32, #tpu.memory_space<vmem_shared>>
    tpu.enqueue_indirect_dma source(%arg11 : memref<128x16xf32, #tpu.memory_space<vmem>>) target(%dma_start3A_198 : memref<10240x16xf32, #tpu.memory_space<vmem_shared>>) offsets(%dma_start3A_195 : memref<128xi32, #tpu.memory_space<vmem>>) semaphore(%arg21 : memref<!tpu.dma_semaphore, #tpu.memory_space<semaphore_mem>>) {add = true}
    %sub3A_199 = arith.constant 4 : i32
    %sub3A_200 = arith.subi %select_n3A, %sub3A_199 : i32
    %add3A_201 = arith.constant 3 : i32
    %add3A_202 = arith.addi %sub3A_200, %add3A_201 : i32
    %dma_wait3A_203 = arith.constant 0 : i32
    %dma_wait3A_204 = tpu.memref_slice %arg7[%add3A_202, %dma_wait3A_203] : memref<80x128xi32, #tpu.memory_space<vmem>> -> memref<1x128xi32, #tpu.memory_space<vmem>>
    %dma_wait3A_205 = tpu.memref_squeeze %dma_wait3A_204 : memref<1x128xi32, #tpu.memory_space<vmem>> -> memref<128xi32, #tpu.memory_space<vmem>>
    %dma_wait3A_206 = arith.constant 0 : i32
    %dma_wait3A_207 = arith.constant 0 : i32
    %dma_wait3A_208 = tpu.memref_slice %arg2[%dma_wait3A_206, %dma_wait3A_207] : memref<10000x16xf32, #tpu.memory_space<hbm>> -> memref<10000x16xf32, #tpu.memory_space<hbm>>
    tpu.wait_indirect_dma semaphore(%arg18 : memref<!tpu.dma_semaphore, #tpu.memory_space<semaphore_mem>>) src(%dma_wait3A_208 : memref<10000x16xf32, #tpu.memory_space<hbm>>) dst(%arg12 : memref<128x16xf32, #tpu.memory_space<vmem>>)
    %sub3A_209 = arith.constant 4 : i32
    %sub3A_210 = arith.subi %select_n3A, %sub3A_209 : i32
    %add3A_211 = arith.constant 3 : i32
    %add3A_212 = arith.addi %sub3A_210, %add3A_211 : i32
    %dma_start3A_213 = arith.constant 0 : i32
    %dma_start3A_214 = tpu.memref_slice %arg8[%add3A_212, %dma_start3A_213] : memref<80x128xi32, #tpu.memory_space<vmem>> -> memref<1x128xi32, #tpu.memory_space<vmem>>
    %dma_start3A_215 = tpu.memref_squeeze %dma_start3A_214 : memref<1x128xi32, #tpu.memory_space<vmem>> -> memref<128xi32, #tpu.memory_space<vmem>>
    %dma_start3A_216 = arith.constant 0 : i32
    %dma_start3A_217 = arith.constant 0 : i32
    %dma_start3A_218 = tpu.memref_slice %arg14[%dma_start3A_216, %dma_start3A_217] : memref<10240x16xf32, #tpu.memory_space<vmem_shared>> -> memref<10240x16xf32, #tpu.memory_space<vmem_shared>>
    tpu.enqueue_indirect_dma source(%arg12 : memref<128x16xf32, #tpu.memory_space<vmem>>) target(%dma_start3A_218 : memref<10240x16xf32, #tpu.memory_space<vmem_shared>>) offsets(%dma_start3A_215 : memref<128xi32, #tpu.memory_space<vmem>>) semaphore(%arg22 : memref<!tpu.dma_semaphore, #tpu.memory_space<semaphore_mem>>) {add = true}
    %sub3A_219 = arith.constant 4 : i32
    %sub3A_220 = arith.subi %select_n3A, %sub3A_219 : i32
    %add3A_221 = arith.constant 0 : i32
    %add3A_222 = arith.addi %sub3A_220, %add3A_221 : i32
    %dma_wait3A_223 = arith.constant 0 : i32
    %dma_wait3A_224 = tpu.memref_slice %arg8[%add3A_222, %dma_wait3A_223] : memref<80x128xi32, #tpu.memory_space<vmem>> -> memref<1x128xi32, #tpu.memory_space<vmem>>
    %dma_wait3A_225 = tpu.memref_squeeze %dma_wait3A_224 : memref<1x128xi32, #tpu.memory_space<vmem>> -> memref<128xi32, #tpu.memory_space<vmem>>
    %dma_wait3A_226 = arith.constant 0 : i32
    %dma_wait3A_227 = arith.constant 0 : i32
    %dma_wait3A_228 = tpu.memref_slice %arg14[%dma_wait3A_226, %dma_wait3A_227] : memref<10240x16xf32, #tpu.memory_space<vmem_shared>> -> memref<10240x16xf32, #tpu.memory_space<vmem_shared>>
    tpu.wait_indirect_dma semaphore(%arg19 : memref<!tpu.dma_semaphore, #tpu.memory_space<semaphore_mem>>) src(%arg9 : memref<128x16xf32, #tpu.memory_space<vmem>>) dst(%dma_wait3A_228 : memref<10240x16xf32, #tpu.memory_space<vmem_shared>>)
    %sub3A_229 = arith.constant 4 : i32
    %sub3A_230 = arith.subi %select_n3A, %sub3A_229 : i32
    %add3A_231 = arith.constant 1 : i32
    %add3A_232 = arith.addi %sub3A_230, %add3A_231 : i32
    %dma_wait3A_233 = arith.constant 0 : i32
    %dma_wait3A_234 = tpu.memref_slice %arg8[%add3A_232, %dma_wait3A_233] : memref<80x128xi32, #tpu.memory_space<vmem>> -> memref<1x128xi32, #tpu.memory_space<vmem>>
    %dma_wait3A_235 = tpu.memref_squeeze %dma_wait3A_234 : memref<1x128xi32, #tpu.memory_space<vmem>> -> memref<128xi32, #tpu.memory_space<vmem>>
    %dma_wait3A_236 = arith.constant 0 : i32
    %dma_wait3A_237 = arith.constant 0 : i32
    %dma_wait3A_238 = tpu.memref_slice %arg14[%dma_wait3A_236, %dma_wait3A_237] : memref<10240x16xf32, #tpu.memory_space<vmem_shared>> -> memref<10240x16xf32, #tpu.memory_space<vmem_shared>>
    tpu.wait_indirect_dma semaphore(%arg20 : memref<!tpu.dma_semaphore, #tpu.memory_space<semaphore_mem>>) src(%arg10 : memref<128x16xf32, #tpu.memory_space<vmem>>) dst(%dma_wait3A_238 : memref<10240x16xf32, #tpu.memory_space<vmem_shared>>)
    %sub3A_239 = arith.constant 4 : i32
    %sub3A_240 = arith.subi %select_n3A, %sub3A_239 : i32
    %add3A_241 = arith.constant 2 : i32
    %add3A_242 = arith.addi %sub3A_240, %add3A_241 : i32
    %dma_wait3A_243 = arith.constant 0 : i32
    %dma_wait3A_244 = tpu.memref_slice %arg8[%add3A_242, %dma_wait3A_243] : memref<80x128xi32, #tpu.memory_space<vmem>> -> memref<1x128xi32, #tpu.memory_space<vmem>>
    %dma_wait3A_245 = tpu.memref_squeeze %dma_wait3A_244 : memref<1x128xi32, #tpu.memory_space<vmem>> -> memref<128xi32, #tpu.memory_space<vmem>>
    %dma_wait3A_246 = arith.constant 0 : i32
    %dma_wait3A_247 = arith.constant 0 : i32
    %dma_wait3A_248 = tpu.memref_slice %arg14[%dma_wait3A_246, %dma_wait3A_247] : memref<10240x16xf32, #tpu.memory_space<vmem_shared>> -> memref<10240x16xf32, #tpu.memory_space<vmem_shared>>
    tpu.wait_indirect_dma semaphore(%arg21 : memref<!tpu.dma_semaphore, #tpu.memory_space<semaphore_mem>>) src(%arg11 : memref<128x16xf32, #tpu.memory_space<vmem>>) dst(%dma_wait3A_248 : memref<10240x16xf32, #tpu.memory_space<vmem_shared>>)
    %sub3A_249 = arith.constant 4 : i32
    %sub3A_250 = arith.subi %select_n3A, %sub3A_249 : i32
    %add3A_251 = arith.constant 3 : i32
    %add3A_252 = arith.addi %sub3A_250, %add3A_251 : i32
    %dma_wait3A_253 = arith.constant 0 : i32
    %dma_wait3A_254 = tpu.memref_slice %arg8[%add3A_252, %dma_wait3A_253] : memref<80x128xi32, #tpu.memory_space<vmem>> -> memref<1x128xi32, #tpu.memory_space<vmem>>
    %dma_wait3A_255 = tpu.memref_squeeze %dma_wait3A_254 : memref<1x128xi32, #tpu.memory_space<vmem>> -> memref<128xi32, #tpu.memory_space<vmem>>
    %dma_wait3A_256 = arith.constant 0 : i32
    %dma_wait3A_257 = arith.constant 0 : i32
    %dma_wait3A_258 = tpu.memref_slice %arg14[%dma_wait3A_256, %dma_wait3A_257] : memref<10240x16xf32, #tpu.memory_space<vmem_shared>> -> memref<10240x16xf32, #tpu.memory_space<vmem_shared>>
    tpu.wait_indirect_dma semaphore(%arg22 : memref<!tpu.dma_semaphore, #tpu.memory_space<semaphore_mem>>) src(%arg12 : memref<128x16xf32, #tpu.memory_space<vmem>>) dst(%dma_wait3A_258 : memref<10240x16xf32, #tpu.memory_space<vmem_shared>>)
    %barrier3A_259 = arith.constant 0 : index
    tpu.barrier barrier_id(%barrier3A_259)
    "tpu.region"() ({
      %run_scoped3A = tpu.sem_alloc : memref<!tpu.dma_semaphore, #tpu.memory_space<semaphore_mem>>
      %dma_start3A_260 = arith.constant 0 : i32
      %dma_start3A_261 = tpu.memref_slice %arg14[%mul3A_2, %dma_start3A_260] : memref<10240x16xf32, #tpu.memory_space<vmem_shared>> -> memref<640x16xf32, #tpu.memory_space<vmem_shared>>
      %dma_start3A_262 = arith.constant 0 : i32
      %dma_start3A_263 = tpu.memref_slice %arg14[%mul3A_2, %dma_start3A_262] : memref<10240x16xf32, #tpu.memory_space<vmem_shared>> -> memref<640x16xf32, #tpu.memory_space<vmem_shared>>
      tpu.enqueue_dma source(%dma_start3A_263 : memref<640x16xf32, #tpu.memory_space<vmem_shared>>) target(%arg13 : memref<640x16xf32, #tpu.memory_space<vmem>>) target_semaphore(%run_scoped3A : memref<!tpu.dma_semaphore, #tpu.memory_space<semaphore_mem>>)
      %dma_wait3A_264 = arith.constant 0 : i32
      %dma_wait3A_265 = tpu.memref_slice %arg14[%mul3A_2, %dma_wait3A_264] : memref<10240x16xf32, #tpu.memory_space<vmem_shared>> -> memref<640x16xf32, #tpu.memory_space<vmem_shared>>
      %dma_wait3A_266 = arith.constant 0 : i32
      %dma_wait3A_267 = tpu.memref_slice %arg14[%mul3A_2, %dma_wait3A_266] : memref<10240x16xf32, #tpu.memory_space<vmem_shared>> -> memref<640x16xf32, #tpu.memory_space<vmem_shared>>
      tpu.wait_dma2 semaphore(%run_scoped3A : memref<!tpu.dma_semaphore, #tpu.memory_space<semaphore_mem>>) src(%dma_wait3A_267 : memref<640x16xf32, #tpu.memory_space<vmem_shared>>) dst(%arg13 : memref<640x16xf32, #tpu.memory_space<vmem>>)
      tpu.yield
    }) : () -> ()
    "tpu.region"() ({
      %run_scoped3A = tpu.sem_alloc : memref<!tpu.dma_semaphore, #tpu.memory_space<semaphore_mem>>
      %dma_start3A_260 = arith.constant 0 : i32
      %dma_start3A_261 = tpu.memref_slice %arg6[%arg0, %mul3A_2, %dma_start3A_260] : memref<2x10240x16xf32, #tpu.memory_space<hbm>> -> memref<1x640x16xf32, #tpu.memory_space<hbm>>
      %dma_start3A_262 = tpu.memref_squeeze %dma_start3A_261 : memref<1x640x16xf32, #tpu.memory_space<hbm>> -> memref<640x16xf32, #tpu.memory_space<hbm>>
      %dma_start3A_263 = arith.constant 0 : i32
      %dma_start3A_264 = tpu.memref_slice %arg6[%arg0, %mul3A_2, %dma_start3A_263] : memref<2x10240x16xf32, #tpu.memory_space<hbm>> -> memref<1x640x16xf32, #tpu.memory_space<hbm>>
      %dma_start3A_265 = tpu.memref_squeeze %dma_start3A_264 : memref<1x640x16xf32, #tpu.memory_space<hbm>> -> memref<640x16xf32, #tpu.memory_space<hbm>>
      tpu.enqueue_dma source(%arg13 : memref<640x16xf32, #tpu.memory_space<vmem>>) target(%dma_start3A_265 : memref<640x16xf32, #tpu.memory_space<hbm>>) target_semaphore(%run_scoped3A : memref<!tpu.dma_semaphore, #tpu.memory_space<semaphore_mem>>)
      %dma_wait3A_266 = arith.constant 0 : i32
      %dma_wait3A_267 = tpu.memref_slice %arg6[%arg0, %mul3A_2, %dma_wait3A_266] : memref<2x10240x16xf32, #tpu.memory_space<hbm>> -> memref<1x640x16xf32, #tpu.memory_space<hbm>>
      %dma_wait3A_268 = tpu.memref_squeeze %dma_wait3A_267 : memref<1x640x16xf32, #tpu.memory_space<hbm>> -> memref<640x16xf32, #tpu.memory_space<hbm>>
      %dma_wait3A_269 = arith.constant 0 : i32
      %dma_wait3A_270 = tpu.memref_slice %arg6[%arg0, %mul3A_2, %dma_wait3A_269] : memref<2x10240x16xf32, #tpu.memory_space<hbm>> -> memref<1x640x16xf32, #tpu.memory_space<hbm>>
      %dma_wait3A_271 = tpu.memref_squeeze %dma_wait3A_270 : memref<1x640x16xf32, #tpu.memory_space<hbm>> -> memref<640x16xf32, #tpu.memory_space<hbm>>
      tpu.wait_dma2 semaphore(%run_scoped3A : memref<!tpu.dma_semaphore, #tpu.memory_space<semaphore_mem>>) src(%arg13 : memref<640x16xf32, #tpu.memory_space<vmem>>) dst(%dma_wait3A_271 : memref<640x16xf32, #tpu.memory_space<hbm>>)
      tpu.yield
    }) : () -> ()
    return
  }
}

module attributes {stable_mosaic.version = 14 : i64} {
  func.func @body(%arg0: memref<10000x128xf32, #tpu.memory_space<vmem>>, %arg1: memref<32x128xf32, #tpu.memory_space<vmem>>, %arg2: memref<32x128xf32, #tpu.memory_space<vmem>>, %arg3: memref<10000x32xf32, #tpu.memory_space<vmem>>, %arg4: memref<10000x32xf32, #tpu.memory_space<vmem>>) attributes {dimension_semantics = [], scalar_prefetch = 0 : i64, scratch_operands = 0 : i64, tpu.core_type = #tpu.core_type<tc>} {
    %get3A = arith.constant 0 : index
    %get3A_0 = arith.constant 0 : index
    %get3A_1 = vector.load %arg0[%get3A, %get3A_0] : memref<10000x128xf32, #tpu.memory_space<vmem>>, vector<10000x128xf32>
    %get3A_2 = arith.constant 0 : index
    %get3A_3 = arith.constant 0 : index
    %get3A_4 = vector.load %arg1[%get3A_2, %get3A_3] : memref<32x128xf32, #tpu.memory_space<vmem>>, vector<32x128xf32>
    %dot_general3A = arith.constant dense<0.000000e+00> : vector<10000x32xf32>
    %dot_general3A_5 = tpu.matmul %get3A_1, %get3A_4, %dot_general3A {dimension_numbers = #tpu.dot_dimension_numbers<[1], [1], [0], [0], [0, 0, 1, 0], [], []>, transpose_lhs_hint = false} : vector<10000x128xf32>, vector<32x128xf32>, vector<10000x32xf32> -> vector<10000x32xf32>
    %swap3A = arith.constant 0 : index
    %swap3A_6 = arith.constant 0 : index
    %swap3A_7 = vector.load %arg3[%swap3A, %swap3A_6] : memref<10000x32xf32, #tpu.memory_space<vmem>>, vector<10000x32xf32>
    tpu.vector_store %arg3[%swap3A, %swap3A_6], %dot_general3A_5 {strides = array<i32>} : memref<10000x32xf32, #tpu.memory_space<vmem>>, vector<10000x32xf32>,
    %get3A_8 = arith.constant 0 : index
    %get3A_9 = arith.constant 0 : index
    %get3A_10 = vector.load %arg2[%get3A_8, %get3A_9] : memref<32x128xf32, #tpu.memory_space<vmem>>, vector<32x128xf32>
    %dot_general3A_11 = arith.constant dense<0.000000e+00> : vector<10000x32xf32>
    %dot_general3A_12 = tpu.matmul %get3A_1, %get3A_10, %dot_general3A_11 {dimension_numbers = #tpu.dot_dimension_numbers<[1], [1], [0], [0], [0, 0, 1, 0], [], []>, transpose_lhs_hint = false} : vector<10000x128xf32>, vector<32x128xf32>, vector<10000x32xf32> -> vector<10000x32xf32>
    %swap3A_13 = arith.constant 0 : index
    %swap3A_14 = arith.constant 0 : index
    %swap3A_15 = vector.load %arg4[%swap3A_13, %swap3A_14] : memref<10000x32xf32, #tpu.memory_space<vmem>>, vector<10000x32xf32>
    tpu.vector_store %arg4[%swap3A_13, %swap3A_14], %dot_general3A_12 {strides = array<i32>} : memref<10000x32xf32, #tpu.memory_space<vmem>>, vector<10000x32xf32>,
    return
  }
}

module attributes {stable_mosaic.version = 14 : i64} {
  func.func @body(%arg0: memref<10240x32xf32, #tpu.memory_space<vmem>>, %arg1: memref<10240x32xf32, #tpu.memory_space<vmem>>, %arg2: memref<10000x32xf32, #tpu.memory_space<vmem>>, %arg3: memref<1x32xf32, #tpu.memory_space<vmem>>, %arg4: memref<16x32xf32, #tpu.memory_space<vmem>>, %arg5: memref<16x32xf32, #tpu.memory_space<vmem>>, %arg6: memref<10000x16xf32, #tpu.memory_space<vmem>>, %arg7: memref<10000x16xf32, #tpu.memory_space<vmem>>) attributes {dimension_semantics = [], scalar_prefetch = 0 : i64, scratch_operands = 0 : i64, tpu.core_type = #tpu.core_type<tc>} {
    %get3A = arith.constant 0 : index
    %get3A_0 = arith.constant 0 : index
    %get3A_1 = vector.load %arg0[%get3A, %get3A_0] : memref<10240x32xf32, #tpu.memory_space<vmem>>, vector<10000x32xf32>
    %get3A_2 = arith.constant 0 : index
    %get3A_3 = arith.constant 0 : index
    %get3A_4 = vector.load %arg1[%get3A_2, %get3A_3] : memref<10240x32xf32, #tpu.memory_space<vmem>>, vector<10000x32xf32>
    %add3A = arith.addf %get3A_1, %get3A_4 : vector<10000x32xf32>
    %get3A_5 = arith.constant 0 : index
    %get3A_6 = arith.constant 0 : index
    %get3A_7 = vector.load %arg2[%get3A_5, %get3A_6] : memref<10000x32xf32, #tpu.memory_space<vmem>>, vector<10000x32xf32>
    %add3A_8 = arith.addf %add3A, %get3A_7 : vector<10000x32xf32>
    %get3A_9 = arith.constant 0 : index
    %get3A_10 = arith.constant 0 : index
    %get3A_11 = vector.load %arg3[%get3A_9, %get3A_10] : memref<1x32xf32, #tpu.memory_space<vmem>>, vector<1x32xf32>
    %add3A_12 = vector.broadcast %get3A_11 : vector<1x32xf32> to vector<10000x32xf32>
    %add3A_13 = arith.addf %add3A_8, %add3A_12 : vector<10000x32xf32>
    %max3A = arith.constant 0.000000e+00 : f32
    %max3A_14 = vector.broadcast %max3A : f32 to vector<10000x32xf32>
    %max3A_15 = arith.maximumf %add3A_13, %max3A_14 : vector<10000x32xf32>
    %get3A_16 = arith.constant 0 : index
    %get3A_17 = arith.constant 0 : index
    %get3A_18 = vector.load %arg4[%get3A_16, %get3A_17] : memref<16x32xf32, #tpu.memory_space<vmem>>, vector<16x32xf32>
    %dot_general3A = arith.constant dense<0.000000e+00> : vector<10000x16xf32>
    %dot_general3A_19 = tpu.matmul %max3A_15, %get3A_18, %dot_general3A {dimension_numbers = #tpu.dot_dimension_numbers<[1], [1], [0], [0], [0, 0, 1, 0], [], []>, transpose_lhs_hint = false} : vector<10000x32xf32>, vector<16x32xf32>, vector<10000x16xf32> -> vector<10000x16xf32>
    %swap3A = arith.constant 0 : index
    %swap3A_20 = arith.constant 0 : index
    %swap3A_21 = vector.load %arg6[%swap3A, %swap3A_20] : memref<10000x16xf32, #tpu.memory_space<vmem>>, vector<10000x16xf32>
    tpu.vector_store %arg6[%swap3A, %swap3A_20], %dot_general3A_19 {strides = array<i32>} : memref<10000x16xf32, #tpu.memory_space<vmem>>, vector<10000x16xf32>,
    %get3A_22 = arith.constant 0 : index
    %get3A_23 = arith.constant 0 : index
    %get3A_24 = vector.load %arg5[%get3A_22, %get3A_23] : memref<16x32xf32, #tpu.memory_space<vmem>>, vector<16x32xf32>
    %dot_general3A_25 = arith.constant dense<0.000000e+00> : vector<10000x16xf32>
    %dot_general3A_26 = tpu.matmul %max3A_15, %get3A_24, %dot_general3A_25 {dimension_numbers = #tpu.dot_dimension_numbers<[1], [1], [0], [0], [0, 0, 1, 0], [], []>, transpose_lhs_hint = false} : vector<10000x32xf32>, vector<16x32xf32>, vector<10000x16xf32> -> vector<10000x16xf32>
    %swap3A_27 = arith.constant 0 : index
    %swap3A_28 = arith.constant 0 : index
    %swap3A_29 = vector.load %arg7[%swap3A_27, %swap3A_28] : memref<10000x16xf32, #tpu.memory_space<vmem>>, vector<10000x16xf32>
    tpu.vector_store %arg7[%swap3A_27, %swap3A_28], %dot_general3A_26 {strides = array<i32>} : memref<10000x16xf32, #tpu.memory_space<vmem>>, vector<10000x16xf32>,
    return
  }
}

module attributes {stable_mosaic.version = 14 : i64} {
  func.func @body(%arg0: memref<10240x16xf32, #tpu.memory_space<vmem>>, %arg1: memref<10240x16xf32, #tpu.memory_space<vmem>>, %arg2: memref<10000x16xf32, #tpu.memory_space<vmem>>, %arg3: memref<1x16xf32, #tpu.memory_space<vmem>>, %arg4: memref<10000x1xi32, #tpu.memory_space<vmem>>, %arg5: memref<1x1xf32, #tpu.memory_space<vmem>>) attributes {dimension_semantics = [], scalar_prefetch = 0 : i64, scratch_operands = 0 : i64, tpu.core_type = #tpu.core_type<tc>} {
    %get3A = arith.constant 0 : index
    %get3A_0 = arith.constant 0 : index
    %get3A_1 = vector.load %arg0[%get3A, %get3A_0] : memref<10240x16xf32, #tpu.memory_space<vmem>>, vector<10000x16xf32>
    %get3A_2 = arith.constant 0 : index
    %get3A_3 = arith.constant 0 : index
    %get3A_4 = vector.load %arg1[%get3A_2, %get3A_3] : memref<10240x16xf32, #tpu.memory_space<vmem>>, vector<10000x16xf32>
    %add3A = arith.addf %get3A_1, %get3A_4 : vector<10000x16xf32>
    %get3A_5 = arith.constant 0 : index
    %get3A_6 = arith.constant 0 : index
    %get3A_7 = vector.load %arg2[%get3A_5, %get3A_6] : memref<10000x16xf32, #tpu.memory_space<vmem>>, vector<10000x16xf32>
    %add3A_8 = arith.addf %add3A, %get3A_7 : vector<10000x16xf32>
    %get3A_9 = arith.constant 0 : index
    %get3A_10 = arith.constant 0 : index
    %get3A_11 = vector.load %arg3[%get3A_9, %get3A_10] : memref<1x16xf32, #tpu.memory_space<vmem>>, vector<1x16xf32>
    %add3A_12 = vector.broadcast %get3A_11 : vector<1x16xf32> to vector<10000x16xf32>
    %add3A_13 = arith.addf %add3A_8, %add3A_12 : vector<10000x16xf32>
    %iota3A = tpu.iota {dimensions = array<i32: 1>} : vector<10000x16xi32>
    %lt3A = arith.constant 10 : i32
    %lt3A_14 = vector.broadcast %lt3A : i32 to vector<10000x16xi32>
    %lt3A_15 = arith.cmpi slt, %iota3A, %lt3A_14 : vector<10000x16xi32>
    %jit3A = arith.constant -1.000000e+30 : f32
    %broadcast_in_dim3A = vector.broadcast %jit3A : f32 to vector<10000x16xf32>
    %select_n3A = arith.select %lt3A_15, %add3A_13, %broadcast_in_dim3A : vector<10000x16xi1>, vector<10000x16xf32>
    %reduce_max3A = arith.constant dense<0xFF800000> : vector<10000xf32>
    %reduce_max3A_16 = vector.multi_reduction <maximumf>, %select_n3A, %reduce_max3A [1] : vector<10000x16xf32> to vector<10000xf32>
    %broadcast_in_dim3A_17 = vector.shape_cast %reduce_max3A_16 : vector<10000xf32> to vector<10000x1xf32>
    %sub3A = vector.broadcast %broadcast_in_dim3A_17 : vector<10000x1xf32> to vector<10000x16xf32>
    %sub3A_18 = arith.subf %select_n3A, %sub3A : vector<10000x16xf32>
    %exp3A = math.exp %sub3A_18 : vector<10000x16xf32>
    %reduce_sum3A = arith.constant dense<0.000000e+00> : vector<10000xf32>
    %reduce_sum3A_19 = vector.multi_reduction <add>, %exp3A, %reduce_sum3A [1] : vector<10000x16xf32> to vector<10000xf32>
    %broadcast_in_dim3A_20 = vector.shape_cast %reduce_sum3A_19 : vector<10000xf32> to vector<10000x1xf32>
    %log3A = math.log %broadcast_in_dim3A_20 : vector<10000x1xf32>
    %add3A_21 = arith.addf %log3A, %broadcast_in_dim3A_17 : vector<10000x1xf32>
    %get3A_22 = arith.constant 0 : index
    %get3A_23 = arith.constant 0 : index
    %get3A_24 = vector.load %arg4[%get3A_22, %get3A_23] : memref<10000x1xi32, #tpu.memory_space<vmem>>, vector<10000x1xi32>
    %eq3A = vector.broadcast %get3A_24 : vector<10000x1xi32> to vector<10000x16xi32>
    %eq3A_25 = arith.cmpi eq, %iota3A, %eq3A : vector<10000x16xi32>
    %jit3A_26 = arith.constant 0.000000e+00 : f32
    %broadcast_in_dim3A_27 = vector.broadcast %jit3A_26 : f32 to vector<10000x16xf32>
    %select_n3A_28 = arith.select %eq3A_25, %select_n3A, %broadcast_in_dim3A_27 : vector<10000x16xi1>, vector<10000x16xf32>
    %reduce_sum3A_29 = arith.constant dense<0.000000e+00> : vector<10000xf32>
    %reduce_sum3A_30 = vector.multi_reduction <add>, %select_n3A_28, %reduce_sum3A_29 [1] : vector<10000x16xf32> to vector<10000xf32>
    %broadcast_in_dim3A_31 = vector.shape_cast %reduce_sum3A_30 : vector<10000xf32> to vector<10000x1xf32>
    %sub3A_32 = arith.subf %add3A_21, %broadcast_in_dim3A_31 : vector<10000x1xf32>
    %reduce_sum3A_33 = vector.shape_cast %sub3A_32 : vector<10000x1xf32> to vector<1x10000x1xf32>
    %reduce_sum3A_34 = arith.constant dense<0.000000e+00> : vector<1xf32>
    %reduce_sum3A_35 = vector.multi_reduction <add>, %reduce_sum3A_33, %reduce_sum3A_34 [1, 2] : vector<1x10000x1xf32> to vector<1xf32>
    %reduce_sum3A_36 = vector.shape_cast %reduce_sum3A_35 : vector<1xf32> to vector<1x1x1xf32>
    %reduce_sum3A_37 = vector.extract %reduce_sum3A_36[0, 0, 0] : f32 from vector<1x1x1xf32>
    %mul3A = arith.constant 9.99999974E-5 : f32
    %mul3A_38 = arith.mulf %reduce_sum3A_37, %mul3A : f32
    %reshape3A = vector.broadcast %mul3A_38 : f32 to vector<1x1xf32>
    %swap3A = arith.constant 0 : index
    %swap3A_39 = arith.constant 0 : index
    %swap3A_40 = vector.load %arg5[%swap3A, %swap3A_39] : memref<1x1xf32, #tpu.memory_space<vmem>>, vector<1x1xf32>
    tpu.vector_store %arg5[%swap3A, %swap3A_39], %reshape3A {strides = array<i32>} : memref<1x1xf32, #tpu.memory_space<vmem>>, vector<1x1xf32>,
    return
  }
}

</mosaic_0001>

<sc_bundles>
// kernel: kernel.10.cloned.1.call-start
scs
__scs_entry_jumppad:
0x0: {  	(pc) =	sbr.rel $0x88, $3  }
0x1: {  	(tag) =	ssettag $0x0;
	lr =	simm.s32 $0x1  }
0x2: {  	[smem:$0x3F98] =	sst lr;
	_ =	strace $0xD0000000  }
0x3: {  	_ = 	snop  }
0x4: {  	_ = 	snop  }
0x5: {  	_ = 	snop  }
0x6: {  	_ = 	snop  }
0x7: {  	_ = 	snop  }
__scs_overlays_trampoline_lowered:
0x8: {  	[smem:$0x3FA7] =	sst s0  }
0x9: {  	[smem:$0x3FA8] =	sst s1  }
0xa: {  	[smem:$0x3FA9] =	sst s2  }
0xb: {  	[smem:$0x3FAA] =	sst s3  }
0xc: {  	[smem:$0x3FAB] =	sst s4  }
0xd: {  	[smem:$0x3FAC] =	sst s5  }
0xe: {  	[smem:$0x3FAD] =	sst s6  }
0xf: {  	[smem:$0x3FAE] =	sst s7  }
0x10: {  	[smem:$0x3FAF] =	sst s8  }
0x11: {  	[smem:$0x3FB0] =	sst s9;
	s0 =	simm.s32 @!p0 $0x0  }
0x12: {  	s1 =	sld [smem:$0x3F96];
	s0 =	simm.s32 @p0 $0x1  }
0x13: {  	[smem:$0x3FB1] =	sst s0;
	s0 =	simm.s32 @!p1 $0x0  }
0x14: {  	s2 =	sld [smem:$0x3F95];
	s0 =	simm.s32 @p1 $0x1  }
0x15: {  	[smem:$0x3FB2] =	sst s0;
	s0 =	simm.s32 @!p2 $0x0  }
0x16: {  	s3 =	sld [smem:$0x3FDB];
	s0 =	simm.s32 @p2 $0x1  }
0x17: {  	s4 =	simm.s32 $0x1BF5;
	[smem:$0x3FB4] =	sst s0  }
0x18: {  	s0 =	sld [smem:$0x3F97];
	_ =	swait.ge [sflag:s4], $0x0  }
0x19: {  	s7 =	sld [smem:$0x3F98]  }
0x1a: {  	s8 =	sadd.s32 $0xFFFFE003, lr  }
0x1b: {  	s9 =	sadd.s32 $0xFFFFFEF7, lr;
	s5 =	simm.s32 $0xFFFFFFFF;
	p2 =	slt.u32 s8, $0xFFFFF086  }
0x1c: {  	p1 =	slt.u32 s9, $0xF7A;
	s5 =	simm.s32 @!p2 $0x0  }
0x1d: {  	s5 =	simm.s32 @p1 $0x1;
	p0 =	seq.s32 s7, s2  }
0x1e: {  	s7 =	smul.u32 @!p0 $0xF7A, s2;
	p2 =	seq.s32 @!p0 s5, $0x0  }
0x1f: {  	s9 =	smul.u32 $0xF7A, s1;
	s8 =	simm.s32 @!p0 $0x1BF5;
	p2 =	por !p2, p0  }
0x20: {  	[sflag:s8] =	ssyncset.s32 @!p0 $0xFFFFF086;
	s6 =	sadd.s32 @!p0 s3, s7;
	s7 =	simm.s32 @!p0 $0x108  }
0x21: {  	s3 =	sadd.s32 s3, s9;
	s6 =	sadd.s32 @!p0 $0x88, s6;
	s7 =	simm.s32 @p2 $0x1082  }
0x22: {  	[simem:s7], [sflag:s8] =	dma.local @!p0 [hbm:s6], $0xF7A  }
0x23: {  	s9 =	sor.u32 $0xD0000000, s2;
	s6 =	simm.s32 $0x108;
	_ =	swait.ge @!p0 [sflag:s8], $0x0  }
0x24: {  	s3 =	sadd.s32 $0x88, s3;
	s6 =	simm.s32 @!p1 $0x1082;
	[sflag:s4] =	ssyncset.s32 $0xFFFFF086  }
0x25: {  	[simem:s6], [sflag:s4] =	dma.local [hbm:s3], $0xF7A  }
0x26: {  	[smem:$0x3F98] =	sst s1;
	(tag) =	ssettag s2;
	_ =	strace s9  }
0x27: {  	s1 =	sld [smem:$0x3FA8]  }
0x28: {  	s2 =	sld [smem:$0x3FA9]  }
0x29: {  	s4 =	sld [smem:$0x3FAB]  }
0x2a: {  	p0 =	seq.s32 s5, $0x0;
	s5 =	sld [smem:$0x3FAC]  }
0x2b: {  	s6 =	sld [smem:$0x3FAD]  }
0x2c: {  	s7 =	sld [smem:$0x3FAE]  }
0x2d: {  	s3 =	simm.s32 $0x108;
	s8 =	sld [smem:$0x3FAF]  }
0x2e: {  	s3 =	simm.s32 @!p0 $0x1082;
	s9 =	sld [smem:$0x3FB0]  }
0x2f: {  	lr =	sadd.s32 s0, s3;
	s0 =	sld [smem:$0x3FA7]  }
0x30: {  	s3 =	sld [smem:$0x3FAA]  }
0x31: {  	[smem:$0x3FB3] =	sst s10  }
0x32: {  	s10 =	sld [smem:$0x3FB1];
	_ =	sdelay $0x3  }
0x33: {  	p0 =	seq.s32 s10, $0x1;
	s10 =	sld [smem:$0x3FB3];
	_ =	sdelay $0x3  }
0x34: {  	[smem:$0x3FB3] =	sst s10  }
0x35: {  	s10 =	sld [smem:$0x3FB2];
	_ =	sdelay $0x3  }
0x36: {  	p1 =	seq.s32 s10, $0x1;
	s10 =	sld [smem:$0x3FB3];
	_ =	sdelay $0x3  }
0x37: {  	[smem:$0x3FB3] =	sst s10  }
0x38: {  	s10 =	sld [smem:$0x3FB4]  }
0x39: {  	_ = 	snop;
	(pc) =	sbr.ind lr, $3  }
0x3a: {  	_ = 	snop  }
0x3b: {  	_ = 	snop  }
0x3c: {  	p2 =	seq.s32 s10, $0x1;
	s10 =	sld [smem:$0x3FB3]  }
0x3d: {  	_ =	shalt  }
0x3e: {  	_ =	shalt  }
0x3f: {  	_ =	shalt  }
0x40: {  	_ =	shalt  }
0x41: {  	_ =	shalt  }
0x42: {  	_ =	shalt  }
0x43: {  	_ =	shalt  }
0x44: {  	_ =	shalt  }
0x45: {  	_ =	shalt  }
0x46: {  	_ =	shalt  }
0x47: {  	_ =	shalt  }
0x48: {  	_ =	shalt  }
0x49: {  	_ =	shalt  }
0x4a: {  	_ =	shalt  }
0x4b: {  	_ =	shalt  }
0x4c: {  	_ =	shalt  }
0x4d: {  	_ =	shalt  }
0x4e: {  	_ =	shalt  }
0x4f: {  	_ =	shalt  }
0x50: {  	_ =	shalt  }
0x51: {  	_ =	shalt  }
0x52: {  	_ =	shalt  }
0x53: {  	_ =	shalt  }
0x54: {  	_ =	shalt  }
0x55: {  	_ =	shalt  }
0x56: {  	_ =	shalt  }
0x57: {  	_ =	shalt  }
0x58: {  	_ =	shalt  }
0x59: {  	_ =	shalt  }
0x5a: {  	_ =	shalt  }
0x5b: {  	_ =	shalt  }
0x5c: {  	_ =	shalt  }
0x5d: {  	_ =	shalt  }
0x5e: {  	_ =	shalt  }
0x5f: {  	_ =	shalt  }
0x60: {  	_ =	shalt  }
0x61: {  	_ =	shalt  }
0x62: {  	_ =	shalt  }
0x63: {  	_ =	shalt  }
0x64: {  	_ =	shalt  }
0x65: {  	_ =	shalt  }
0x66: {  	_ =	shalt  }
0x67: {  	_ =	shalt  }
0x68: {  	_ =	shalt  }
0x69: {  	_ =	shalt  }
0x6a: {  	_ =	shalt  }
0x6b: {  	_ =	shalt  }
0x6c: {  	_ =	shalt  }
0x6d: {  	_ =	shalt  }
0x6e: {  	_ =	shalt  }
0x6f: {  	_ =	shalt  }
0x70: {  	_ =	shalt  }
0x71: {  	_ =	shalt  }
0x72: {  	_ =	shalt  }
0x73: {  	_ =	shalt  }
0x74: {  	_ =	shalt  }
0x75: {  	_ =	shalt  }
0x76: {  	_ =	shalt  }
0x77: {  	_ =	shalt  }
0x78: {  	_ =	shalt  }
0x79: {  	_ =	shalt  }
0x7a: {  	_ =	shalt  }
0x7b: {  	_ =	shalt  }
0x7c: {  	_ =	shalt  }
0x7d: {  	_ =	shalt  }
0x7e: {  	_ =	shalt  }
0x7f: {  	_ =	shalt  }
0x80: {  	_ =	shalt  }
0x81: {  	_ =	shalt  }
0x82: {  	_ =	shalt  }
0x83: {  	_ =	shalt  }
0x84: {  	_ =	shalt  }
0x85: {  	_ =	shalt  }
0x86: {  	_ =	shalt  }
0x87: {  	_ =	shalt  }
.Lfunc_end0:
.L_simem_size_0:
called_computation.1_lowered:
.L_overlay_start_0:
0x88: {  	s2 =	sld [smem:$0x3FD9]  }
0x89: {  	s3 =	sld [smem:$0x3FFE];
	_ =	sdelay $0x1  }
0x8a: {  	s1 =	srdreg.scid  }
0x8b: {  	s0 =	sand.u32 $0x1, s1  }
0x8c: {  	s16 =	sshll.u32 s0, $0xA;
	s2 =	sadd.s32 s3, s2  }
0x8d: {  	s2 =	sadd.s32 s2, s16  }
0x8e: {  	[smem:$0x3FBF] =	sst s2  }
0x8f: {  	_ = 	snop  }
0x90: {  	(tm) =	ssettm $0x1  }
0x91: {  	s17 =	sld [smem:$0x3FFB];
	_ =	sdelay $0x3  }
0x92: {  	_ =	strace s17  }
0x93: {  	s2 =	sld [smem:$0x3FFC];
	_ =	sdelay $0x3  }
0x94: {  	_ =	strace s2  }
0x95: {  	s2 =	sld [smem:$0x3FFD];
	_ =	sdelay $0x3  }
0x96: {  	_ =	strace s2  }
0x97: {  	_ =	strace $0x8FFFFFFF  }
0x98: {  	s18 =	sld [smem:$0x3FDB];
	_ =	sdelay $0x1  }
0x99: {  	s19 =	simm.s32 $_scs_section_size  }
0x9a: {  	s4 =	simm.s32 $_size__tile_overlayer_lowered;
	s5 =	simm.s32 $_tile_overlayer_lowered  }
0x9b: {  	s22 =	simm.s32 $0x1BFF;
	s21 =	sshll.u32 s5, $0x1;
	s2 =	sadd.s32 s19, s18  }
0x9c: {  	s6 =	simm.s32 $0x0;
	s20 =	sshll.u32 s4, $0x1;
	s4 =	sadd.s32 s21, s2  }
0x9d: {  	[timem:s6], [sflag:s22] =	dma.local [hbm:s4], s20  }
0x9e: {  	_ =	swait.ge [sflag:s22], s20  }
0x9f: {  	s3 =	ssub.s32 $0x0, s20;
	[sflag:s22] =	ssyncset.done $0x0  }
0xa0: {  	[sflag:s22] =	ssyncadd.s32 s3;
	_ =	sdelay $0x1  }
0xa1: {  	s23 =	simm.s32 $0x1B8B  }
0xa2: {  	_ =	swait.ge [sflag:s23], $0x1  }
0xa3: {  	[sflag:s23] =	ssyncset.done $0x0  }
0xa4: {  	s25 =	simm.s32 $0x1B8E;
	s24 =	sld [smem:$0x3FFE];
	[sflag:s23] =	ssyncadd.s32 $0xFFFFFFFF  }
0xa5: {  	s26 =	simm.s32 $execute0_lowered;
	[smem:$0x3FD2] =	sst s25  }
0xa6: {  	s4 =	sshll.u32 s26, $0x1;
	_ =	strace $0x80000049;
	[dreg:$0x1] =	wrdreg $0xFFFFFFFF  }
0xa7: {  	s28 =	simm.s32 $_size_execute0_lowered;
	s2 =	sadd.s32 s2, s4;
	[dreg:$0x0] =	wrdreg $0x0  }
0xa8: {  	s4 =	sshll.u32 s28, $0x1;
	[dreg:$0x2] =	wrdreg s2  }
0xa9: {  	[dreg:$0x3] =	wrdreg s4  }
0xaa: {  	[dreg:$0x4] =	wrdreg $0xC0  }
0xab: {  	_ =	task [dreg:s6], $0x5FFFF  }
0xac: {  	[dreg:$0x1] =	wrdreg $0xFFFFFFFF  }
0xad: {  	[dreg:$0x0] =	wrdreg $0x60  }
0xae: {  	[dreg:$0x2] =	wrdreg s24  }
0xaf: {  	[dreg:$0x3] =	wrdreg $0x98000  }
0xb0: {  	[dreg:$0x4] =	wrdreg $0x9  }
0xb1: {  	_ =	task.clear_ibuf [dreg:s6], $0x5FFFF;
	_ =	strace $0x90000049  }
0xb2: {  	s29 =	simm.s32 $0x9;
	_ =	strace $0x8000004B  }
0xb3: {  	_ =	swait.ge [sflag:s29], $0x1  }
0xb4: {  	[sflag:s29] =	ssyncadd.s32 $0xFFFFFFFF  }
0xb5: {  	_ =	strace $0x9000004B  }
0xb6: {  	_ =	sfence  }
0xb7: {  	s30 =	sld [smem:$0x0];
	_ =	sdelay $0x2  }
0xb8: {  	s31 =	sshll.u32 s1, $0xD;
	s1 =	sshrl.u32 s1, $0x2  }
0xb9: {  	s3 =	sand.u32 $0x4000, s31;
	s1 =	sadd.s32 s1, s30  }
0xba: {  	s0 =	sor.u32 s3, s0;
	s1 =	sshll.u32 s1, $0x11  }
0xbb: {  	s0 =	sor.u32 s1, s0  }
0xbc: {  	s0 =	sadd.s32 $0x8F2B, s0  }
0xbd: {  	[sflag:s0] =	ssyncadd.remote.s32 $0x1  }
0xbe: {  	_ =	sfence.sel $0xFFFF  }
0xbf: {  	[dreg:$0x0] =	wrdreg $0xFFFFFFFF;
	(pc) =	sbr.abs _section_cstart, $3  }
0xc0: {  	[dreg:$0x1] =	wrdreg $0xFFFFFFFF  }
0xc1: {  	_ =	task.clear_ibuf [dreg:s6], $0x2FFFF;
	_ =	strace $0x9FFFFFFF  }
0xc2: {  	(tm) =	ssettm $0x7FFFFFFF  }
0xc3: {  	_ =	shalt  }
tec
execute0_lowered:
.L_overlay_start_1:
0x0: {  	(tag) =	ssettag $0x1  }
0x1: {  	s0 =	rddreg [dreg:$0x0]  }
0x2: {  	s1 =	rddreg [dreg:$0x1]  }
0x3: {  	s2 =	simm.s32 $0x0;
	s3 =	srdreg.scid;
	s10 =	stileid.u32  }
0x4: {  	s28 =	simm.s32 $0x80;
	s29 =	simm.s32 $0x5000;
	s30 =	simm.s32 $0x5800  }
0x5: {  	s18 =	simm.s32 $0x6800;
	s31 =	simm.s32 $0x7;
	[smem:$0x7FF] =	sst s2  }
0x6: {  	s4 =	sadd.s32 $0x15400, s0;
	s3 =	sand.u32 $0x1, s3;
	s5 =	sadd.s32 $0xB600, s0  }
0x7: {  	s6 =	smul.u32 $0x2800, s10;
	s9 =	sadd.s32 $0x1800, s0;
	s19 =	sadd.s32 $0x1A400, s0  }
0x8: {  	_ =	strace $0x8000004A;
	s7 =	sshll.u32 s3, $0x4;
	s8 =	smul.u32 $0x28000, s3  }
0x9: {  	[dreg:$0x3] =	wrdreg s19;
	s3 =	ssub.s32 $0x2, s3;
	s7 =	sor.u32 s10, s7  }
0xa: {  	s19 =	simm.s32 $0x5;
	s12 =	sshrl.u32 s3, $0x1;
	s20 =	smul.u32 $0x4C, s7  }
0xb: {  	s11 =	smin.u32 s7, $0x11;
	s8 =	sadd.s32 s6, s8;
	s3 =	ssub.s32 s3, s12  }
0xc: {  	p0 =	slt.u32 s7, $0x11;
	s7 =	simm.s32 $0xA000;
	s11 =	sshll.u32 s11, $0x2  }
0xd: {  	s8 =	sshrl.u32 s8, $0x3;
	s7 =	simm.s32 @!p0 $0x9800;
	s16 =	smax.u32 s3, $0x1  }
0xe: {  	s3 =	simm.s32 $0x8;
	s10 =	sadd.s32 s20, s11;
	s0 =	sadd.s32 s8, s0  }
0xf: {  	s25 =	sshrl.u32 s7, $0x2;
	s7 =	sadd.s32 $0xFFFFFE00, s7;
	s20 =	simm.s32 $0x6  }
0x10: {  	s21 =	smin.u32 s10, $0x974;
	s10 =	sshll.u32 s10, $0x4;
	s11 =	sadd.s32 $0x2600, s25  }
0x11: {  	s26 =	sshrl.u32 s7, $0x2;
	s12 =	sadd.s32 $0x2680, s25;
	s13 =	sadd.s32 $0x2700, s25  }
0x12: {  	s15 =	sadd.s32 $0x1AA00, s0;
	s17 =	sand.u32 $0xF800, s7;
	s25 =	simm.s32 $0x3  }
0x13: {  	s0 =	simm.s32 $0x6000;
	s8 =	sshll.u32 s21, $0x4;
	s23 =	sadd.s32 s5, s10  }
0x14: {  	s24 =	sadd.s32 s9, s10;
	s10 =	sadd.s32 s6, s1;
	s14 =	sadd.s32 $0x2800, s26  }
0x15: {  	s21 =	simm.s32 $0x7000;
	s26 =	simm.s32 $0x4;
	[dreg:$0x4] =	wrdreg s23  }
0x16: {  	s22 =	sadd.s32 $0x4C0, s8;
	[dreg:$0x5] =	wrdreg s24;
	s23 =	simm.s32 $0x1  }
0x17: {  	s24 =	simm.s32 $0x2;
	s5 =	sadd.s32 s5, s22;
	s9 =	sadd.s32 s9, s22  }
0x18: {  	s22 =	simm.s32 $0x9;
	[dreg:$0x6] =	wrdreg s5;
	s5 =	simm.s32 $0x0  }
.LBB2_1:
0x19: {  	s6 =	rddreg [dreg:$0x4]  }
0x1a: {  	[tilespmem:s2], [sflag:$0x1] =	stream.linear.gather [hbm4b:s6+s2], $0x2600, $0x38;
	[tilespmem:$0xC000] =	vst v63  }
0x1b: {  	s8 =	rddreg [dreg:$0x5];
	s7 =	simm.s32 $0x2800  }
0x1c: {  	[tilespmem:s7], [sflag:$0x2] =	stream.linear.gather [hbm4b:s8+s2], $0x2600, $0x38;
	[tilespmem:$0xC000] =	vst v63  }
0x1d: {  	s7 =	rddreg [dreg:$0x6];
	s8 =	simm.s32 $0x2600  }
0x1e: {  	[tilespmem:s8], [sflag:$0x3] =	stream.linear.gather [hbm4b:s7+s2], $0x200, $0x38;
	[tilespmem:$0xC000] =	vst v63  }
0x1f: {  	s8 =	simm.s32 $0x4E00  }
0x20: {  	[tilespmem:s8], [sflag:$0x4] =	stream.linear.gather [hbm4b:s9+s2], $0x200, $0x38;
	[tilespmem:$0xC000] =	vst v63  }
0x21: {  	s7 =	rddreg [dreg:$0x3]  }
0x22: {  	[tilespmem:s21], [sflag:$0x9] =	stream.linear.gather [hbm4b:s7+s2], $0x2800, $0x38;
	[tilespmem:$0xC000] =	vst v63  }
0x23: {  	_ =	swait.ge [sflag:s22], $0x2800  }
0x24: {  	[sflag:s22] =	ssyncset.done $0x0  }
0x25: {  	[sflag:s22] =	ssyncadd.s32 $0xFFFFD800  }
0x26: {  	[spmem:s10] =	stream.linear.scatter [tilespmem:s21], [sflag:$0x9], $0x2800, $0x38;
	[tilespmem:$0xC000] =	vst v63  }
0x27: {  	_ =	swait.ge [sflag:s22], $0x2800  }
0x28: {  	[sflag:s22] =	ssyncset.done $0x0  }
0x29: {  	[sflag:s22] =	ssyncadd.s32 $0xFFFFD800  }
0x2a: {  	_ =	swait.ge [sflag:s23], $0x2600  }
0x2b: {  	[sflag:s23] =	ssyncset.done $0x0  }
0x2c: {  	[sflag:s23] =	ssyncadd.s32 $0xFFFFDA00  }
0x2d: {  	_ =	swait.ge [sflag:s24], $0x2600  }
0x2e: {  	[sflag:s24] =	ssyncset.done $0x0  }
0x2f: {  	[sflag:s24] =	ssyncadd.s32 $0xFFFFDA00  }
0x30: {  	_ =	swait.ge [sflag:s25], $0x200  }
0x31: {  	[sflag:s25] =	ssyncset.done $0x0  }
0x32: {  	[sflag:s25] =	ssyncadd.s32 $0xFFFFFE00  }
0x33: {  	_ =	swait.ge [sflag:s26], $0x200  }
0x34: {  	[sflag:s26] =	ssyncset.done $0x0  }
0x35: {  	[sflag:s26] =	ssyncadd.s32 $0xFFFFFE00  }
0x36: {  	[bflag:$0x0] =	sbarrier.arrive $0xFFFF  }
0x37: {  	[tilespmem:s29], [sflag:$0x1] =	stream.indirect.gather [hbm4b:s4+s28], $0x10, s2, s28, $0xb8;
	[tilespmem:$0xC000] =	vst v63  }
0x38: {  	_ = 	snop  }
0x39: {  	[tilespmem:s30], [sflag:$0x2] =	stream.indirect.gather [hbm4b:s4+s28], $0x10, s28, s28, $0xb8;
	[tilespmem:$0xC000] =	vst v63  }
0x3a: {  	s8 =	simm.s32 $0x100  }
0x3b: {  	[tilespmem:s0], [sflag:$0x3] =	stream.indirect.gather [hbm4b:s4+s28], $0x10, s8, s28, $0xb8;
	[tilespmem:$0xC000] =	vst v63  }
0x3c: {  	s7 =	simm.s32 $0x180  }
0x3d: {  	[tilespmem:s18], [sflag:$0x4] =	stream.indirect.gather [hbm4b:s4+s28], $0x10, s7, s28, $0xb8;
	[tilespmem:$0xC000] =	vst v63  }
0x3e: {  	_ =	swait.ge [sflag:s23], $0x800  }
0x3f: {  	[sflag:s23] =	ssyncset.done $0x0  }
0x40: {  	s8 =	simm.s32 $0x2800;
	[sflag:s23] =	ssyncadd.s32 $0xFFFFF800  }
0x41: {  	[spmem:s1] =	stream.indirect.scatter.add.f32 [tilespmem:s29], [sflag:$0x5], $0x10, s8, s28, $0xb8;
	[tilespmem:$0xC000] =	vst v63  }
0x42: {  	_ =	swait.ge [sflag:s24], $0x800  }
0x43: {  	[sflag:s24] =	ssyncset.done $0x0  }
0x44: {  	s7 =	simm.s32 $0x2880;
	[sflag:s24] =	ssyncadd.s32 $0xFFFFF800  }
0x45: {  	[spmem:s1] =	stream.indirect.scatter.add.f32 [tilespmem:s30], [sflag:$0x6], $0x10, s7, s28, $0xb8;
	[tilespmem:$0xC000] =	vst v63  }
0x46: {  	_ =	swait.ge [sflag:s25], $0x800  }
0x47: {  	[sflag:s25] =	ssyncset.done $0x0  }
0x48: {  	s8 =	simm.s32 $0x2900;
	[sflag:s25] =	ssyncadd.s32 $0xFFFFF800  }
0x49: {  	[spmem:s1] =	stream.indirect.scatter.add.f32 [tilespmem:s0], [sflag:$0x7], $0x10, s8, s28, $0xb8;
	[tilespmem:$0xC000] =	vst v63  }
0x4a: {  	_ =	swait.ge [sflag:s26], $0x800  }
0x4b: {  	[sflag:s26] =	ssyncset.done $0x0  }
0x4c: {  	s7 =	simm.s32 $0x2980;
	[sflag:s26] =	ssyncadd.s32 $0xFFFFF800  }
0x4d: {  	[spmem:s1] =	stream.indirect.scatter.add.f32 [tilespmem:s18], [sflag:$0x8], $0x10, s7, s28, $0xb8;
	[tilespmem:$0xC000] =	vst v63  }
0x4e: {  	_ =	swait.ge [sflag:s19], $0x800  }
0x4f: {  	[sflag:s19] =	ssyncset.done $0x0  }
0x50: {  	s8 =	simm.s32 $0x200;
	[sflag:s19] =	ssyncadd.s32 $0xFFFFF800  }
0x51: {  	[tilespmem:s29], [sflag:$0x1] =	stream.indirect.gather [hbm4b:s4+s28], $0x10, s8, s28, $0xb8;
	[tilespmem:$0xC000] =	vst v63  }
0x52: {  	_ =	swait.ge [sflag:s20], $0x800  }
0x53: {  	[sflag:s20] =	ssyncset.done $0x0  }
0x54: {  	s7 =	simm.s32 $0x280;
	[sflag:s20] =	ssyncadd.s32 $0xFFFFF800  }
0x55: {  	[tilespmem:s30], [sflag:$0x2] =	stream.indirect.gather [hbm4b:s4+s28], $0x10, s7, s28, $0xb8;
	[tilespmem:$0xC000] =	vst v63  }
0x56: {  	_ =	swait.ge [sflag:s31], $0x800  }
0x57: {  	p0 =	sne.s32 s17, $0x800;
	[sflag:s31] =	ssyncset.done $0x0  }
.Ltmp0:
0x58: {  	s8 =	simm.s32 $0x300;
	[sflag:s31] =	ssyncadd.s32 $0xFFFFF800;
	(pc) =	sbr.rel @!p0 .LBB2_3-.Ltmp0, $4  }
0x59: {  	[tilespmem:s0], [sflag:$0x3] =	stream.indirect.gather [hbm4b:s4+s28], $0x10, s8, s28, $0xb8;
	[tilespmem:$0xC000] =	vst v63  }
0x5a: {  	_ =	swait.ge [sflag:s3], $0x800  }
0x5b: {  	[sflag:s3] =	ssyncset.done $0x0  }
0x5c: {  	s6 =	simm.s32 $0x800;
	s7 =	simm.s32 $0x380;
	[sflag:s3] =	ssyncadd.s32 $0xFFFFF800  }
.LBB2_2:
0x5d: {  	[tilespmem:s18], [sflag:$0x4] =	stream.indirect.gather [hbm4b:s4+s28], $0x10, s7, s28, $0xb8;
	[tilespmem:$0xC000] =	vst v63  }
0x5e: {  	s7 =	smov.u32 s6;
	s6 =	sadd.s32 $0x800, s6;
	_ =	swait.ge [sflag:s23], $0x800  }
0x5f: {  	s7 =	sshra.s32 s7, $0x2;
	p0 =	sne.s32 s17, s6;
	[sflag:s23] =	ssyncset.done $0x0  }
0x60: {  	s8 =	sadd.s32 $0x2800, s7;
	[sflag:s23] =	ssyncadd.s32 $0xFFFFF800  }
0x61: {  	[spmem:s1] =	stream.indirect.scatter.add.f32 [tilespmem:s29], [sflag:$0x5], $0x10, s8, s28, $0xb8;
	[tilespmem:$0xC000] =	vst v63  }
0x62: {  	_ =	swait.ge [sflag:s24], $0x800  }
0x63: {  	[sflag:s24] =	ssyncset.done $0x0  }
0x64: {  	s8 =	sadd.s32 $0x2880, s7;
	[sflag:s24] =	ssyncadd.s32 $0xFFFFF800  }
0x65: {  	[spmem:s1] =	stream.indirect.scatter.add.f32 [tilespmem:s30], [sflag:$0x6], $0x10, s8, s28, $0xb8;
	[tilespmem:$0xC000] =	vst v63  }
0x66: {  	_ =	swait.ge [sflag:s25], $0x800  }
0x67: {  	[sflag:s25] =	ssyncset.done $0x0  }
0x68: {  	s8 =	sadd.s32 $0x2900, s7;
	[sflag:s25] =	ssyncadd.s32 $0xFFFFF800  }
0x69: {  	[spmem:s1] =	stream.indirect.scatter.add.f32 [tilespmem:s0], [sflag:$0x7], $0x10, s8, s28, $0xb8;
	[tilespmem:$0xC000] =	vst v63  }
0x6a: {  	_ =	swait.ge [sflag:s26], $0x800  }
0x6b: {  	[sflag:s26] =	ssyncset.done $0x0  }
0x6c: {  	s8 =	sadd.s32 $0x2980, s7;
	[sflag:s26] =	ssyncadd.s32 $0xFFFFF800  }
0x6d: {  	[spmem:s1] =	stream.indirect.scatter.add.f32 [tilespmem:s18], [sflag:$0x8], $0x10, s8, s28, $0xb8;
	[tilespmem:$0xC000] =	vst v63  }
0x6e: {  	_ =	swait.ge [sflag:s19], $0x800  }
0x6f: {  	[sflag:s19] =	ssyncset.done $0x0  }
0x70: {  	s8 =	sadd.s32 $0x200, s7;
	[sflag:s19] =	ssyncadd.s32 $0xFFFFF800  }
0x71: {  	[tilespmem:s29], [sflag:$0x1] =	stream.indirect.gather [hbm4b:s4+s28], $0x10, s8, s28, $0xb8;
	[tilespmem:$0xC000] =	vst v63  }
0x72: {  	_ =	swait.ge [sflag:s20], $0x800  }
0x73: {  	[sflag:s20] =	ssyncset.done $0x0  }
0x74: {  	s8 =	sadd.s32 $0x280, s7;
	[sflag:s20] =	ssyncadd.s32 $0xFFFFF800  }
0x75: {  	[tilespmem:s30], [sflag:$0x2] =	stream.indirect.gather [hbm4b:s4+s28], $0x10, s8, s28, $0xb8;
	[tilespmem:$0xC000] =	vst v63  }
0x76: {  	_ =	swait.ge [sflag:s31], $0x800  }
0x77: {  	[sflag:s31] =	ssyncset.done $0x0  }
.Ltmp1:
0x78: {  	s8 =	sadd.s32 $0x300, s7;
	[sflag:s31] =	ssyncadd.s32 $0xFFFFF800;
	(pc) =	sbr.rel @p0 .LBB2_2-.Ltmp1, $4  }
0x79: {  	[tilespmem:s0], [sflag:$0x3] =	stream.indirect.gather [hbm4b:s4+s28], $0x10, s8, s28, $0xb8;
	[tilespmem:$0xC000] =	vst v63  }
0x7a: {  	_ =	swait.ge [sflag:s3], $0x800  }
0x7b: {  	[sflag:s3] =	ssyncset.done $0x0  }
0x7c: {  	s7 =	sadd.s32 $0x380, s7;
	[sflag:s3] =	ssyncadd.s32 $0xFFFFF800  }
.LBB2_3:
0x7d: {  	[tilespmem:s18], [sflag:$0x4] =	stream.indirect.gather [hbm4b:s4+s28], $0x10, s7, s28, $0xb8;
	[tilespmem:$0xC000] =	vst v63  }
0x7e: {  	_ =	swait.ge [sflag:s23], $0x800  }
0x7f: {  	[sflag:s23] =	ssyncset.done $0x0  }
0x80: {  	[sflag:s23] =	ssyncadd.s32 $0xFFFFF800  }
0x81: {  	[spmem:s1] =	stream.indirect.scatter.add.f32 [tilespmem:s29], [sflag:$0x5], $0x10, s11, s28, $0xb8;
	[tilespmem:$0xC000] =	vst v63  }
0x82: {  	_ =	swait.ge [sflag:s24], $0x800  }
0x83: {  	[sflag:s24] =	ssyncset.done $0x0  }
0x84: {  	[sflag:s24] =	ssyncadd.s32 $0xFFFFF800  }
0x85: {  	[spmem:s1] =	stream.indirect.scatter.add.f32 [tilespmem:s30], [sflag:$0x6], $0x10, s12, s28, $0xb8;
	[tilespmem:$0xC000] =	vst v63  }
0x86: {  	_ =	swait.ge [sflag:s25], $0x800  }
0x87: {  	[sflag:s25] =	ssyncset.done $0x0  }
0x88: {  	[sflag:s25] =	ssyncadd.s32 $0xFFFFF800  }
0x89: {  	[spmem:s1] =	stream.indirect.scatter.add.f32 [tilespmem:s0], [sflag:$0x7], $0x10, s13, s28, $0xb8;
	[tilespmem:$0xC000] =	vst v63  }
0x8a: {  	_ =	swait.ge [sflag:s26], $0x800  }
0x8b: {  	[sflag:s26] =	ssyncset.done $0x0  }
0x8c: {  	[sflag:s26] =	ssyncadd.s32 $0xFFFFF800  }
0x8d: {  	[spmem:s1] =	stream.indirect.scatter.add.f32 [tilespmem:s18], [sflag:$0x8], $0x10, s14, s28, $0xb8;
	[tilespmem:$0xC000] =	vst v63  }
0x8e: {  	_ =	swait.ge [sflag:s19], $0x800  }
0x8f: {  	[sflag:s19] =	ssyncset.done $0x0  }
0x90: {  	[sflag:s19] =	ssyncadd.s32 $0xFFFFF800  }
0x91: {  	_ =	swait.ge [sflag:s20], $0x800  }
0x92: {  	[sflag:s20] =	ssyncset.done $0x0  }
0x93: {  	[sflag:s20] =	ssyncadd.s32 $0xFFFFF800  }
0x94: {  	_ =	swait.ge [sflag:s31], $0x800  }
0x95: {  	[sflag:s31] =	ssyncset.done $0x0  }
0x96: {  	[sflag:s31] =	ssyncadd.s32 $0xFFFFF800  }
0x97: {  	_ =	swait.ge [sflag:s3], $0x800  }
0x98: {  	[sflag:s3] =	ssyncset.done $0x0  }
0x99: {  	[sflag:s3] =	ssyncadd.s32 $0xFFFFF800  }
0x9a: {  	[bflag:$0x0] =	sbarrier.arrive $0xFFFF  }
0x9b: {  	[tilespmem:s21], [sflag:$0x9] =	stream.linear.gather [spmem:s10], $0x2800, $0x38;
	[tilespmem:$0xC000] =	vst v63  }
0x9c: {  	s5 =	sadd.s32 $0x1, s5;
	_ =	swait.ge [sflag:s22], $0x2800  }
0x9d: {  	p0 =	sne.s32 s5, s16;
	[sflag:s22] =	ssyncset.done $0x0  }
.Ltmp2:
0x9e: {  	[sflag:s22] =	ssyncadd.s32 $0xFFFFD800;
	(pc) =	sbr.rel @p0 .LBB2_1-.Ltmp2, $4  }
0x9f: {  	[hbm4b:s15+s2] =	stream.linear.scatter [tilespmem:s21], [sflag:$0x9], $0x2800, $0x38;
	[tilespmem:$0xC000] =	vst v63  }
0xa0: {  	_ =	swait.ge [sflag:s22], $0x2800  }
0xa1: {  	[sflag:s22] =	ssyncset.done $0x0  }
0xa2: {  	[sflag:s22] =	ssyncadd.s32 $0xFFFFD800  }
0xa3: {  	_ =	sfence.sel $0x180000  }
0xa4: {  	[bflag:$0x0] =	sbarrier.arrive $0xFFFF  }
0xa5: {  	_ =	strace $0x9000004A  }
0xa6: {  	s0 =	stileid.u32;
	[bflag:$0x2] =	sbarrier.arrive $0xFFFF  }
0xa7: {  	p0 =	sne.s32 s0, $0x0;
	s0 =	rddreg [dreg:$0x2]  }
0xa8: {  	s0 =	sadd.s32 @!p0 $0x100000, s0  }
0xa9: {  	[sflag:s0] =	ssyncadd.tile.s32 @!p0 $0x1;
	_ =	shalt  }
.Lfunc_end2:
_tile_overlayer_lowered:
.L_overlay_start_2:
0xaa: {  	(tag) =	ssettag $0x2  }
0xab: {  	s0 =	rddreg [dreg:$0x0];
	s2 =	stileid.u32  }
0xac: {  	s1 =	rddreg [dreg:$0x1];
	p0 =	sne.s32 s2, $0x0  }
0xad: {  	s3 =	rddreg [dreg:$0x2];
	[bflag:$0x3] =	sbarrier.arrive $0xFFFF;
	s2 =	simm.s32 @!p0 $0x1C09  }
0xae: {  	[timem:s3], [sflag:s2] =	dma.local @!p0 [hbm:s0], s1  }
0xaf: {  	s0 =	simm.s32 @!p0 $0x9  }
0xb0: {  	_ =	swait.ge @!p0 [sflag:s0], s1  }
0xb1: {  	s1 =	ssub.s32 @!p0 $0x0, s1;
	[sflag:s0] =	ssyncset.done @!p0 $0x0  }
0xb2: {  	[sflag:s0] =	ssyncadd.s32 @!p0 s1  }
0xb3: {  	[bflag:$0x3] =	sbarrier.arrive $0xFFFF  }
0xb4: {  	_ =	shalt  }

// kernel: kernel.7.cloned.1.call-start
scs
__scs_entry_jumppad:
0x0: {  	(pc) =	sbr.rel $0x88, $3  }
0x1: {  	(tag) =	ssettag $0x0;
	lr =	simm.s32 $0x1  }
0x2: {  	[smem:$0x3F98] =	sst lr;
	_ =	strace $0xD0000000  }
0x3: {  	_ = 	snop  }
0x4: {  	_ = 	snop  }
0x5: {  	_ = 	snop  }
0x6: {  	_ = 	snop  }
0x7: {  	_ = 	snop  }
__scs_overlays_trampoline_lowered:
0x8: {  	[smem:$0x3FA7] =	sst s0  }
0x9: {  	[smem:$0x3FA8] =	sst s1  }
0xa: {  	[smem:$0x3FA9] =	sst s2  }
0xb: {  	[smem:$0x3FAA] =	sst s3  }
0xc: {  	[smem:$0x3FAB] =	sst s4  }
0xd: {  	[smem:$0x3FAC] =	sst s5  }
0xe: {  	[smem:$0x3FAD] =	sst s6  }
0xf: {  	[smem:$0x3FAE] =	sst s7  }
0x10: {  	[smem:$0x3FAF] =	sst s8  }
0x11: {  	[smem:$0x3FB0] =	sst s9;
	s0 =	simm.s32 @!p0 $0x0  }
0x12: {  	s1 =	sld [smem:$0x3F96];
	s0 =	simm.s32 @p0 $0x1  }
0x13: {  	[smem:$0x3FB1] =	sst s0;
	s0 =	simm.s32 @!p1 $0x0  }
0x14: {  	s2 =	sld [smem:$0x3F95];
	s0 =	simm.s32 @p1 $0x1  }
0x15: {  	[smem:$0x3FB2] =	sst s0;
	s0 =	simm.s32 @!p2 $0x0  }
0x16: {  	s3 =	sld [smem:$0x3FDB];
	s0 =	simm.s32 @p2 $0x1  }
0x17: {  	s4 =	simm.s32 $0x1BF5;
	[smem:$0x3FB4] =	sst s0  }
0x18: {  	s0 =	sld [smem:$0x3F97];
	_ =	swait.ge [sflag:s4], $0x0  }
0x19: {  	s7 =	sld [smem:$0x3F98]  }
0x1a: {  	s8 =	sadd.s32 $0xFFFFE003, lr  }
0x1b: {  	s9 =	sadd.s32 $0xFFFFFEF7, lr;
	s5 =	simm.s32 $0xFFFFFFFF;
	p2 =	slt.u32 s8, $0xFFFFF086  }
0x1c: {  	p1 =	slt.u32 s9, $0xF7A;
	s5 =	simm.s32 @!p2 $0x0  }
0x1d: {  	s5 =	simm.s32 @p1 $0x1;
	p0 =	seq.s32 s7, s2  }
0x1e: {  	s7 =	smul.u32 @!p0 $0xF7A, s2;
	p2 =	seq.s32 @!p0 s5, $0x0  }
0x1f: {  	s9 =	smul.u32 $0xF7A, s1;
	s8 =	simm.s32 @!p0 $0x1BF5;
	p2 =	por !p2, p0  }
0x20: {  	[sflag:s8] =	ssyncset.s32 @!p0 $0xFFFFF086;
	s6 =	sadd.s32 @!p0 s3, s7;
	s7 =	simm.s32 @!p0 $0x108  }
0x21: {  	s3 =	sadd.s32 s3, s9;
	s6 =	sadd.s32 @!p0 $0x88, s6;
	s7 =	simm.s32 @p2 $0x1082  }
0x22: {  	[simem:s7], [sflag:s8] =	dma.local @!p0 [hbm:s6], $0xF7A  }
0x23: {  	s9 =	sor.u32 $0xD0000000, s2;
	s6 =	simm.s32 $0x108;
	_ =	swait.ge @!p0 [sflag:s8], $0x0  }
0x24: {  	s3 =	sadd.s32 $0x88, s3;
	s6 =	simm.s32 @!p1 $0x1082;
	[sflag:s4] =	ssyncset.s32 $0xFFFFF086  }
0x25: {  	[simem:s6], [sflag:s4] =	dma.local [hbm:s3], $0xF7A  }
0x26: {  	[smem:$0x3F98] =	sst s1;
	(tag) =	ssettag s2;
	_ =	strace s9  }
0x27: {  	s1 =	sld [smem:$0x3FA8]  }
0x28: {  	s2 =	sld [smem:$0x3FA9]  }
0x29: {  	s4 =	sld [smem:$0x3FAB]  }
0x2a: {  	p0 =	seq.s32 s5, $0x0;
	s5 =	sld [smem:$0x3FAC]  }
0x2b: {  	s6 =	sld [smem:$0x3FAD]  }
0x2c: {  	s7 =	sld [smem:$0x3FAE]  }
0x2d: {  	s3 =	simm.s32 $0x108;
	s8 =	sld [smem:$0x3FAF]  }
0x2e: {  	s3 =	simm.s32 @!p0 $0x1082;
	s9 =	sld [smem:$0x3FB0]  }
0x2f: {  	lr =	sadd.s32 s0, s3;
	s0 =	sld [smem:$0x3FA7]  }
0x30: {  	s3 =	sld [smem:$0x3FAA]  }
0x31: {  	[smem:$0x3FB3] =	sst s10  }
0x32: {  	s10 =	sld [smem:$0x3FB1];
	_ =	sdelay $0x3  }
0x33: {  	p0 =	seq.s32 s10, $0x1;
	s10 =	sld [smem:$0x3FB3];
	_ =	sdelay $0x3  }
0x34: {  	[smem:$0x3FB3] =	sst s10  }
0x35: {  	s10 =	sld [smem:$0x3FB2];
	_ =	sdelay $0x3  }
0x36: {  	p1 =	seq.s32 s10, $0x1;
	s10 =	sld [smem:$0x3FB3];
	_ =	sdelay $0x3  }
0x37: {  	[smem:$0x3FB3] =	sst s10  }
0x38: {  	s10 =	sld [smem:$0x3FB4]  }
0x39: {  	_ = 	snop;
	(pc) =	sbr.ind lr, $3  }
0x3a: {  	_ = 	snop  }
0x3b: {  	_ = 	snop  }
0x3c: {  	p2 =	seq.s32 s10, $0x1;
	s10 =	sld [smem:$0x3FB3]  }
0x3d: {  	_ =	shalt  }
0x3e: {  	_ =	shalt  }
0x3f: {  	_ =	shalt  }
0x40: {  	_ =	shalt  }
0x41: {  	_ =	shalt  }
0x42: {  	_ =	shalt  }
0x43: {  	_ =	shalt  }
0x44: {  	_ =	shalt  }
0x45: {  	_ =	shalt  }
0x46: {  	_ =	shalt  }
0x47: {  	_ =	shalt  }
0x48: {  	_ =	shalt  }
0x49: {  	_ =	shalt  }
0x4a: {  	_ =	shalt  }
0x4b: {  	_ =	shalt  }
0x4c: {  	_ =	shalt  }
0x4d: {  	_ =	shalt  }
0x4e: {  	_ =	shalt  }
0x4f: {  	_ =	shalt  }
0x50: {  	_ =	shalt  }
0x51: {  	_ =	shalt  }
0x52: {  	_ =	shalt  }
0x53: {  	_ =	shalt  }
0x54: {  	_ =	shalt  }
0x55: {  	_ =	shalt  }
0x56: {  	_ =	shalt  }
0x57: {  	_ =	shalt  }
0x58: {  	_ =	shalt  }
0x59: {  	_ =	shalt  }
0x5a: {  	_ =	shalt  }
0x5b: {  	_ =	shalt  }
0x5c: {  	_ =	shalt  }
0x5d: {  	_ =	shalt  }
0x5e: {  	_ =	shalt  }
0x5f: {  	_ =	shalt  }
0x60: {  	_ =	shalt  }
0x61: {  	_ =	shalt  }
0x62: {  	_ =	shalt  }
0x63: {  	_ =	shalt  }
0x64: {  	_ =	shalt  }
0x65: {  	_ =	shalt  }
0x66: {  	_ =	shalt  }
0x67: {  	_ =	shalt  }
0x68: {  	_ =	shalt  }
0x69: {  	_ =	shalt  }
0x6a: {  	_ =	shalt  }
0x6b: {  	_ =	shalt  }
0x6c: {  	_ =	shalt  }
0x6d: {  	_ =	shalt  }
0x6e: {  	_ =	shalt  }
0x6f: {  	_ =	shalt  }
0x70: {  	_ =	shalt  }
0x71: {  	_ =	shalt  }
0x72: {  	_ =	shalt  }
0x73: {  	_ =	shalt  }
0x74: {  	_ =	shalt  }
0x75: {  	_ =	shalt  }
0x76: {  	_ =	shalt  }
0x77: {  	_ =	shalt  }
0x78: {  	_ =	shalt  }
0x79: {  	_ =	shalt  }
0x7a: {  	_ =	shalt  }
0x7b: {  	_ =	shalt  }
0x7c: {  	_ =	shalt  }
0x7d: {  	_ =	shalt  }
0x7e: {  	_ =	shalt  }
0x7f: {  	_ =	shalt  }
0x80: {  	_ =	shalt  }
0x81: {  	_ =	shalt  }
0x82: {  	_ =	shalt  }
0x83: {  	_ =	shalt  }
0x84: {  	_ =	shalt  }
0x85: {  	_ =	shalt  }
0x86: {  	_ =	shalt  }
0x87: {  	_ =	shalt  }
.Lfunc_end0:
.L_simem_size_0:
called_computation_lowered:
.L_overlay_start_0:
0x88: {  	s2 =	sld [smem:$0x3FD9]  }
0x89: {  	s3 =	sld [smem:$0x3FFE];
	_ =	sdelay $0x1  }
0x8a: {  	s1 =	srdreg.scid  }
0x8b: {  	s0 =	sand.u32 $0x1, s1  }
0x8c: {  	s16 =	sshll.u32 s0, $0xA;
	s2 =	sadd.s32 s3, s2  }
0x8d: {  	s2 =	sadd.s32 s2, s16  }
0x8e: {  	[smem:$0x3FBF] =	sst s2  }
0x8f: {  	_ = 	snop  }
0x90: {  	(tm) =	ssettm $0x1  }
0x91: {  	s17 =	sld [smem:$0x3FFB];
	_ =	sdelay $0x3  }
0x92: {  	_ =	strace s17  }
0x93: {  	s2 =	sld [smem:$0x3FFC];
	_ =	sdelay $0x3  }
0x94: {  	_ =	strace s2  }
0x95: {  	s2 =	sld [smem:$0x3FFD];
	_ =	sdelay $0x3  }
0x96: {  	_ =	strace s2  }
0x97: {  	_ =	strace $0x8FFFFFFF  }
0x98: {  	s18 =	sld [smem:$0x3FDB];
	_ =	sdelay $0x1  }
0x99: {  	s19 =	simm.s32 $_scs_section_size  }
0x9a: {  	s4 =	simm.s32 $_size__tile_overlayer_lowered;
	s5 =	simm.s32 $_tile_overlayer_lowered  }
0x9b: {  	s22 =	simm.s32 $0x1BFF;
	s21 =	sshll.u32 s5, $0x1;
	s2 =	sadd.s32 s19, s18  }
0x9c: {  	s6 =	simm.s32 $0x0;
	s20 =	sshll.u32 s4, $0x1;
	s4 =	sadd.s32 s21, s2  }
0x9d: {  	[timem:s6], [sflag:s22] =	dma.local [hbm:s4], s20  }
0x9e: {  	_ =	swait.ge [sflag:s22], s20  }
0x9f: {  	s3 =	ssub.s32 $0x0, s20;
	[sflag:s22] =	ssyncset.done $0x0  }
0xa0: {  	[sflag:s22] =	ssyncadd.s32 s3;
	_ =	sdelay $0x1  }
0xa1: {  	s23 =	simm.s32 $0x1B8B  }
0xa2: {  	_ =	swait.ge [sflag:s23], $0x1  }
0xa3: {  	[sflag:s23] =	ssyncset.done $0x0  }
0xa4: {  	s25 =	simm.s32 $0x1B8E;
	s24 =	sld [smem:$0x3FFE];
	[sflag:s23] =	ssyncadd.s32 $0xFFFFFFFF  }
0xa5: {  	s26 =	simm.s32 $execute0_lowered;
	[smem:$0x3FD2] =	sst s25  }
0xa6: {  	s4 =	sshll.u32 s26, $0x1;
	_ =	strace $0x80000046;
	[dreg:$0x1] =	wrdreg $0xFFFFFFFF  }
0xa7: {  	s28 =	simm.s32 $_size_execute0_lowered;
	s2 =	sadd.s32 s2, s4;
	[dreg:$0x0] =	wrdreg $0x0  }
0xa8: {  	s4 =	sshll.u32 s28, $0x1;
	[dreg:$0x2] =	wrdreg s2  }
0xa9: {  	[dreg:$0x3] =	wrdreg s4  }
0xaa: {  	[dreg:$0x4] =	wrdreg $0xC0  }
0xab: {  	_ =	task [dreg:s6], $0x5FFFF  }
0xac: {  	[dreg:$0x1] =	wrdreg $0xFFFFFFFF  }
0xad: {  	[dreg:$0x0] =	wrdreg $0x60  }
0xae: {  	[dreg:$0x2] =	wrdreg s24  }
0xaf: {  	[dreg:$0x3] =	wrdreg $0xE0000  }
0xb0: {  	[dreg:$0x4] =	wrdreg $0x9  }
0xb1: {  	_ =	task.clear_ibuf [dreg:s6], $0x5FFFF;
	_ =	strace $0x90000046  }
0xb2: {  	s29 =	simm.s32 $0x9;
	_ =	strace $0x80000048  }
0xb3: {  	_ =	swait.ge [sflag:s29], $0x1  }
0xb4: {  	[sflag:s29] =	ssyncadd.s32 $0xFFFFFFFF  }
0xb5: {  	_ =	strace $0x90000048  }
0xb6: {  	_ =	sfence  }
0xb7: {  	s30 =	sld [smem:$0x0];
	_ =	sdelay $0x2  }
0xb8: {  	s31 =	sshll.u32 s1, $0xD;
	s1 =	sshrl.u32 s1, $0x2  }
0xb9: {  	s3 =	sand.u32 $0x4000, s31;
	s1 =	sadd.s32 s1, s30  }
0xba: {  	s0 =	sor.u32 s3, s0;
	s1 =	sshll.u32 s1, $0x11  }
0xbb: {  	s0 =	sor.u32 s1, s0  }
0xbc: {  	s0 =	sadd.s32 $0x8F2B, s0  }
0xbd: {  	[sflag:s0] =	ssyncadd.remote.s32 $0x1  }
0xbe: {  	_ =	sfence.sel $0xFFFF  }
0xbf: {  	[dreg:$0x0] =	wrdreg $0xFFFFFFFF;
	(pc) =	sbr.abs _section_cstart, $3  }
0xc0: {  	[dreg:$0x1] =	wrdreg $0xFFFFFFFF  }
0xc1: {  	_ =	task.clear_ibuf [dreg:s6], $0x2FFFF;
	_ =	strace $0x9FFFFFFF  }
0xc2: {  	(tm) =	ssettm $0x7FFFFFFF  }
0xc3: {  	_ =	shalt  }
tec
execute0_lowered:
.L_overlay_start_1:
0x0: {  	(tag) =	ssettag $0x1  }
0x1: {  	s0 =	rddreg [dreg:$0x0]  }
0x2: {  	s1 =	rddreg [dreg:$0x1]  }
0x3: {  	s2 =	simm.s32 $0x0;
	s3 =	srdreg.scid;
	s10 =	stileid.u32  }
0x4: {  	s28 =	simm.s32 $0x80;
	s29 =	simm.s32 $0x5000;
	s30 =	simm.s32 $0x6000  }
0x5: {  	s18 =	simm.s32 $0x8000;
	s31 =	simm.s32 $0x7;
	[smem:$0x7FF] =	sst s2  }
0x6: {  	s4 =	sadd.s32 $0x15400, s0;
	s3 =	sand.u32 $0x1, s3;
	s5 =	sadd.s32 $0xB600, s0  }
0x7: {  	s6 =	smul.u32 $0x5000, s10;
	s9 =	sadd.s32 $0x1800, s0;
	s19 =	sadd.s32 $0x1F200, s0  }
0x8: {  	_ =	strace $0x80000047;
	s7 =	sshll.u32 s3, $0x4;
	s8 =	smul.u32 $0x50000, s3  }
0x9: {  	[dreg:$0x3] =	wrdreg s19;
	s3 =	ssub.s32 $0x2, s3;
	s7 =	sor.u32 s10, s7  }
0xa: {  	s19 =	simm.s32 $0x5;
	s12 =	sshrl.u32 s3, $0x1;
	s20 =	smul.u32 $0x4C, s7  }
0xb: {  	s11 =	smin.u32 s7, $0x11;
	s8 =	sadd.s32 s6, s8;
	s3 =	ssub.s32 s3, s12  }
0xc: {  	p0 =	slt.u32 s7, $0x11;
	s7 =	simm.s32 $0xA000;
	s11 =	sshll.u32 s11, $0x2  }
0xd: {  	s8 =	sshrl.u32 s8, $0x3;
	s7 =	simm.s32 @!p0 $0x9800;
	s16 =	smax.u32 s3, $0x1  }
0xe: {  	s3 =	simm.s32 $0x8;
	s10 =	sadd.s32 s20, s11;
	s0 =	sadd.s32 s8, s0  }
0xf: {  	s25 =	sshrl.u32 s7, $0x2;
	s7 =	sadd.s32 $0xFFFFFE00, s7;
	s20 =	simm.s32 $0x6  }
0x10: {  	s21 =	smin.u32 s10, $0x974;
	s10 =	sshll.u32 s10, $0x4;
	s11 =	sadd.s32 $0x2600, s25  }
0x11: {  	s26 =	sshrl.u32 s7, $0x2;
	s12 =	sadd.s32 $0x2680, s25;
	s13 =	sadd.s32 $0x2700, s25  }
0x12: {  	s15 =	sadd.s32 $0x1FC00, s0;
	s17 =	sand.u32 $0xF800, s7;
	s25 =	simm.s32 $0x3  }
0x13: {  	s0 =	simm.s32 $0x7000;
	s8 =	sshll.u32 s21, $0x4;
	s23 =	sadd.s32 s5, s10  }
0x14: {  	s24 =	sadd.s32 s9, s10;
	s10 =	sadd.s32 s6, s1;
	s14 =	sadd.s32 $0x2800, s26  }
0x15: {  	s21 =	simm.s32 $0x9000;
	s26 =	simm.s32 $0x4;
	[dreg:$0x4] =	wrdreg s23  }
0x16: {  	s22 =	sadd.s32 $0x4C0, s8;
	[dreg:$0x5] =	wrdreg s24;
	s23 =	simm.s32 $0x1  }
0x17: {  	s24 =	simm.s32 $0x2;
	s5 =	sadd.s32 s5, s22;
	s9 =	sadd.s32 s9, s22  }
0x18: {  	s22 =	simm.s32 $0x9;
	[dreg:$0x6] =	wrdreg s5;
	s5 =	simm.s32 $0x0  }
.LBB2_1:
0x19: {  	s6 =	rddreg [dreg:$0x4]  }
0x1a: {  	[tilespmem:s2], [sflag:$0x1] =	stream.linear.gather [hbm4b:s6+s2], $0x2600, $0x38;
	[tilespmem:$0x13000] =	vst v63  }
0x1b: {  	s8 =	rddreg [dreg:$0x5];
	s7 =	simm.s32 $0x2800  }
0x1c: {  	[tilespmem:s7], [sflag:$0x2] =	stream.linear.gather [hbm4b:s8+s2], $0x2600, $0x38;
	[tilespmem:$0x13000] =	vst v63  }
0x1d: {  	s7 =	rddreg [dreg:$0x6];
	s8 =	simm.s32 $0x2600  }
0x1e: {  	[tilespmem:s8], [sflag:$0x3] =	stream.linear.gather [hbm4b:s7+s2], $0x200, $0x38;
	[tilespmem:$0x13000] =	vst v63  }
0x1f: {  	s8 =	simm.s32 $0x4E00  }
0x20: {  	[tilespmem:s8], [sflag:$0x4] =	stream.linear.gather [hbm4b:s9+s2], $0x200, $0x38;
	[tilespmem:$0x13000] =	vst v63  }
0x21: {  	s7 =	rddreg [dreg:$0x3]  }
0x22: {  	[tilespmem:s21], [sflag:$0x9] =	stream.linear.gather [hbm4b:s7+s2], $0x5000, $0x38;
	[tilespmem:$0x13000] =	vst v63  }
0x23: {  	_ =	swait.ge [sflag:s22], $0x5000  }
0x24: {  	[sflag:s22] =	ssyncset.done $0x0  }
0x25: {  	[sflag:s22] =	ssyncadd.s32 $0xFFFFB000  }
0x26: {  	[spmem:s10] =	stream.linear.scatter [tilespmem:s21], [sflag:$0x9], $0x5000, $0x38;
	[tilespmem:$0x13000] =	vst v63  }
0x27: {  	_ =	swait.ge [sflag:s22], $0x5000  }
0x28: {  	[sflag:s22] =	ssyncset.done $0x0  }
0x29: {  	[sflag:s22] =	ssyncadd.s32 $0xFFFFB000  }
0x2a: {  	_ =	swait.ge [sflag:s23], $0x2600  }
0x2b: {  	[sflag:s23] =	ssyncset.done $0x0  }
0x2c: {  	[sflag:s23] =	ssyncadd.s32 $0xFFFFDA00  }
0x2d: {  	_ =	swait.ge [sflag:s24], $0x2600  }
0x2e: {  	[sflag:s24] =	ssyncset.done $0x0  }
0x2f: {  	[sflag:s24] =	ssyncadd.s32 $0xFFFFDA00  }
0x30: {  	_ =	swait.ge [sflag:s25], $0x200  }
0x31: {  	[sflag:s25] =	ssyncset.done $0x0  }
0x32: {  	[sflag:s25] =	ssyncadd.s32 $0xFFFFFE00  }
0x33: {  	_ =	swait.ge [sflag:s26], $0x200  }
0x34: {  	[sflag:s26] =	ssyncset.done $0x0  }
0x35: {  	[sflag:s26] =	ssyncadd.s32 $0xFFFFFE00  }
0x36: {  	[bflag:$0x0] =	sbarrier.arrive $0xFFFF  }
0x37: {  	[tilespmem:s29], [sflag:$0x1] =	stream.indirect.gather [hbm4b:s4+s28], $0x20, s2, s28, $0xb8;
	[tilespmem:$0x13000] =	vst v63  }
0x38: {  	_ = 	snop  }
0x39: {  	[tilespmem:s30], [sflag:$0x2] =	stream.indirect.gather [hbm4b:s4+s28], $0x20, s28, s28, $0xb8;
	[tilespmem:$0x13000] =	vst v63  }
0x3a: {  	s8 =	simm.s32 $0x100  }
0x3b: {  	[tilespmem:s0], [sflag:$0x3] =	stream.indirect.gather [hbm4b:s4+s28], $0x20, s8, s28, $0xb8;
	[tilespmem:$0x13000] =	vst v63  }
0x3c: {  	s7 =	simm.s32 $0x180  }
0x3d: {  	[tilespmem:s18], [sflag:$0x4] =	stream.indirect.gather [hbm4b:s4+s28], $0x20, s7, s28, $0xb8;
	[tilespmem:$0x13000] =	vst v63  }
0x3e: {  	_ =	swait.ge [sflag:s23], $0x1000  }
0x3f: {  	[sflag:s23] =	ssyncset.done $0x0  }
0x40: {  	s8 =	simm.s32 $0x2800;
	[sflag:s23] =	ssyncadd.s32 $0xFFFFF000  }
0x41: {  	[spmem:s1] =	stream.indirect.scatter.add.f32 [tilespmem:s29], [sflag:$0x5], $0x20, s8, s28, $0xb8;
	[tilespmem:$0x13000] =	vst v63  }
0x42: {  	_ =	swait.ge [sflag:s24], $0x1000  }
0x43: {  	[sflag:s24] =	ssyncset.done $0x0  }
0x44: {  	s7 =	simm.s32 $0x2880;
	[sflag:s24] =	ssyncadd.s32 $0xFFFFF000  }
0x45: {  	[spmem:s1] =	stream.indirect.scatter.add.f32 [tilespmem:s30], [sflag:$0x6], $0x20, s7, s28, $0xb8;
	[tilespmem:$0x13000] =	vst v63  }
0x46: {  	_ =	swait.ge [sflag:s25], $0x1000  }
0x47: {  	[sflag:s25] =	ssyncset.done $0x0  }
0x48: {  	s8 =	simm.s32 $0x2900;
	[sflag:s25] =	ssyncadd.s32 $0xFFFFF000  }
0x49: {  	[spmem:s1] =	stream.indirect.scatter.add.f32 [tilespmem:s0], [sflag:$0x7], $0x20, s8, s28, $0xb8;
	[tilespmem:$0x13000] =	vst v63  }
0x4a: {  	_ =	swait.ge [sflag:s26], $0x1000  }
0x4b: {  	[sflag:s26] =	ssyncset.done $0x0  }
0x4c: {  	s7 =	simm.s32 $0x2980;
	[sflag:s26] =	ssyncadd.s32 $0xFFFFF000  }
0x4d: {  	[spmem:s1] =	stream.indirect.scatter.add.f32 [tilespmem:s18], [sflag:$0x8], $0x20, s7, s28, $0xb8;
	[tilespmem:$0x13000] =	vst v63  }
0x4e: {  	_ =	swait.ge [sflag:s19], $0x1000  }
0x4f: {  	[sflag:s19] =	ssyncset.done $0x0  }
0x50: {  	s8 =	simm.s32 $0x200;
	[sflag:s19] =	ssyncadd.s32 $0xFFFFF000  }
0x51: {  	[tilespmem:s29], [sflag:$0x1] =	stream.indirect.gather [hbm4b:s4+s28], $0x20, s8, s28, $0xb8;
	[tilespmem:$0x13000] =	vst v63  }
0x52: {  	_ =	swait.ge [sflag:s20], $0x1000  }
0x53: {  	[sflag:s20] =	ssyncset.done $0x0  }
0x54: {  	s7 =	simm.s32 $0x280;
	[sflag:s20] =	ssyncadd.s32 $0xFFFFF000  }
0x55: {  	[tilespmem:s30], [sflag:$0x2] =	stream.indirect.gather [hbm4b:s4+s28], $0x20, s7, s28, $0xb8;
	[tilespmem:$0x13000] =	vst v63  }
0x56: {  	_ =	swait.ge [sflag:s31], $0x1000  }
0x57: {  	p0 =	sne.s32 s17, $0x800;
	[sflag:s31] =	ssyncset.done $0x0  }
.Ltmp0:
0x58: {  	s8 =	simm.s32 $0x300;
	[sflag:s31] =	ssyncadd.s32 $0xFFFFF000;
	(pc) =	sbr.rel @!p0 .LBB2_3-.Ltmp0, $4  }
0x59: {  	[tilespmem:s0], [sflag:$0x3] =	stream.indirect.gather [hbm4b:s4+s28], $0x20, s8, s28, $0xb8;
	[tilespmem:$0x13000] =	vst v63  }
0x5a: {  	_ =	swait.ge [sflag:s3], $0x1000  }
0x5b: {  	[sflag:s3] =	ssyncset.done $0x0  }
0x5c: {  	s6 =	simm.s32 $0x800;
	s7 =	simm.s32 $0x380;
	[sflag:s3] =	ssyncadd.s32 $0xFFFFF000  }
.LBB2_2:
0x5d: {  	[tilespmem:s18], [sflag:$0x4] =	stream.indirect.gather [hbm4b:s4+s28], $0x20, s7, s28, $0xb8;
	[tilespmem:$0x13000] =	vst v63  }
0x5e: {  	s7 =	smov.u32 s6;
	s6 =	sadd.s32 $0x800, s6;
	_ =	swait.ge [sflag:s23], $0x1000  }
0x5f: {  	s7 =	sshra.s32 s7, $0x2;
	p0 =	sne.s32 s17, s6;
	[sflag:s23] =	ssyncset.done $0x0  }
0x60: {  	s8 =	sadd.s32 $0x2800, s7;
	[sflag:s23] =	ssyncadd.s32 $0xFFFFF000  }
0x61: {  	[spmem:s1] =	stream.indirect.scatter.add.f32 [tilespmem:s29], [sflag:$0x5], $0x20, s8, s28, $0xb8;
	[tilespmem:$0x13000] =	vst v63  }
0x62: {  	_ =	swait.ge [sflag:s24], $0x1000  }
0x63: {  	[sflag:s24] =	ssyncset.done $0x0  }
0x64: {  	s8 =	sadd.s32 $0x2880, s7;
	[sflag:s24] =	ssyncadd.s32 $0xFFFFF000  }
0x65: {  	[spmem:s1] =	stream.indirect.scatter.add.f32 [tilespmem:s30], [sflag:$0x6], $0x20, s8, s28, $0xb8;
	[tilespmem:$0x13000] =	vst v63  }
0x66: {  	_ =	swait.ge [sflag:s25], $0x1000  }
0x67: {  	[sflag:s25] =	ssyncset.done $0x0  }
0x68: {  	s8 =	sadd.s32 $0x2900, s7;
	[sflag:s25] =	ssyncadd.s32 $0xFFFFF000  }
0x69: {  	[spmem:s1] =	stream.indirect.scatter.add.f32 [tilespmem:s0], [sflag:$0x7], $0x20, s8, s28, $0xb8;
	[tilespmem:$0x13000] =	vst v63  }
0x6a: {  	_ =	swait.ge [sflag:s26], $0x1000  }
0x6b: {  	[sflag:s26] =	ssyncset.done $0x0  }
0x6c: {  	s8 =	sadd.s32 $0x2980, s7;
	[sflag:s26] =	ssyncadd.s32 $0xFFFFF000  }
0x6d: {  	[spmem:s1] =	stream.indirect.scatter.add.f32 [tilespmem:s18], [sflag:$0x8], $0x20, s8, s28, $0xb8;
	[tilespmem:$0x13000] =	vst v63  }
0x6e: {  	_ =	swait.ge [sflag:s19], $0x1000  }
0x6f: {  	[sflag:s19] =	ssyncset.done $0x0  }
0x70: {  	s8 =	sadd.s32 $0x200, s7;
	[sflag:s19] =	ssyncadd.s32 $0xFFFFF000  }
0x71: {  	[tilespmem:s29], [sflag:$0x1] =	stream.indirect.gather [hbm4b:s4+s28], $0x20, s8, s28, $0xb8;
	[tilespmem:$0x13000] =	vst v63  }
0x72: {  	_ =	swait.ge [sflag:s20], $0x1000  }
0x73: {  	[sflag:s20] =	ssyncset.done $0x0  }
0x74: {  	s8 =	sadd.s32 $0x280, s7;
	[sflag:s20] =	ssyncadd.s32 $0xFFFFF000  }
0x75: {  	[tilespmem:s30], [sflag:$0x2] =	stream.indirect.gather [hbm4b:s4+s28], $0x20, s8, s28, $0xb8;
	[tilespmem:$0x13000] =	vst v63  }
0x76: {  	_ =	swait.ge [sflag:s31], $0x1000  }
0x77: {  	[sflag:s31] =	ssyncset.done $0x0  }
.Ltmp1:
0x78: {  	s8 =	sadd.s32 $0x300, s7;
	[sflag:s31] =	ssyncadd.s32 $0xFFFFF000;
	(pc) =	sbr.rel @p0 .LBB2_2-.Ltmp1, $4  }
0x79: {  	[tilespmem:s0], [sflag:$0x3] =	stream.indirect.gather [hbm4b:s4+s28], $0x20, s8, s28, $0xb8;
	[tilespmem:$0x13000] =	vst v63  }
0x7a: {  	_ =	swait.ge [sflag:s3], $0x1000  }
0x7b: {  	[sflag:s3] =	ssyncset.done $0x0  }
0x7c: {  	s7 =	sadd.s32 $0x380, s7;
	[sflag:s3] =	ssyncadd.s32 $0xFFFFF000  }
.LBB2_3:
0x7d: {  	[tilespmem:s18], [sflag:$0x4] =	stream.indirect.gather [hbm4b:s4+s28], $0x20, s7, s28, $0xb8;
	[tilespmem:$0x13000] =	vst v63  }
0x7e: {  	_ =	swait.ge [sflag:s23], $0x1000  }
0x7f: {  	[sflag:s23] =	ssyncset.done $0x0  }
0x80: {  	[sflag:s23] =	ssyncadd.s32 $0xFFFFF000  }
0x81: {  	[spmem:s1] =	stream.indirect.scatter.add.f32 [tilespmem:s29], [sflag:$0x5], $0x20, s11, s28, $0xb8;
	[tilespmem:$0x13000] =	vst v63  }
0x82: {  	_ =	swait.ge [sflag:s24], $0x1000  }
0x83: {  	[sflag:s24] =	ssyncset.done $0x0  }
0x84: {  	[sflag:s24] =	ssyncadd.s32 $0xFFFFF000  }
0x85: {  	[spmem:s1] =	stream.indirect.scatter.add.f32 [tilespmem:s30], [sflag:$0x6], $0x20, s12, s28, $0xb8;
	[tilespmem:$0x13000] =	vst v63  }
0x86: {  	_ =	swait.ge [sflag:s25], $0x1000  }
0x87: {  	[sflag:s25] =	ssyncset.done $0x0  }
0x88: {  	[sflag:s25] =	ssyncadd.s32 $0xFFFFF000  }
0x89: {  	[spmem:s1] =	stream.indirect.scatter.add.f32 [tilespmem:s0], [sflag:$0x7], $0x20, s13, s28, $0xb8;
	[tilespmem:$0x13000] =	vst v63  }
0x8a: {  	_ =	swait.ge [sflag:s26], $0x1000  }
0x8b: {  	[sflag:s26] =	ssyncset.done $0x0  }
0x8c: {  	[sflag:s26] =	ssyncadd.s32 $0xFFFFF000  }
0x8d: {  	[spmem:s1] =	stream.indirect.scatter.add.f32 [tilespmem:s18], [sflag:$0x8], $0x20, s14, s28, $0xb8;
	[tilespmem:$0x13000] =	vst v63  }
0x8e: {  	_ =	swait.ge [sflag:s19], $0x1000  }
0x8f: {  	[sflag:s19] =	ssyncset.done $0x0  }
0x90: {  	[sflag:s19] =	ssyncadd.s32 $0xFFFFF000  }
0x91: {  	_ =	swait.ge [sflag:s20], $0x1000  }
0x92: {  	[sflag:s20] =	ssyncset.done $0x0  }
0x93: {  	[sflag:s20] =	ssyncadd.s32 $0xFFFFF000  }
0x94: {  	_ =	swait.ge [sflag:s31], $0x1000  }
0x95: {  	[sflag:s31] =	ssyncset.done $0x0  }
0x96: {  	[sflag:s31] =	ssyncadd.s32 $0xFFFFF000  }
0x97: {  	_ =	swait.ge [sflag:s3], $0x1000  }
0x98: {  	[sflag:s3] =	ssyncset.done $0x0  }
0x99: {  	[sflag:s3] =	ssyncadd.s32 $0xFFFFF000  }
0x9a: {  	[bflag:$0x0] =	sbarrier.arrive $0xFFFF  }
0x9b: {  	[tilespmem:s21], [sflag:$0x9] =	stream.linear.gather [spmem:s10], $0x5000, $0x38;
	[tilespmem:$0x13000] =	vst v63  }
0x9c: {  	s5 =	sadd.s32 $0x1, s5;
	_ =	swait.ge [sflag:s22], $0x5000  }
0x9d: {  	p0 =	sne.s32 s5, s16;
	[sflag:s22] =	ssyncset.done $0x0  }
.Ltmp2:
0x9e: {  	[sflag:s22] =	ssyncadd.s32 $0xFFFFB000;
	(pc) =	sbr.rel @p0 .LBB2_1-.Ltmp2, $4  }
0x9f: {  	[hbm4b:s15+s2] =	stream.linear.scatter [tilespmem:s21], [sflag:$0x9], $0x5000, $0x38;
	[tilespmem:$0x13000] =	vst v63  }
0xa0: {  	_ =	swait.ge [sflag:s22], $0x5000  }
0xa1: {  	[sflag:s22] =	ssyncset.done $0x0  }
0xa2: {  	[sflag:s22] =	ssyncadd.s32 $0xFFFFB000  }
0xa3: {  	_ =	sfence.sel $0x180000  }
0xa4: {  	[bflag:$0x0] =	sbarrier.arrive $0xFFFF  }
0xa5: {  	_ =	strace $0x90000047  }
0xa6: {  	s0 =	stileid.u32;
	[bflag:$0x2] =	sbarrier.arrive $0xFFFF  }
0xa7: {  	p0 =	sne.s32 s0, $0x0;
	s0 =	rddreg [dreg:$0x2]  }
0xa8: {  	s0 =	sadd.s32 @!p0 $0x100000, s0  }
0xa9: {  	[sflag:s0] =	ssyncadd.tile.s32 @!p0 $0x1;
	_ =	shalt  }
.Lfunc_end2:
_tile_overlayer_lowered:
.L_overlay_start_2:
0xaa: {  	(tag) =	ssettag $0x2  }
0xab: {  	s0 =	rddreg [dreg:$0x0];
	s2 =	stileid.u32  }
0xac: {  	s1 =	rddreg [dreg:$0x1];
	p0 =	sne.s32 s2, $0x0  }
0xad: {  	s3 =	rddreg [dreg:$0x2];
	[bflag:$0x3] =	sbarrier.arrive $0xFFFF;
	s2 =	simm.s32 @!p0 $0x1C09  }
0xae: {  	[timem:s3], [sflag:s2] =	dma.local @!p0 [hbm:s0], s1  }
0xaf: {  	s0 =	simm.s32 @!p0 $0x9  }
0xb0: {  	_ =	swait.ge @!p0 [sflag:s0], s1  }
0xb1: {  	s1 =	ssub.s32 @!p0 $0x0, s1;
	[sflag:s0] =	ssyncset.done @!p0 $0x0  }
0xb2: {  	[sflag:s0] =	ssyncadd.s32 @!p0 s1  }
0xb3: {  	[bflag:$0x3] =	sbarrier.arrive $0xFFFF  }
0xb4: {  	_ =	shalt  }

</sc_bundles>
